<compile_context>
chip_gen: v7x
topology: tpu7x:2x2x1
jax: 0.10.2.dev20260603
libtpu: 0.0.44.dev20260713+nightly
codegen_flags: <defaults>
</compile_context>

<pallas_src>
import jax
import jax.numpy as jnp
from jax import lax
from jax.experimental import pallas as pl
from jax.experimental.pallas import tpu as pltpu
from jax.experimental.pallas import tpu_sc as plsc

_N_TOKENS = 32768
_TAB_ROWS = 4096
_WIDTHS = (16, 24, 24)
_COS_OFF = (0, 16, 40)
_SIN_OFF = (64, 80, 104)
_OUT_D = 128

_NUM_WORKERS = 32
_TOK_PER_W = _N_TOKENS // _NUM_WORKERS
_CHUNK = 128
_CHUNKS_PER_W = _TOK_PER_W // _CHUNK
_STAGE_ROWS = _TAB_ROWS // 16


def _body(ids_hbm, cos_0, sin_0, cos_1, sin_1, cos_2, sin_2, out_hbm,
          idx_v, bufs0, bufs1, bufs2, stabs, gsem, ssem):
    tabs_hbm = (cos_0, sin_0, cos_1, sin_1, cos_2, sin_2)
    offs = (_COS_OFF[0], _SIN_OFF[0], _COS_OFF[1], _SIN_OFF[1],
            _COS_OFF[2], _SIN_OFF[2])
    axes = (0, 0, 1, 1, 2, 2)
    wids = (16, 16, 24, 24, 24, 24)
    buf_sets = (bufs0, bufs1, bufs2)

    c = lax.axis_index("c")
    s = lax.axis_index("s")
    wid = s * 2 + c
    base = wid * _TOK_PER_W

    rs = s * _STAGE_ROWS
    for t in range(6):
        pltpu.async_copy(tabs_hbm[t].at[pl.ds(rs, _STAGE_ROWS), :],
                         stabs[t].at[pl.ds(rs, _STAGE_ROWS), :], gsem)
    pltpu.sync_copy(ids_hbm.at[:, pl.ds(wid * _CHUNKS_PER_W, _CHUNKS_PER_W), :],
                    idx_v)
    for t in range(6):
        pltpu.make_async_copy(tabs_hbm[t].at[pl.ds(rs, _STAGE_ROWS), :],
                              stabs[t].at[pl.ds(rs, _STAGE_ROWS), :],
                              gsem).wait()
    plsc.subcore_barrier()

    def gathers(j, bset):
        for t in range(6):
            pltpu.async_copy(stabs[t].at[idx_v.at[axes[t], j]], bset[t], gsem)

    def wait_gathers(j, bset):
        for t in range(6):
            pltpu.make_async_copy(stabs[t].at[idx_v.at[axes[t], j]],
                                  bset[t], gsem).wait()

    def out_slice(j, t):
        return out_hbm.at[pl.ds(base + j * _CHUNK, _CHUNK),
                          pl.ds(offs[t], wids[t])]

    def scatters(j, bset):
        for t in range(6):
            pltpu.async_copy(bset[t], out_slice(j, t), ssem)

    def wait_scatters(j, bset):
        for t in range(6):
            pltpu.make_async_copy(bset[t], out_slice(j, t), ssem).wait()

    gathers(0, buf_sets[0])
    gathers(1, buf_sets[1])
    for j in range(_CHUNKS_PER_W):
        bset = buf_sets[j % 3]
        if j + 2 < _CHUNKS_PER_W:
            if j >= 1:
                wait_scatters(j - 1, buf_sets[(j + 2) % 3])
            gathers(j + 2, buf_sets[(j + 2) % 3])
        wait_gathers(j, bset)
        scatters(j, bset)
    for j in (_CHUNKS_PER_W - 3, _CHUNKS_PER_W - 2, _CHUNKS_PER_W - 1):
        wait_scatters(j, buf_sets[j % 3])


@jax.jit
def kernel(ids, cos_0, sin_0, cos_1, sin_1, cos_2, sin_2):
    ids_r = jnp.transpose(ids.astype(jnp.int32)).reshape(
        3, _N_TOKENS // _CHUNK, _CHUNK)

    mesh = plsc.VectorSubcoreMesh(core_axis_name="c", subcore_axis_name="s")
    run = pl.kernel(
        _body,
        out_type=jax.ShapeDtypeStruct((_N_TOKENS, _OUT_D), jnp.float32),
        mesh=mesh,
        scratch_types=[
            pltpu.VMEM((3, _CHUNKS_PER_W, _CHUNK), jnp.int32),
            tuple(pltpu.VMEM((_CHUNK, w), jnp.float32)
                  for w in (16, 16, 24, 24, 24, 24)),
            tuple(pltpu.VMEM((_CHUNK, w), jnp.float32)
                  for w in (16, 16, 24, 24, 24, 24)),
            tuple(pltpu.VMEM((_CHUNK, w), jnp.float32)
                  for w in (16, 16, 24, 24, 24, 24)),
            tuple(pltpu.VMEM_SHARED((_TAB_ROWS, w), jnp.float32)
                  for w in (16, 16, 24, 24, 24, 24)),
            pltpu.SemaphoreType.DMA,
            pltpu.SemaphoreType.DMA,
        ],
        compiler_params=pltpu.CompilerParams(use_tc_tiling_on_sc=False),
    )
    return run(ids_r, cos_0, sin_0, cos_1, sin_1, cos_2, sin_2)

# --- scband reference (transcript-rebuilt; emitter-appended) ---
"""Pipeline reference for scband-real-rope-embedder-25142738550930 (READ-ONLY COPY).

The authoritative reference and input builder live on the scoring server;
editing this copy changes nothing except your own understanding.
"""

import jax, jax.numpy as jnp
import numpy as np

THETA = 10000.0
AXES_DIMS = [32, 48, 48]
AXES_LENS = [4096, 4096, 4096]
N_TOKENS = 32768


def _make_tables():
    tables = {}
    for i, (d, e) in enumerate(zip(AXES_DIMS, AXES_LENS)):
        freqs = 1.0 / THETA ** (np.arange(0, d, 2, dtype=np.float64) / d)
        timestep = np.arange(e, dtype=np.float64)
        f = np.outer(timestep, freqs).astype(np.float32)
        tables[f'cos_{i}'] = jnp.asarray(np.cos(f.astype(np.float64)).astype(np.float32))
        tables[f'sin_{i}'] = jnp.asarray(np.sin(f.astype(np.float64)).astype(np.float32))
    return tables


def setup_inputs(seed: int = 0) -> dict:
    key = jax.random.key(seed)
    ids = jax.random.randint(key, (N_TOKENS, len(AXES_DIMS)), 0, min(AXES_LENS))
    inp = {'ids': ids}
    inp.update(_make_tables())
    return inp


def reference(ids, cos_0, sin_0, cos_1, sin_1, cos_2, sin_2):
    cos_tabs = [cos_0, cos_1, cos_2]
    sin_tabs = [sin_0, sin_1, sin_2]
    cos_parts = []
    sin_parts = []
    for i in range(len(AXES_DIMS)):
        cos_parts.append(jnp.take(cos_tabs[i], ids[:, i], axis=0))
        sin_parts.append(jnp.take(sin_tabs[i], ids[:, i], axis=0))
    return jnp.concatenate(cos_parts + sin_parts, axis=-1)

if __name__ == "__main__":
    import jax
    _d = setup_inputs()
    print(jax.jit(kernel)(*tuple(_d.values())))

</pallas_src>

<mosaic_0001>
#map = affine_map<(d0, d1) -> (0, 0, 0)>
#map1 = affine_map<(d0, d1) -> (0, 0)>
module attributes {stable_mosaic.version = 14 : i64} {
  func.func @_body(%arg0: i32, %arg1: i32, %arg2: memref<3x256x128xi32, #tpu.memory_space<hbm>>, %arg3: memref<4096x16xf32, #tpu.memory_space<hbm>>, %arg4: memref<4096x16xf32, #tpu.memory_space<hbm>>, %arg5: memref<4096x24xf32, #tpu.memory_space<hbm>>, %arg6: memref<4096x24xf32, #tpu.memory_space<hbm>>, %arg7: memref<4096x24xf32, #tpu.memory_space<hbm>>, %arg8: memref<4096x24xf32, #tpu.memory_space<hbm>>, %arg9: memref<32768x128xf32, #tpu.memory_space<hbm>>, %arg10: memref<3x8x128xi32, #tpu.memory_space<vmem>>, %arg11: memref<128x16xf32, #tpu.memory_space<vmem>>, %arg12: memref<128x16xf32, #tpu.memory_space<vmem>>, %arg13: memref<128x24xf32, #tpu.memory_space<vmem>>, %arg14: memref<128x24xf32, #tpu.memory_space<vmem>>, %arg15: memref<128x24xf32, #tpu.memory_space<vmem>>, %arg16: memref<128x24xf32, #tpu.memory_space<vmem>>, %arg17: memref<128x16xf32, #tpu.memory_space<vmem>>, %arg18: memref<128x16xf32, #tpu.memory_space<vmem>>, %arg19: memref<128x24xf32, #tpu.memory_space<vmem>>, %arg20: memref<128x24xf32, #tpu.memory_space<vmem>>, %arg21: memref<128x24xf32, #tpu.memory_space<vmem>>, %arg22: memref<128x24xf32, #tpu.memory_space<vmem>>, %arg23: memref<128x16xf32, #tpu.memory_space<vmem>>, %arg24: memref<128x16xf32, #tpu.memory_space<vmem>>, %arg25: memref<128x24xf32, #tpu.memory_space<vmem>>, %arg26: memref<128x24xf32, #tpu.memory_space<vmem>>, %arg27: memref<128x24xf32, #tpu.memory_space<vmem>>, %arg28: memref<128x24xf32, #tpu.memory_space<vmem>>, %arg29: memref<4096x16xf32, #tpu.memory_space<vmem_shared>>, %arg30: memref<4096x16xf32, #tpu.memory_space<vmem_shared>>, %arg31: memref<4096x24xf32, #tpu.memory_space<vmem_shared>>, %arg32: memref<4096x24xf32, #tpu.memory_space<vmem_shared>>, %arg33: memref<4096x24xf32, #tpu.memory_space<vmem_shared>>, %arg34: memref<4096x24xf32, #tpu.memory_space<vmem_shared>>, %arg35: memref<!tpu.dma_semaphore, #tpu.memory_space<semaphore_mem>>, %arg36: memref<!tpu.dma_semaphore, #tpu.memory_space<semaphore_mem>>) attributes {dimension_semantics = [#tpu.dimension_semantics<core_parallel>, #tpu.dimension_semantics<subcore_parallel>], iteration_bounds = array<i64: 2, 16>, scalar_prefetch = 0 : i64, scratch_operands = 27 : i64, tpu.core_type = #tpu.core_type<sc_vector_subcore>, window_params = [{transform_indices = #map}, {transform_indices = #map1}, {transform_indices = #map1}, {transform_indices = #map1}, {transform_indices = #map1}, {transform_indices = #map1}, {transform_indices = #map1}, {transform_indices = #map1}]} {
    %mul3A = arith.constant 2 : i32
    %mul3A_0 = arith.muli %arg1, %mul3A : i32
    %add3A = arith.addi %mul3A_0, %arg0 : i32
    %mul3A_1 = arith.constant 1024 : i32
    %mul3A_2 = arith.muli %add3A, %mul3A_1 : i32
    %mul3A_3 = arith.constant 256 : i32
    %mul3A_4 = arith.muli %arg1, %mul3A_3 : i32
    %dma_start3A = arith.constant 0 : i32
    %dma_start3A_5 = tpu.memref_slice %arg29[%mul3A_4, %dma_start3A] : memref<4096x16xf32, #tpu.memory_space<vmem_shared>> -> memref<256x16xf32, #tpu.memory_space<vmem_shared>>
    %dma_start3A_6 = arith.constant 0 : i32
    %dma_start3A_7 = tpu.memref_slice %arg3[%mul3A_4, %dma_start3A_6] : memref<4096x16xf32, #tpu.memory_space<hbm>> -> memref<256x16xf32, #tpu.memory_space<hbm>>
    tpu.enqueue_dma source(%dma_start3A_7 : memref<256x16xf32, #tpu.memory_space<hbm>>) target(%dma_start3A_5 : memref<256x16xf32, #tpu.memory_space<vmem_shared>>) target_semaphore(%arg35 : memref<!tpu.dma_semaphore, #tpu.memory_space<semaphore_mem>>)
    %dma_start3A_8 = arith.constant 0 : i32
    %dma_start3A_9 = tpu.memref_slice %arg30[%mul3A_4, %dma_start3A_8] : memref<4096x16xf32, #tpu.memory_space<vmem_shared>> -> memref<256x16xf32, #tpu.memory_space<vmem_shared>>
    %dma_start3A_10 = arith.constant 0 : i32
    %dma_start3A_11 = tpu.memref_slice %arg4[%mul3A_4, %dma_start3A_10] : memref<4096x16xf32, #tpu.memory_space<hbm>> -> memref<256x16xf32, #tpu.memory_space<hbm>>
    tpu.enqueue_dma source(%dma_start3A_11 : memref<256x16xf32, #tpu.memory_space<hbm>>) target(%dma_start3A_9 : memref<256x16xf32, #tpu.memory_space<vmem_shared>>) target_semaphore(%arg35 : memref<!tpu.dma_semaphore, #tpu.memory_space<semaphore_mem>>)
    %dma_start3A_12 = arith.constant 0 : i32
    %dma_start3A_13 = tpu.memref_slice %arg31[%mul3A_4, %dma_start3A_12] : memref<4096x24xf32, #tpu.memory_space<vmem_shared>> -> memref<256x24xf32, #tpu.memory_space<vmem_shared>>
    %dma_start3A_14 = arith.constant 0 : i32
    %dma_start3A_15 = tpu.memref_slice %arg5[%mul3A_4, %dma_start3A_14] : memref<4096x24xf32, #tpu.memory_space<hbm>> -> memref<256x24xf32, #tpu.memory_space<hbm>>
    tpu.enqueue_dma source(%dma_start3A_15 : memref<256x24xf32, #tpu.memory_space<hbm>>) target(%dma_start3A_13 : memref<256x24xf32, #tpu.memory_space<vmem_shared>>) target_semaphore(%arg35 : memref<!tpu.dma_semaphore, #tpu.memory_space<semaphore_mem>>)
    %dma_start3A_16 = arith.constant 0 : i32
    %dma_start3A_17 = tpu.memref_slice %arg32[%mul3A_4, %dma_start3A_16] : memref<4096x24xf32, #tpu.memory_space<vmem_shared>> -> memref<256x24xf32, #tpu.memory_space<vmem_shared>>
    %dma_start3A_18 = arith.constant 0 : i32
    %dma_start3A_19 = tpu.memref_slice %arg6[%mul3A_4, %dma_start3A_18] : memref<4096x24xf32, #tpu.memory_space<hbm>> -> memref<256x24xf32, #tpu.memory_space<hbm>>
    tpu.enqueue_dma source(%dma_start3A_19 : memref<256x24xf32, #tpu.memory_space<hbm>>) target(%dma_start3A_17 : memref<256x24xf32, #tpu.memory_space<vmem_shared>>) target_semaphore(%arg35 : memref<!tpu.dma_semaphore, #tpu.memory_space<semaphore_mem>>)
    %dma_start3A_20 = arith.constant 0 : i32
    %dma_start3A_21 = tpu.memref_slice %arg33[%mul3A_4, %dma_start3A_20] : memref<4096x24xf32, #tpu.memory_space<vmem_shared>> -> memref<256x24xf32, #tpu.memory_space<vmem_shared>>
    %dma_start3A_22 = arith.constant 0 : i32
    %dma_start3A_23 = tpu.memref_slice %arg7[%mul3A_4, %dma_start3A_22] : memref<4096x24xf32, #tpu.memory_space<hbm>> -> memref<256x24xf32, #tpu.memory_space<hbm>>
    tpu.enqueue_dma source(%dma_start3A_23 : memref<256x24xf32, #tpu.memory_space<hbm>>) target(%dma_start3A_21 : memref<256x24xf32, #tpu.memory_space<vmem_shared>>) target_semaphore(%arg35 : memref<!tpu.dma_semaphore, #tpu.memory_space<semaphore_mem>>)
    %dma_start3A_24 = arith.constant 0 : i32
    %dma_start3A_25 = tpu.memref_slice %arg34[%mul3A_4, %dma_start3A_24] : memref<4096x24xf32, #tpu.memory_space<vmem_shared>> -> memref<256x24xf32, #tpu.memory_space<vmem_shared>>
    %dma_start3A_26 = arith.constant 0 : i32
    %dma_start3A_27 = tpu.memref_slice %arg8[%mul3A_4, %dma_start3A_26] : memref<4096x24xf32, #tpu.memory_space<hbm>> -> memref<256x24xf32, #tpu.memory_space<hbm>>
    tpu.enqueue_dma source(%dma_start3A_27 : memref<256x24xf32, #tpu.memory_space<hbm>>) target(%dma_start3A_25 : memref<256x24xf32, #tpu.memory_space<vmem_shared>>) target_semaphore(%arg35 : memref<!tpu.dma_semaphore, #tpu.memory_space<semaphore_mem>>)
    %mul3A_28 = arith.constant 8 : i32
    %mul3A_29 = arith.muli %add3A, %mul3A_28 : i32
    "tpu.region"() ({
      %run_scoped3A = tpu.sem_alloc : memref<!tpu.dma_semaphore, #tpu.memory_space<semaphore_mem>>
      %dma_start3A_1397 = arith.constant 0 : i32
      %dma_start3A_1398 = arith.constant 0 : i32
      %dma_start3A_1399 = tpu.memref_slice %arg2[%dma_start3A_1397, %mul3A_29, %dma_start3A_1398] : memref<3x256x128xi32, #tpu.memory_space<hbm>> -> memref<3x8x128xi32, #tpu.memory_space<hbm>>
      %dma_start3A_1400 = arith.constant 0 : i32
      %dma_start3A_1401 = arith.constant 0 : i32
      %dma_start3A_1402 = tpu.memref_slice %arg2[%dma_start3A_1400, %mul3A_29, %dma_start3A_1401] : memref<3x256x128xi32, #tpu.memory_space<hbm>> -> memref<3x8x128xi32, #tpu.memory_space<hbm>>
      tpu.enqueue_dma source(%dma_start3A_1402 : memref<3x8x128xi32, #tpu.memory_space<hbm>>) target(%arg10 : memref<3x8x128xi32, #tpu.memory_space<vmem>>) target_semaphore(%run_scoped3A : memref<!tpu.dma_semaphore, #tpu.memory_space<semaphore_mem>>)
      %dma_wait3A_1403 = arith.constant 0 : i32
      %dma_wait3A_1404 = arith.constant 0 : i32
      %dma_wait3A_1405 = tpu.memref_slice %arg2[%dma_wait3A_1403, %mul3A_29, %dma_wait3A_1404] : memref<3x256x128xi32, #tpu.memory_space<hbm>> -> memref<3x8x128xi32, #tpu.memory_space<hbm>>
      %dma_wait3A_1406 = arith.constant 0 : i32
      %dma_wait3A_1407 = arith.constant 0 : i32
      %dma_wait3A_1408 = tpu.memref_slice %arg2[%dma_wait3A_1406, %mul3A_29, %dma_wait3A_1407] : memref<3x256x128xi32, #tpu.memory_space<hbm>> -> memref<3x8x128xi32, #tpu.memory_space<hbm>>
      tpu.wait_dma2 semaphore(%run_scoped3A : memref<!tpu.dma_semaphore, #tpu.memory_space<semaphore_mem>>) src(%dma_wait3A_1408 : memref<3x8x128xi32, #tpu.memory_space<hbm>>) dst(%arg10 : memref<3x8x128xi32, #tpu.memory_space<vmem>>)
      tpu.yield
    }) : () -> ()
    %dma_wait3A = arith.constant 0 : i32
    %dma_wait3A_30 = tpu.memref_slice %arg29[%mul3A_4, %dma_wait3A] : memref<4096x16xf32, #tpu.memory_space<vmem_shared>> -> memref<256x16xf32, #tpu.memory_space<vmem_shared>>
    %dma_wait3A_31 = arith.constant 0 : i32
    %dma_wait3A_32 = tpu.memref_slice %arg3[%mul3A_4, %dma_wait3A_31] : memref<4096x16xf32, #tpu.memory_space<hbm>> -> memref<256x16xf32, #tpu.memory_space<hbm>>
    tpu.wait_dma2 semaphore(%arg35 : memref<!tpu.dma_semaphore, #tpu.memory_space<semaphore_mem>>) src(%dma_wait3A_32 : memref<256x16xf32, #tpu.memory_space<hbm>>) dst(%dma_wait3A_30 : memref<256x16xf32, #tpu.memory_space<vmem_shared>>)
    %dma_wait3A_33 = arith.constant 0 : i32
    %dma_wait3A_34 = tpu.memref_slice %arg30[%mul3A_4, %dma_wait3A_33] : memref<4096x16xf32, #tpu.memory_space<vmem_shared>> -> memref<256x16xf32, #tpu.memory_space<vmem_shared>>
    %dma_wait3A_35 = arith.constant 0 : i32
    %dma_wait3A_36 = tpu.memref_slice %arg4[%mul3A_4, %dma_wait3A_35] : memref<4096x16xf32, #tpu.memory_space<hbm>> -> memref<256x16xf32, #tpu.memory_space<hbm>>
    tpu.wait_dma2 semaphore(%arg35 : memref<!tpu.dma_semaphore, #tpu.memory_space<semaphore_mem>>) src(%dma_wait3A_36 : memref<256x16xf32, #tpu.memory_space<hbm>>) dst(%dma_wait3A_34 : memref<256x16xf32, #tpu.memory_space<vmem_shared>>)
    %dma_wait3A_37 = arith.constant 0 : i32
    %dma_wait3A_38 = tpu.memref_slice %arg31[%mul3A_4, %dma_wait3A_37] : memref<4096x24xf32, #tpu.memory_space<vmem_shared>> -> memref<256x24xf32, #tpu.memory_space<vmem_shared>>
    %dma_wait3A_39 = arith.constant 0 : i32
    %dma_wait3A_40 = tpu.memref_slice %arg5[%mul3A_4, %dma_wait3A_39] : memref<4096x24xf32, #tpu.memory_space<hbm>> -> memref<256x24xf32, #tpu.memory_space<hbm>>
    tpu.wait_dma2 semaphore(%arg35 : memref<!tpu.dma_semaphore, #tpu.memory_space<semaphore_mem>>) src(%dma_wait3A_40 : memref<256x24xf32, #tpu.memory_space<hbm>>) dst(%dma_wait3A_38 : memref<256x24xf32, #tpu.memory_space<vmem_shared>>)
    %dma_wait3A_41 = arith.constant 0 : i32
    %dma_wait3A_42 = tpu.memref_slice %arg32[%mul3A_4, %dma_wait3A_41] : memref<4096x24xf32, #tpu.memory_space<vmem_shared>> -> memref<256x24xf32, #tpu.memory_space<vmem_shared>>
    %dma_wait3A_43 = arith.constant 0 : i32
    %dma_wait3A_44 = tpu.memref_slice %arg6[%mul3A_4, %dma_wait3A_43] : memref<4096x24xf32, #tpu.memory_space<hbm>> -> memref<256x24xf32, #tpu.memory_space<hbm>>
    tpu.wait_dma2 semaphore(%arg35 : memref<!tpu.dma_semaphore, #tpu.memory_space<semaphore_mem>>) src(%dma_wait3A_44 : memref<256x24xf32, #tpu.memory_space<hbm>>) dst(%dma_wait3A_42 : memref<256x24xf32, #tpu.memory_space<vmem_shared>>)
    %dma_wait3A_45 = arith.constant 0 : i32
    %dma_wait3A_46 = tpu.memref_slice %arg33[%mul3A_4, %dma_wait3A_45] : memref<4096x24xf32, #tpu.memory_space<vmem_shared>> -> memref<256x24xf32, #tpu.memory_space<vmem_shared>>
    %dma_wait3A_47 = arith.constant 0 : i32
    %dma_wait3A_48 = tpu.memref_slice %arg7[%mul3A_4, %dma_wait3A_47] : memref<4096x24xf32, #tpu.memory_space<hbm>> -> memref<256x24xf32, #tpu.memory_space<hbm>>
    tpu.wait_dma2 semaphore(%arg35 : memref<!tpu.dma_semaphore, #tpu.memory_space<semaphore_mem>>) src(%dma_wait3A_48 : memref<256x24xf32, #tpu.memory_space<hbm>>) dst(%dma_wait3A_46 : memref<256x24xf32, #tpu.memory_space<vmem_shared>>)
    %dma_wait3A_49 = arith.constant 0 : i32
    %dma_wait3A_50 = tpu.memref_slice %arg34[%mul3A_4, %dma_wait3A_49] : memref<4096x24xf32, #tpu.memory_space<vmem_shared>> -> memref<256x24xf32, #tpu.memory_space<vmem_shared>>
    %dma_wait3A_51 = arith.constant 0 : i32
    %dma_wait3A_52 = tpu.memref_slice %arg8[%mul3A_4, %dma_wait3A_51] : memref<4096x24xf32, #tpu.memory_space<hbm>> -> memref<256x24xf32, #tpu.memory_space<hbm>>
    tpu.wait_dma2 semaphore(%arg35 : memref<!tpu.dma_semaphore, #tpu.memory_space<semaphore_mem>>) src(%dma_wait3A_52 : memref<256x24xf32, #tpu.memory_space<hbm>>) dst(%dma_wait3A_50 : memref<256x24xf32, #tpu.memory_space<vmem_shared>>)
    %barrier3A = arith.constant 0 : index
    tpu.barrier barrier_id(%barrier3A)
    %dma_start3A_53 = arith.constant 0 : i32
    %dma_start3A_54 = arith.constant 0 : i32
    %dma_start3A_55 = arith.constant 0 : i32
    %dma_start3A_56 = tpu.memref_slice %arg10[%dma_start3A_53, %dma_start3A_54, %dma_start3A_55] : memref<3x8x128xi32, #tpu.memory_space<vmem>> -> memref<1x1x128xi32, #tpu.memory_space<vmem>>
    %dma_start3A_57 = tpu.memref_squeeze %dma_start3A_56 : memref<1x1x128xi32, #tpu.memory_space<vmem>> -> memref<128xi32, #tpu.memory_space<vmem>>
    %dma_start3A_58 = arith.constant 0 : i32
    %dma_start3A_59 = arith.constant 0 : i32
    %dma_start3A_60 = tpu.memref_slice %arg29[%dma_start3A_58, %dma_start3A_59] : memref<4096x16xf32, #tpu.memory_space<vmem_shared>> -> memref<4096x16xf32, #tpu.memory_space<vmem_shared>>
    tpu.enqueue_indirect_dma source(%dma_start3A_60 : memref<4096x16xf32, #tpu.memory_space<vmem_shared>>) target(%arg11 : memref<128x16xf32, #tpu.memory_space<vmem>>) offsets(%dma_start3A_57 : memref<128xi32, #tpu.memory_space<vmem>>) semaphore(%arg35 : memref<!tpu.dma_semaphore, #tpu.memory_space<semaphore_mem>>)
    %dma_start3A_61 = arith.constant 0 : i32
    %dma_start3A_62 = arith.constant 0 : i32
    %dma_start3A_63 = arith.constant 0 : i32
    %dma_start3A_64 = tpu.memref_slice %arg10[%dma_start3A_61, %dma_start3A_62, %dma_start3A_63] : memref<3x8x128xi32, #tpu.memory_space<vmem>> -> memref<1x1x128xi32, #tpu.memory_space<vmem>>
    %dma_start3A_65 = tpu.memref_squeeze %dma_start3A_64 : memref<1x1x128xi32, #tpu.memory_space<vmem>> -> memref<128xi32, #tpu.memory_space<vmem>>
    %dma_start3A_66 = arith.constant 0 : i32
    %dma_start3A_67 = arith.constant 0 : i32
    %dma_start3A_68 = tpu.memref_slice %arg30[%dma_start3A_66, %dma_start3A_67] : memref<4096x16xf32, #tpu.memory_space<vmem_shared>> -> memref<4096x16xf32, #tpu.memory_space<vmem_shared>>
    tpu.enqueue_indirect_dma source(%dma_start3A_68 : memref<4096x16xf32, #tpu.memory_space<vmem_shared>>) target(%arg12 : memref<128x16xf32, #tpu.memory_space<vmem>>) offsets(%dma_start3A_65 : memref<128xi32, #tpu.memory_space<vmem>>) semaphore(%arg35 : memref<!tpu.dma_semaphore, #tpu.memory_space<semaphore_mem>>)
    %dma_start3A_69 = arith.constant 1 : i32
    %dma_start3A_70 = arith.constant 0 : i32
    %dma_start3A_71 = arith.constant 0 : i32
    %dma_start3A_72 = tpu.memref_slice %arg10[%dma_start3A_69, %dma_start3A_70, %dma_start3A_71] : memref<3x8x128xi32, #tpu.memory_space<vmem>> -> memref<1x1x128xi32, #tpu.memory_space<vmem>>
    %dma_start3A_73 = tpu.memref_squeeze %dma_start3A_72 : memref<1x1x128xi32, #tpu.memory_space<vmem>> -> memref<128xi32, #tpu.memory_space<vmem>>
    %dma_start3A_74 = arith.constant 0 : i32
    %dma_start3A_75 = arith.constant 0 : i32
    %dma_start3A_76 = tpu.memref_slice %arg31[%dma_start3A_74, %dma_start3A_75] : memref<4096x24xf32, #tpu.memory_space<vmem_shared>> -> memref<4096x24xf32, #tpu.memory_space<vmem_shared>>
    tpu.enqueue_indirect_dma source(%dma_start3A_76 : memref<4096x24xf32, #tpu.memory_space<vmem_shared>>) target(%arg13 : memref<128x24xf32, #tpu.memory_space<vmem>>) offsets(%dma_start3A_73 : memref<128xi32, #tpu.memory_space<vmem>>) semaphore(%arg35 : memref<!tpu.dma_semaphore, #tpu.memory_space<semaphore_mem>>)
    %dma_start3A_77 = arith.constant 1 : i32
    %dma_start3A_78 = arith.constant 0 : i32
    %dma_start3A_79 = arith.constant 0 : i32
    %dma_start3A_80 = tpu.memref_slice %arg10[%dma_start3A_77, %dma_start3A_78, %dma_start3A_79] : memref<3x8x128xi32, #tpu.memory_space<vmem>> -> memref<1x1x128xi32, #tpu.memory_space<vmem>>
    %dma_start3A_81 = tpu.memref_squeeze %dma_start3A_80 : memref<1x1x128xi32, #tpu.memory_space<vmem>> -> memref<128xi32, #tpu.memory_space<vmem>>
    %dma_start3A_82 = arith.constant 0 : i32
    %dma_start3A_83 = arith.constant 0 : i32
    %dma_start3A_84 = tpu.memref_slice %arg32[%dma_start3A_82, %dma_start3A_83] : memref<4096x24xf32, #tpu.memory_space<vmem_shared>> -> memref<4096x24xf32, #tpu.memory_space<vmem_shared>>
    tpu.enqueue_indirect_dma source(%dma_start3A_84 : memref<4096x24xf32, #tpu.memory_space<vmem_shared>>) target(%arg14 : memref<128x24xf32, #tpu.memory_space<vmem>>) offsets(%dma_start3A_81 : memref<128xi32, #tpu.memory_space<vmem>>) semaphore(%arg35 : memref<!tpu.dma_semaphore, #tpu.memory_space<semaphore_mem>>)
    %dma_start3A_85 = arith.constant 2 : i32
    %dma_start3A_86 = arith.constant 0 : i32
    %dma_start3A_87 = arith.constant 0 : i32
    %dma_start3A_88 = tpu.memref_slice %arg10[%dma_start3A_85, %dma_start3A_86, %dma_start3A_87] : memref<3x8x128xi32, #tpu.memory_space<vmem>> -> memref<1x1x128xi32, #tpu.memory_space<vmem>>
    %dma_start3A_89 = tpu.memref_squeeze %dma_start3A_88 : memref<1x1x128xi32, #tpu.memory_space<vmem>> -> memref<128xi32, #tpu.memory_space<vmem>>
    %dma_start3A_90 = arith.constant 0 : i32
    %dma_start3A_91 = arith.constant 0 : i32
    %dma_start3A_92 = tpu.memref_slice %arg33[%dma_start3A_90, %dma_start3A_91] : memref<4096x24xf32, #tpu.memory_space<vmem_shared>> -> memref<4096x24xf32, #tpu.memory_space<vmem_shared>>
    tpu.enqueue_indirect_dma source(%dma_start3A_92 : memref<4096x24xf32, #tpu.memory_space<vmem_shared>>) target(%arg15 : memref<128x24xf32, #tpu.memory_space<vmem>>) offsets(%dma_start3A_89 : memref<128xi32, #tpu.memory_space<vmem>>) semaphore(%arg35 : memref<!tpu.dma_semaphore, #tpu.memory_space<semaphore_mem>>)
    %dma_start3A_93 = arith.constant 2 : i32
    %dma_start3A_94 = arith.constant 0 : i32
    %dma_start3A_95 = arith.constant 0 : i32
    %dma_start3A_96 = tpu.memref_slice %arg10[%dma_start3A_93, %dma_start3A_94, %dma_start3A_95] : memref<3x8x128xi32, #tpu.memory_space<vmem>> -> memref<1x1x128xi32, #tpu.memory_space<vmem>>
    %dma_start3A_97 = tpu.memref_squeeze %dma_start3A_96 : memref<1x1x128xi32, #tpu.memory_space<vmem>> -> memref<128xi32, #tpu.memory_space<vmem>>
    %dma_start3A_98 = arith.constant 0 : i32
    %dma_start3A_99 = arith.constant 0 : i32
    %dma_start3A_100 = tpu.memref_slice %arg34[%dma_start3A_98, %dma_start3A_99] : memref<4096x24xf32, #tpu.memory_space<vmem_shared>> -> memref<4096x24xf32, #tpu.memory_space<vmem_shared>>
    tpu.enqueue_indirect_dma source(%dma_start3A_100 : memref<4096x24xf32, #tpu.memory_space<vmem_shared>>) target(%arg16 : memref<128x24xf32, #tpu.memory_space<vmem>>) offsets(%dma_start3A_97 : memref<128xi32, #tpu.memory_space<vmem>>) semaphore(%arg35 : memref<!tpu.dma_semaphore, #tpu.memory_space<semaphore_mem>>)
    %dma_start3A_101 = arith.constant 0 : i32
    %dma_start3A_102 = arith.constant 1 : i32
    %dma_start3A_103 = arith.constant 0 : i32
    %dma_start3A_104 = tpu.memref_slice %arg10[%dma_start3A_101, %dma_start3A_102, %dma_start3A_103] : memref<3x8x128xi32, #tpu.memory_space<vmem>> -> memref<1x1x128xi32, #tpu.memory_space<vmem>>
    %dma_start3A_105 = tpu.memref_squeeze %dma_start3A_104 : memref<1x1x128xi32, #tpu.memory_space<vmem>> -> memref<128xi32, #tpu.memory_space<vmem>>
    %dma_start3A_106 = arith.constant 0 : i32
    %dma_start3A_107 = arith.constant 0 : i32
    %dma_start3A_108 = tpu.memref_slice %arg29[%dma_start3A_106, %dma_start3A_107] : memref<4096x16xf32, #tpu.memory_space<vmem_shared>> -> memref<4096x16xf32, #tpu.memory_space<vmem_shared>>
    tpu.enqueue_indirect_dma source(%dma_start3A_108 : memref<4096x16xf32, #tpu.memory_space<vmem_shared>>) target(%arg17 : memref<128x16xf32, #tpu.memory_space<vmem>>) offsets(%dma_start3A_105 : memref<128xi32, #tpu.memory_space<vmem>>) semaphore(%arg35 : memref<!tpu.dma_semaphore, #tpu.memory_space<semaphore_mem>>)
    %dma_start3A_109 = arith.constant 0 : i32
    %dma_start3A_110 = arith.constant 1 : i32
    %dma_start3A_111 = arith.constant 0 : i32
    %dma_start3A_112 = tpu.memref_slice %arg10[%dma_start3A_109, %dma_start3A_110, %dma_start3A_111] : memref<3x8x128xi32, #tpu.memory_space<vmem>> -> memref<1x1x128xi32, #tpu.memory_space<vmem>>
    %dma_start3A_113 = tpu.memref_squeeze %dma_start3A_112 : memref<1x1x128xi32, #tpu.memory_space<vmem>> -> memref<128xi32, #tpu.memory_space<vmem>>
    %dma_start3A_114 = arith.constant 0 : i32
    %dma_start3A_115 = arith.constant 0 : i32
    %dma_start3A_116 = tpu.memref_slice %arg30[%dma_start3A_114, %dma_start3A_115] : memref<4096x16xf32, #tpu.memory_space<vmem_shared>> -> memref<4096x16xf32, #tpu.memory_space<vmem_shared>>
    tpu.enqueue_indirect_dma source(%dma_start3A_116 : memref<4096x16xf32, #tpu.memory_space<vmem_shared>>) target(%arg18 : memref<128x16xf32, #tpu.memory_space<vmem>>) offsets(%dma_start3A_113 : memref<128xi32, #tpu.memory_space<vmem>>) semaphore(%arg35 : memref<!tpu.dma_semaphore, #tpu.memory_space<semaphore_mem>>)
    %dma_start3A_117 = arith.constant 1 : i32
    %dma_start3A_118 = arith.constant 1 : i32
    %dma_start3A_119 = arith.constant 0 : i32
    %dma_start3A_120 = tpu.memref_slice %arg10[%dma_start3A_117, %dma_start3A_118, %dma_start3A_119] : memref<3x8x128xi32, #tpu.memory_space<vmem>> -> memref<1x1x128xi32, #tpu.memory_space<vmem>>
    %dma_start3A_121 = tpu.memref_squeeze %dma_start3A_120 : memref<1x1x128xi32, #tpu.memory_space<vmem>> -> memref<128xi32, #tpu.memory_space<vmem>>
    %dma_start3A_122 = arith.constant 0 : i32
    %dma_start3A_123 = arith.constant 0 : i32
    %dma_start3A_124 = tpu.memref_slice %arg31[%dma_start3A_122, %dma_start3A_123] : memref<4096x24xf32, #tpu.memory_space<vmem_shared>> -> memref<4096x24xf32, #tpu.memory_space<vmem_shared>>
    tpu.enqueue_indirect_dma source(%dma_start3A_124 : memref<4096x24xf32, #tpu.memory_space<vmem_shared>>) target(%arg19 : memref<128x24xf32, #tpu.memory_space<vmem>>) offsets(%dma_start3A_121 : memref<128xi32, #tpu.memory_space<vmem>>) semaphore(%arg35 : memref<!tpu.dma_semaphore, #tpu.memory_space<semaphore_mem>>)
    %dma_start3A_125 = arith.constant 1 : i32
    %dma_start3A_126 = arith.constant 1 : i32
    %dma_start3A_127 = arith.constant 0 : i32
    %dma_start3A_128 = tpu.memref_slice %arg10[%dma_start3A_125, %dma_start3A_126, %dma_start3A_127] : memref<3x8x128xi32, #tpu.memory_space<vmem>> -> memref<1x1x128xi32, #tpu.memory_space<vmem>>
    %dma_start3A_129 = tpu.memref_squeeze %dma_start3A_128 : memref<1x1x128xi32, #tpu.memory_space<vmem>> -> memref<128xi32, #tpu.memory_space<vmem>>
    %dma_start3A_130 = arith.constant 0 : i32
    %dma_start3A_131 = arith.constant 0 : i32
    %dma_start3A_132 = tpu.memref_slice %arg32[%dma_start3A_130, %dma_start3A_131] : memref<4096x24xf32, #tpu.memory_space<vmem_shared>> -> memref<4096x24xf32, #tpu.memory_space<vmem_shared>>
    tpu.enqueue_indirect_dma source(%dma_start3A_132 : memref<4096x24xf32, #tpu.memory_space<vmem_shared>>) target(%arg20 : memref<128x24xf32, #tpu.memory_space<vmem>>) offsets(%dma_start3A_129 : memref<128xi32, #tpu.memory_space<vmem>>) semaphore(%arg35 : memref<!tpu.dma_semaphore, #tpu.memory_space<semaphore_mem>>)
    %dma_start3A_133 = arith.constant 2 : i32
    %dma_start3A_134 = arith.constant 1 : i32
    %dma_start3A_135 = arith.constant 0 : i32
    %dma_start3A_136 = tpu.memref_slice %arg10[%dma_start3A_133, %dma_start3A_134, %dma_start3A_135] : memref<3x8x128xi32, #tpu.memory_space<vmem>> -> memref<1x1x128xi32, #tpu.memory_space<vmem>>
    %dma_start3A_137 = tpu.memref_squeeze %dma_start3A_136 : memref<1x1x128xi32, #tpu.memory_space<vmem>> -> memref<128xi32, #tpu.memory_space<vmem>>
    %dma_start3A_138 = arith.constant 0 : i32
    %dma_start3A_139 = arith.constant 0 : i32
    %dma_start3A_140 = tpu.memref_slice %arg33[%dma_start3A_138, %dma_start3A_139] : memref<4096x24xf32, #tpu.memory_space<vmem_shared>> -> memref<4096x24xf32, #tpu.memory_space<vmem_shared>>
    tpu.enqueue_indirect_dma source(%dma_start3A_140 : memref<4096x24xf32, #tpu.memory_space<vmem_shared>>) target(%arg21 : memref<128x24xf32, #tpu.memory_space<vmem>>) offsets(%dma_start3A_137 : memref<128xi32, #tpu.memory_space<vmem>>) semaphore(%arg35 : memref<!tpu.dma_semaphore, #tpu.memory_space<semaphore_mem>>)
    %dma_start3A_141 = arith.constant 2 : i32
    %dma_start3A_142 = arith.constant 1 : i32
    %dma_start3A_143 = arith.constant 0 : i32
    %dma_start3A_144 = tpu.memref_slice %arg10[%dma_start3A_141, %dma_start3A_142, %dma_start3A_143] : memref<3x8x128xi32, #tpu.memory_space<vmem>> -> memref<1x1x128xi32, #tpu.memory_space<vmem>>
    %dma_start3A_145 = tpu.memref_squeeze %dma_start3A_144 : memref<1x1x128xi32, #tpu.memory_space<vmem>> -> memref<128xi32, #tpu.memory_space<vmem>>
    %dma_start3A_146 = arith.constant 0 : i32
    %dma_start3A_147 = arith.constant 0 : i32
    %dma_start3A_148 = tpu.memref_slice %arg34[%dma_start3A_146, %dma_start3A_147] : memref<4096x24xf32, #tpu.memory_space<vmem_shared>> -> memref<4096x24xf32, #tpu.memory_space<vmem_shared>>
    tpu.enqueue_indirect_dma source(%dma_start3A_148 : memref<4096x24xf32, #tpu.memory_space<vmem_shared>>) target(%arg22 : memref<128x24xf32, #tpu.memory_space<vmem>>) offsets(%dma_start3A_145 : memref<128xi32, #tpu.memory_space<vmem>>) semaphore(%arg35 : memref<!tpu.dma_semaphore, #tpu.memory_space<semaphore_mem>>)
    %dma_start3A_149 = arith.constant 0 : i32
    %dma_start3A_150 = arith.constant 2 : i32
    %dma_start3A_151 = arith.constant 0 : i32
    %dma_start3A_152 = tpu.memref_slice %arg10[%dma_start3A_149, %dma_start3A_150, %dma_start3A_151] : memref<3x8x128xi32, #tpu.memory_space<vmem>> -> memref<1x1x128xi32, #tpu.memory_space<vmem>>
    %dma_start3A_153 = tpu.memref_squeeze %dma_start3A_152 : memref<1x1x128xi32, #tpu.memory_space<vmem>> -> memref<128xi32, #tpu.memory_space<vmem>>
    %dma_start3A_154 = arith.constant 0 : i32
    %dma_start3A_155 = arith.constant 0 : i32
    %dma_start3A_156 = tpu.memref_slice %arg29[%dma_start3A_154, %dma_start3A_155] : memref<4096x16xf32, #tpu.memory_space<vmem_shared>> -> memref<4096x16xf32, #tpu.memory_space<vmem_shared>>
    tpu.enqueue_indirect_dma source(%dma_start3A_156 : memref<4096x16xf32, #tpu.memory_space<vmem_shared>>) target(%arg23 : memref<128x16xf32, #tpu.memory_space<vmem>>) offsets(%dma_start3A_153 : memref<128xi32, #tpu.memory_space<vmem>>) semaphore(%arg35 : memref<!tpu.dma_semaphore, #tpu.memory_space<semaphore_mem>>)
    %dma_start3A_157 = arith.constant 0 : i32
    %dma_start3A_158 = arith.constant 2 : i32
    %dma_start3A_159 = arith.constant 0 : i32
    %dma_start3A_160 = tpu.memref_slice %arg10[%dma_start3A_157, %dma_start3A_158, %dma_start3A_159] : memref<3x8x128xi32, #tpu.memory_space<vmem>> -> memref<1x1x128xi32, #tpu.memory_space<vmem>>
    %dma_start3A_161 = tpu.memref_squeeze %dma_start3A_160 : memref<1x1x128xi32, #tpu.memory_space<vmem>> -> memref<128xi32, #tpu.memory_space<vmem>>
    %dma_start3A_162 = arith.constant 0 : i32
    %dma_start3A_163 = arith.constant 0 : i32
    %dma_start3A_164 = tpu.memref_slice %arg30[%dma_start3A_162, %dma_start3A_163] : memref<4096x16xf32, #tpu.memory_space<vmem_shared>> -> memref<4096x16xf32, #tpu.memory_space<vmem_shared>>
    tpu.enqueue_indirect_dma source(%dma_start3A_164 : memref<4096x16xf32, #tpu.memory_space<vmem_shared>>) target(%arg24 : memref<128x16xf32, #tpu.memory_space<vmem>>) offsets(%dma_start3A_161 : memref<128xi32, #tpu.memory_space<vmem>>) semaphore(%arg35 : memref<!tpu.dma_semaphore, #tpu.memory_space<semaphore_mem>>)
    %dma_start3A_165 = arith.constant 1 : i32
    %dma_start3A_166 = arith.constant 2 : i32
    %dma_start3A_167 = arith.constant 0 : i32
    %dma_start3A_168 = tpu.memref_slice %arg10[%dma_start3A_165, %dma_start3A_166, %dma_start3A_167] : memref<3x8x128xi32, #tpu.memory_space<vmem>> -> memref<1x1x128xi32, #tpu.memory_space<vmem>>
    %dma_start3A_169 = tpu.memref_squeeze %dma_start3A_168 : memref<1x1x128xi32, #tpu.memory_space<vmem>> -> memref<128xi32, #tpu.memory_space<vmem>>
    %dma_start3A_170 = arith.constant 0 : i32
    %dma_start3A_171 = arith.constant 0 : i32
    %dma_start3A_172 = tpu.memref_slice %arg31[%dma_start3A_170, %dma_start3A_171] : memref<4096x24xf32, #tpu.memory_space<vmem_shared>> -> memref<4096x24xf32, #tpu.memory_space<vmem_shared>>
    tpu.enqueue_indirect_dma source(%dma_start3A_172 : memref<4096x24xf32, #tpu.memory_space<vmem_shared>>) target(%arg25 : memref<128x24xf32, #tpu.memory_space<vmem>>) offsets(%dma_start3A_169 : memref<128xi32, #tpu.memory_space<vmem>>) semaphore(%arg35 : memref<!tpu.dma_semaphore, #tpu.memory_space<semaphore_mem>>)
    %dma_start3A_173 = arith.constant 1 : i32
    %dma_start3A_174 = arith.constant 2 : i32
    %dma_start3A_175 = arith.constant 0 : i32
    %dma_start3A_176 = tpu.memref_slice %arg10[%dma_start3A_173, %dma_start3A_174, %dma_start3A_175] : memref<3x8x128xi32, #tpu.memory_space<vmem>> -> memref<1x1x128xi32, #tpu.memory_space<vmem>>
    %dma_start3A_177 = tpu.memref_squeeze %dma_start3A_176 : memref<1x1x128xi32, #tpu.memory_space<vmem>> -> memref<128xi32, #tpu.memory_space<vmem>>
    %dma_start3A_178 = arith.constant 0 : i32
    %dma_start3A_179 = arith.constant 0 : i32
    %dma_start3A_180 = tpu.memref_slice %arg32[%dma_start3A_178, %dma_start3A_179] : memref<4096x24xf32, #tpu.memory_space<vmem_shared>> -> memref<4096x24xf32, #tpu.memory_space<vmem_shared>>
    tpu.enqueue_indirect_dma source(%dma_start3A_180 : memref<4096x24xf32, #tpu.memory_space<vmem_shared>>) target(%arg26 : memref<128x24xf32, #tpu.memory_space<vmem>>) offsets(%dma_start3A_177 : memref<128xi32, #tpu.memory_space<vmem>>) semaphore(%arg35 : memref<!tpu.dma_semaphore, #tpu.memory_space<semaphore_mem>>)
    %dma_start3A_181 = arith.constant 2 : i32
    %dma_start3A_182 = arith.constant 2 : i32
    %dma_start3A_183 = arith.constant 0 : i32
    %dma_start3A_184 = tpu.memref_slice %arg10[%dma_start3A_181, %dma_start3A_182, %dma_start3A_183] : memref<3x8x128xi32, #tpu.memory_space<vmem>> -> memref<1x1x128xi32, #tpu.memory_space<vmem>>
    %dma_start3A_185 = tpu.memref_squeeze %dma_start3A_184 : memref<1x1x128xi32, #tpu.memory_space<vmem>> -> memref<128xi32, #tpu.memory_space<vmem>>
    %dma_start3A_186 = arith.constant 0 : i32
    %dma_start3A_187 = arith.constant 0 : i32
    %dma_start3A_188 = tpu.memref_slice %arg33[%dma_start3A_186, %dma_start3A_187] : memref<4096x24xf32, #tpu.memory_space<vmem_shared>> -> memref<4096x24xf32, #tpu.memory_space<vmem_shared>>
    tpu.enqueue_indirect_dma source(%dma_start3A_188 : memref<4096x24xf32, #tpu.memory_space<vmem_shared>>) target(%arg27 : memref<128x24xf32, #tpu.memory_space<vmem>>) offsets(%dma_start3A_185 : memref<128xi32, #tpu.memory_space<vmem>>) semaphore(%arg35 : memref<!tpu.dma_semaphore, #tpu.memory_space<semaphore_mem>>)
    %dma_start3A_189 = arith.constant 2 : i32
    %dma_start3A_190 = arith.constant 2 : i32
    %dma_start3A_191 = arith.constant 0 : i32
    %dma_start3A_192 = tpu.memref_slice %arg10[%dma_start3A_189, %dma_start3A_190, %dma_start3A_191] : memref<3x8x128xi32, #tpu.memory_space<vmem>> -> memref<1x1x128xi32, #tpu.memory_space<vmem>>
    %dma_start3A_193 = tpu.memref_squeeze %dma_start3A_192 : memref<1x1x128xi32, #tpu.memory_space<vmem>> -> memref<128xi32, #tpu.memory_space<vmem>>
    %dma_start3A_194 = arith.constant 0 : i32
    %dma_start3A_195 = arith.constant 0 : i32
    %dma_start3A_196 = tpu.memref_slice %arg34[%dma_start3A_194, %dma_start3A_195] : memref<4096x24xf32, #tpu.memory_space<vmem_shared>> -> memref<4096x24xf32, #tpu.memory_space<vmem_shared>>
    tpu.enqueue_indirect_dma source(%dma_start3A_196 : memref<4096x24xf32, #tpu.memory_space<vmem_shared>>) target(%arg28 : memref<128x24xf32, #tpu.memory_space<vmem>>) offsets(%dma_start3A_193 : memref<128xi32, #tpu.memory_space<vmem>>) semaphore(%arg35 : memref<!tpu.dma_semaphore, #tpu.memory_space<semaphore_mem>>)
    %dma_wait3A_197 = arith.constant 0 : i32
    %dma_wait3A_198 = arith.constant 0 : i32
    %dma_wait3A_199 = arith.constant 0 : i32
    %dma_wait3A_200 = tpu.memref_slice %arg10[%dma_wait3A_197, %dma_wait3A_198, %dma_wait3A_199] : memref<3x8x128xi32, #tpu.memory_space<vmem>> -> memref<1x1x128xi32, #tpu.memory_space<vmem>>
    %dma_wait3A_201 = tpu.memref_squeeze %dma_wait3A_200 : memref<1x1x128xi32, #tpu.memory_space<vmem>> -> memref<128xi32, #tpu.memory_space<vmem>>
    %dma_wait3A_202 = arith.constant 0 : i32
    %dma_wait3A_203 = arith.constant 0 : i32
    %dma_wait3A_204 = tpu.memref_slice %arg29[%dma_wait3A_202, %dma_wait3A_203] : memref<4096x16xf32, #tpu.memory_space<vmem_shared>> -> memref<4096x16xf32, #tpu.memory_space<vmem_shared>>
    tpu.wait_indirect_dma semaphore(%arg35 : memref<!tpu.dma_semaphore, #tpu.memory_space<semaphore_mem>>) src(%dma_wait3A_204 : memref<4096x16xf32, #tpu.memory_space<vmem_shared>>) dst(%arg11 : memref<128x16xf32, #tpu.memory_space<vmem>>)
    %dma_wait3A_205 = arith.constant 0 : i32
    %dma_wait3A_206 = arith.constant 0 : i32
    %dma_wait3A_207 = arith.constant 0 : i32
    %dma_wait3A_208 = tpu.memref_slice %arg10[%dma_wait3A_205, %dma_wait3A_206, %dma_wait3A_207] : memref<3x8x128xi32, #tpu.memory_space<vmem>> -> memref<1x1x128xi32, #tpu.memory_space<vmem>>
    %dma_wait3A_209 = tpu.memref_squeeze %dma_wait3A_208 : memref<1x1x128xi32, #tpu.memory_space<vmem>> -> memref<128xi32, #tpu.memory_space<vmem>>
    %dma_wait3A_210 = arith.constant 0 : i32
    %dma_wait3A_211 = arith.constant 0 : i32
    %dma_wait3A_212 = tpu.memref_slice %arg30[%dma_wait3A_210, %dma_wait3A_211] : memref<4096x16xf32, #tpu.memory_space<vmem_shared>> -> memref<4096x16xf32, #tpu.memory_space<vmem_shared>>
    tpu.wait_indirect_dma semaphore(%arg35 : memref<!tpu.dma_semaphore, #tpu.memory_space<semaphore_mem>>) src(%dma_wait3A_212 : memref<4096x16xf32, #tpu.memory_space<vmem_shared>>) dst(%arg12 : memref<128x16xf32, #tpu.memory_space<vmem>>)
    %dma_wait3A_213 = arith.constant 1 : i32
    %dma_wait3A_214 = arith.constant 0 : i32
    %dma_wait3A_215 = arith.constant 0 : i32
    %dma_wait3A_216 = tpu.memref_slice %arg10[%dma_wait3A_213, %dma_wait3A_214, %dma_wait3A_215] : memref<3x8x128xi32, #tpu.memory_space<vmem>> -> memref<1x1x128xi32, #tpu.memory_space<vmem>>
    %dma_wait3A_217 = tpu.memref_squeeze %dma_wait3A_216 : memref<1x1x128xi32, #tpu.memory_space<vmem>> -> memref<128xi32, #tpu.memory_space<vmem>>
    %dma_wait3A_218 = arith.constant 0 : i32
    %dma_wait3A_219 = arith.constant 0 : i32
    %dma_wait3A_220 = tpu.memref_slice %arg31[%dma_wait3A_218, %dma_wait3A_219] : memref<4096x24xf32, #tpu.memory_space<vmem_shared>> -> memref<4096x24xf32, #tpu.memory_space<vmem_shared>>
    tpu.wait_indirect_dma semaphore(%arg35 : memref<!tpu.dma_semaphore, #tpu.memory_space<semaphore_mem>>) src(%dma_wait3A_220 : memref<4096x24xf32, #tpu.memory_space<vmem_shared>>) dst(%arg13 : memref<128x24xf32, #tpu.memory_space<vmem>>)
    %dma_wait3A_221 = arith.constant 1 : i32
    %dma_wait3A_222 = arith.constant 0 : i32
    %dma_wait3A_223 = arith.constant 0 : i32
    %dma_wait3A_224 = tpu.memref_slice %arg10[%dma_wait3A_221, %dma_wait3A_222, %dma_wait3A_223] : memref<3x8x128xi32, #tpu.memory_space<vmem>> -> memref<1x1x128xi32, #tpu.memory_space<vmem>>
    %dma_wait3A_225 = tpu.memref_squeeze %dma_wait3A_224 : memref<1x1x128xi32, #tpu.memory_space<vmem>> -> memref<128xi32, #tpu.memory_space<vmem>>
    %dma_wait3A_226 = arith.constant 0 : i32
    %dma_wait3A_227 = arith.constant 0 : i32
    %dma_wait3A_228 = tpu.memref_slice %arg32[%dma_wait3A_226, %dma_wait3A_227] : memref<4096x24xf32, #tpu.memory_space<vmem_shared>> -> memref<4096x24xf32, #tpu.memory_space<vmem_shared>>
    tpu.wait_indirect_dma semaphore(%arg35 : memref<!tpu.dma_semaphore, #tpu.memory_space<semaphore_mem>>) src(%dma_wait3A_228 : memref<4096x24xf32, #tpu.memory_space<vmem_shared>>) dst(%arg14 : memref<128x24xf32, #tpu.memory_space<vmem>>)
    %dma_wait3A_229 = arith.constant 2 : i32
    %dma_wait3A_230 = arith.constant 0 : i32
    %dma_wait3A_231 = arith.constant 0 : i32
    %dma_wait3A_232 = tpu.memref_slice %arg10[%dma_wait3A_229, %dma_wait3A_230, %dma_wait3A_231] : memref<3x8x128xi32, #tpu.memory_space<vmem>> -> memref<1x1x128xi32, #tpu.memory_space<vmem>>
    %dma_wait3A_233 = tpu.memref_squeeze %dma_wait3A_232 : memref<1x1x128xi32, #tpu.memory_space<vmem>> -> memref<128xi32, #tpu.memory_space<vmem>>
    %dma_wait3A_234 = arith.constant 0 : i32
    %dma_wait3A_235 = arith.constant 0 : i32
    %dma_wait3A_236 = tpu.memref_slice %arg33[%dma_wait3A_234, %dma_wait3A_235] : memref<4096x24xf32, #tpu.memory_space<vmem_shared>> -> memref<4096x24xf32, #tpu.memory_space<vmem_shared>>
    tpu.wait_indirect_dma semaphore(%arg35 : memref<!tpu.dma_semaphore, #tpu.memory_space<semaphore_mem>>) src(%dma_wait3A_236 : memref<4096x24xf32, #tpu.memory_space<vmem_shared>>) dst(%arg15 : memref<128x24xf32, #tpu.memory_space<vmem>>)
    %dma_wait3A_237 = arith.constant 2 : i32
    %dma_wait3A_238 = arith.constant 0 : i32
    %dma_wait3A_239 = arith.constant 0 : i32
    %dma_wait3A_240 = tpu.memref_slice %arg10[%dma_wait3A_237, %dma_wait3A_238, %dma_wait3A_239] : memref<3x8x128xi32, #tpu.memory_space<vmem>> -> memref<1x1x128xi32, #tpu.memory_space<vmem>>
    %dma_wait3A_241 = tpu.memref_squeeze %dma_wait3A_240 : memref<1x1x128xi32, #tpu.memory_space<vmem>> -> memref<128xi32, #tpu.memory_space<vmem>>
    %dma_wait3A_242 = arith.constant 0 : i32
    %dma_wait3A_243 = arith.constant 0 : i32
    %dma_wait3A_244 = tpu.memref_slice %arg34[%dma_wait3A_242, %dma_wait3A_243] : memref<4096x24xf32, #tpu.memory_space<vmem_shared>> -> memref<4096x24xf32, #tpu.memory_space<vmem_shared>>
    tpu.wait_indirect_dma semaphore(%arg35 : memref<!tpu.dma_semaphore, #tpu.memory_space<semaphore_mem>>) src(%dma_wait3A_244 : memref<4096x24xf32, #tpu.memory_space<vmem_shared>>) dst(%arg16 : memref<128x24xf32, #tpu.memory_space<vmem>>)
    %add3A_245 = arith.constant 0 : i32
    %add3A_246 = arith.addi %mul3A_2, %add3A_245 : i32
    %dma_start3A_247 = arith.constant 0 : i32
    %dma_start3A_248 = tpu.memref_slice %arg9[%add3A_246, %dma_start3A_247] : memref<32768x128xf32, #tpu.memory_space<hbm>> -> memref<128x16xf32, #tpu.memory_space<hbm>>
    %dma_start3A_249 = arith.constant 0 : i32
    %dma_start3A_250 = tpu.memref_slice %arg9[%add3A_246, %dma_start3A_249] : memref<32768x128xf32, #tpu.memory_space<hbm>> -> memref<128x16xf32, #tpu.memory_space<hbm>>
    tpu.enqueue_dma source(%arg11 : memref<128x16xf32, #tpu.memory_space<vmem>>) target(%dma_start3A_250 : memref<128x16xf32, #tpu.memory_space<hbm>>) target_semaphore(%arg36 : memref<!tpu.dma_semaphore, #tpu.memory_space<semaphore_mem>>)
    %add3A_251 = arith.constant 0 : i32
    %add3A_252 = arith.addi %mul3A_2, %add3A_251 : i32
    %dma_start3A_253 = arith.constant 64 : i32
    %dma_start3A_254 = tpu.memref_slice %arg9[%add3A_252, %dma_start3A_253] : memref<32768x128xf32, #tpu.memory_space<hbm>> -> memref<128x16xf32, #tpu.memory_space<hbm>>
    %dma_start3A_255 = arith.constant 64 : i32
    %dma_start3A_256 = tpu.memref_slice %arg9[%add3A_252, %dma_start3A_255] : memref<32768x128xf32, #tpu.memory_space<hbm>> -> memref<128x16xf32, #tpu.memory_space<hbm>>
    tpu.enqueue_dma source(%arg12 : memref<128x16xf32, #tpu.memory_space<vmem>>) target(%dma_start3A_256 : memref<128x16xf32, #tpu.memory_space<hbm>>) target_semaphore(%arg36 : memref<!tpu.dma_semaphore, #tpu.memory_space<semaphore_mem>>)
    %add3A_257 = arith.constant 0 : i32
    %add3A_258 = arith.addi %mul3A_2, %add3A_257 : i32
    %dma_start3A_259 = arith.constant 16 : i32
    %dma_start3A_260 = tpu.memref_slice %arg9[%add3A_258, %dma_start3A_259] : memref<32768x128xf32, #tpu.memory_space<hbm>> -> memref<128x24xf32, #tpu.memory_space<hbm>>
    %dma_start3A_261 = arith.constant 16 : i32
    %dma_start3A_262 = tpu.memref_slice %arg9[%add3A_258, %dma_start3A_261] : memref<32768x128xf32, #tpu.memory_space<hbm>> -> memref<128x24xf32, #tpu.memory_space<hbm>>
    tpu.enqueue_dma source(%arg13 : memref<128x24xf32, #tpu.memory_space<vmem>>) target(%dma_start3A_262 : memref<128x24xf32, #tpu.memory_space<hbm>>) target_semaphore(%arg36 : memref<!tpu.dma_semaphore, #tpu.memory_space<semaphore_mem>>)
    %add3A_263 = arith.constant 0 : i32
    %add3A_264 = arith.addi %mul3A_2, %add3A_263 : i32
    %dma_start3A_265 = arith.constant 80 : i32
    %dma_start3A_266 = tpu.memref_slice %arg9[%add3A_264, %dma_start3A_265] : memref<32768x128xf32, #tpu.memory_space<hbm>> -> memref<128x24xf32, #tpu.memory_space<hbm>>
    %dma_start3A_267 = arith.constant 80 : i32
    %dma_start3A_268 = tpu.memref_slice %arg9[%add3A_264, %dma_start3A_267] : memref<32768x128xf32, #tpu.memory_space<hbm>> -> memref<128x24xf32, #tpu.memory_space<hbm>>
    tpu.enqueue_dma source(%arg14 : memref<128x24xf32, #tpu.memory_space<vmem>>) target(%dma_start3A_268 : memref<128x24xf32, #tpu.memory_space<hbm>>) target_semaphore(%arg36 : memref<!tpu.dma_semaphore, #tpu.memory_space<semaphore_mem>>)
    %add3A_269 = arith.constant 0 : i32
    %add3A_270 = arith.addi %mul3A_2, %add3A_269 : i32
    %dma_start3A_271 = arith.constant 40 : i32
    %dma_start3A_272 = tpu.memref_slice %arg9[%add3A_270, %dma_start3A_271] : memref<32768x128xf32, #tpu.memory_space<hbm>> -> memref<128x24xf32, #tpu.memory_space<hbm>>
    %dma_start3A_273 = arith.constant 40 : i32
    %dma_start3A_274 = tpu.memref_slice %arg9[%add3A_270, %dma_start3A_273] : memref<32768x128xf32, #tpu.memory_space<hbm>> -> memref<128x24xf32, #tpu.memory_space<hbm>>
    tpu.enqueue_dma source(%arg15 : memref<128x24xf32, #tpu.memory_space<vmem>>) target(%dma_start3A_274 : memref<128x24xf32, #tpu.memory_space<hbm>>) target_semaphore(%arg36 : memref<!tpu.dma_semaphore, #tpu.memory_space<semaphore_mem>>)
    %add3A_275 = arith.constant 0 : i32
    %add3A_276 = arith.addi %mul3A_2, %add3A_275 : i32
    %dma_start3A_277 = arith.constant 104 : i32
    %dma_start3A_278 = tpu.memref_slice %arg9[%add3A_276, %dma_start3A_277] : memref<32768x128xf32, #tpu.memory_space<hbm>> -> memref<128x24xf32, #tpu.memory_space<hbm>>
    %dma_start3A_279 = arith.constant 104 : i32
    %dma_start3A_280 = tpu.memref_slice %arg9[%add3A_276, %dma_start3A_279] : memref<32768x128xf32, #tpu.memory_space<hbm>> -> memref<128x24xf32, #tpu.memory_space<hbm>>
    tpu.enqueue_dma source(%arg16 : memref<128x24xf32, #tpu.memory_space<vmem>>) target(%dma_start3A_280 : memref<128x24xf32, #tpu.memory_space<hbm>>) target_semaphore(%arg36 : memref<!tpu.dma_semaphore, #tpu.memory_space<semaphore_mem>>)
    %add3A_281 = arith.constant 0 : i32
    %add3A_282 = arith.addi %mul3A_2, %add3A_281 : i32
    %dma_wait3A_283 = arith.constant 0 : i32
    %dma_wait3A_284 = tpu.memref_slice %arg9[%add3A_282, %dma_wait3A_283] : memref<32768x128xf32, #tpu.memory_space<hbm>> -> memref<128x16xf32, #tpu.memory_space<hbm>>
    %dma_wait3A_285 = arith.constant 0 : i32
    %dma_wait3A_286 = tpu.memref_slice %arg9[%add3A_282, %dma_wait3A_285] : memref<32768x128xf32, #tpu.memory_space<hbm>> -> memref<128x16xf32, #tpu.memory_space<hbm>>
    tpu.wait_dma2 semaphore(%arg36 : memref<!tpu.dma_semaphore, #tpu.memory_space<semaphore_mem>>) src(%arg11 : memref<128x16xf32, #tpu.memory_space<vmem>>) dst(%dma_wait3A_286 : memref<128x16xf32, #tpu.memory_space<hbm>>)
    %add3A_287 = arith.constant 0 : i32
    %add3A_288 = arith.addi %mul3A_2, %add3A_287 : i32
    %dma_wait3A_289 = arith.constant 64 : i32
    %dma_wait3A_290 = tpu.memref_slice %arg9[%add3A_288, %dma_wait3A_289] : memref<32768x128xf32, #tpu.memory_space<hbm>> -> memref<128x16xf32, #tpu.memory_space<hbm>>
    %dma_wait3A_291 = arith.constant 64 : i32
    %dma_wait3A_292 = tpu.memref_slice %arg9[%add3A_288, %dma_wait3A_291] : memref<32768x128xf32, #tpu.memory_space<hbm>> -> memref<128x16xf32, #tpu.memory_space<hbm>>
    tpu.wait_dma2 semaphore(%arg36 : memref<!tpu.dma_semaphore, #tpu.memory_space<semaphore_mem>>) src(%arg12 : memref<128x16xf32, #tpu.memory_space<vmem>>) dst(%dma_wait3A_292 : memref<128x16xf32, #tpu.memory_space<hbm>>)
    %add3A_293 = arith.constant 0 : i32
    %add3A_294 = arith.addi %mul3A_2, %add3A_293 : i32
    %dma_wait3A_295 = arith.constant 16 : i32
    %dma_wait3A_296 = tpu.memref_slice %arg9[%add3A_294, %dma_wait3A_295] : memref<32768x128xf32, #tpu.memory_space<hbm>> -> memref<128x24xf32, #tpu.memory_space<hbm>>
    %dma_wait3A_297 = arith.constant 16 : i32
    %dma_wait3A_298 = tpu.memref_slice %arg9[%add3A_294, %dma_wait3A_297] : memref<32768x128xf32, #tpu.memory_space<hbm>> -> memref<128x24xf32, #tpu.memory_space<hbm>>
    tpu.wait_dma2 semaphore(%arg36 : memref<!tpu.dma_semaphore, #tpu.memory_space<semaphore_mem>>) src(%arg13 : memref<128x24xf32, #tpu.memory_space<vmem>>) dst(%dma_wait3A_298 : memref<128x24xf32, #tpu.memory_space<hbm>>)
    %add3A_299 = arith.constant 0 : i32
    %add3A_300 = arith.addi %mul3A_2, %add3A_299 : i32
    %dma_wait3A_301 = arith.constant 80 : i32
    %dma_wait3A_302 = tpu.memref_slice %arg9[%add3A_300, %dma_wait3A_301] : memref<32768x128xf32, #tpu.memory_space<hbm>> -> memref<128x24xf32, #tpu.memory_space<hbm>>
    %dma_wait3A_303 = arith.constant 80 : i32
    %dma_wait3A_304 = tpu.memref_slice %arg9[%add3A_300, %dma_wait3A_303] : memref<32768x128xf32, #tpu.memory_space<hbm>> -> memref<128x24xf32, #tpu.memory_space<hbm>>
    tpu.wait_dma2 semaphore(%arg36 : memref<!tpu.dma_semaphore, #tpu.memory_space<semaphore_mem>>) src(%arg14 : memref<128x24xf32, #tpu.memory_space<vmem>>) dst(%dma_wait3A_304 : memref<128x24xf32, #tpu.memory_space<hbm>>)
    %add3A_305 = arith.constant 0 : i32
    %add3A_306 = arith.addi %mul3A_2, %add3A_305 : i32
    %dma_wait3A_307 = arith.constant 40 : i32
    %dma_wait3A_308 = tpu.memref_slice %arg9[%add3A_306, %dma_wait3A_307] : memref<32768x128xf32, #tpu.memory_space<hbm>> -> memref<128x24xf32, #tpu.memory_space<hbm>>
    %dma_wait3A_309 = arith.constant 40 : i32
    %dma_wait3A_310 = tpu.memref_slice %arg9[%add3A_306, %dma_wait3A_309] : memref<32768x128xf32, #tpu.memory_space<hbm>> -> memref<128x24xf32, #tpu.memory_space<hbm>>
    tpu.wait_dma2 semaphore(%arg36 : memref<!tpu.dma_semaphore, #tpu.memory_space<semaphore_mem>>) src(%arg15 : memref<128x24xf32, #tpu.memory_space<vmem>>) dst(%dma_wait3A_310 : memref<128x24xf32, #tpu.memory_space<hbm>>)
    %add3A_311 = arith.constant 0 : i32
    %add3A_312 = arith.addi %mul3A_2, %add3A_311 : i32
    %dma_wait3A_313 = arith.constant 104 : i32
    %dma_wait3A_314 = tpu.memref_slice %arg9[%add3A_312, %dma_wait3A_313] : memref<32768x128xf32, #tpu.memory_space<hbm>> -> memref<128x24xf32, #tpu.memory_space<hbm>>
    %dma_wait3A_315 = arith.constant 104 : i32
    %dma_wait3A_316 = tpu.memref_slice %arg9[%add3A_312, %dma_wait3A_315] : memref<32768x128xf32, #tpu.memory_space<hbm>> -> memref<128x24xf32, #tpu.memory_space<hbm>>
    tpu.wait_dma2 semaphore(%arg36 : memref<!tpu.dma_semaphore, #tpu.memory_space<semaphore_mem>>) src(%arg16 : memref<128x24xf32, #tpu.memory_space<vmem>>) dst(%dma_wait3A_316 : memref<128x24xf32, #tpu.memory_space<hbm>>)
    %dma_start3A_317 = arith.constant 0 : i32
    %dma_start3A_318 = arith.constant 3 : i32
    %dma_start3A_319 = arith.constant 0 : i32
    %dma_start3A_320 = tpu.memref_slice %arg10[%dma_start3A_317, %dma_start3A_318, %dma_start3A_319] : memref<3x8x128xi32, #tpu.memory_space<vmem>> -> memref<1x1x128xi32, #tpu.memory_space<vmem>>
    %dma_start3A_321 = tpu.memref_squeeze %dma_start3A_320 : memref<1x1x128xi32, #tpu.memory_space<vmem>> -> memref<128xi32, #tpu.memory_space<vmem>>
    %dma_start3A_322 = arith.constant 0 : i32
    %dma_start3A_323 = arith.constant 0 : i32
    %dma_start3A_324 = tpu.memref_slice %arg29[%dma_start3A_322, %dma_start3A_323] : memref<4096x16xf32, #tpu.memory_space<vmem_shared>> -> memref<4096x16xf32, #tpu.memory_space<vmem_shared>>
    tpu.enqueue_indirect_dma source(%dma_start3A_324 : memref<4096x16xf32, #tpu.memory_space<vmem_shared>>) target(%arg11 : memref<128x16xf32, #tpu.memory_space<vmem>>) offsets(%dma_start3A_321 : memref<128xi32, #tpu.memory_space<vmem>>) semaphore(%arg35 : memref<!tpu.dma_semaphore, #tpu.memory_space<semaphore_mem>>)
    %dma_start3A_325 = arith.constant 0 : i32
    %dma_start3A_326 = arith.constant 3 : i32
    %dma_start3A_327 = arith.constant 0 : i32
    %dma_start3A_328 = tpu.memref_slice %arg10[%dma_start3A_325, %dma_start3A_326, %dma_start3A_327] : memref<3x8x128xi32, #tpu.memory_space<vmem>> -> memref<1x1x128xi32, #tpu.memory_space<vmem>>
    %dma_start3A_329 = tpu.memref_squeeze %dma_start3A_328 : memref<1x1x128xi32, #tpu.memory_space<vmem>> -> memref<128xi32, #tpu.memory_space<vmem>>
    %dma_start3A_330 = arith.constant 0 : i32
    %dma_start3A_331 = arith.constant 0 : i32
    %dma_start3A_332 = tpu.memref_slice %arg30[%dma_start3A_330, %dma_start3A_331] : memref<4096x16xf32, #tpu.memory_space<vmem_shared>> -> memref<4096x16xf32, #tpu.memory_space<vmem_shared>>
    tpu.enqueue_indirect_dma source(%dma_start3A_332 : memref<4096x16xf32, #tpu.memory_space<vmem_shared>>) target(%arg12 : memref<128x16xf32, #tpu.memory_space<vmem>>) offsets(%dma_start3A_329 : memref<128xi32, #tpu.memory_space<vmem>>) semaphore(%arg35 : memref<!tpu.dma_semaphore, #tpu.memory_space<semaphore_mem>>)
    %dma_start3A_333 = arith.constant 1 : i32
    %dma_start3A_334 = arith.constant 3 : i32
    %dma_start3A_335 = arith.constant 0 : i32
    %dma_start3A_336 = tpu.memref_slice %arg10[%dma_start3A_333, %dma_start3A_334, %dma_start3A_335] : memref<3x8x128xi32, #tpu.memory_space<vmem>> -> memref<1x1x128xi32, #tpu.memory_space<vmem>>
    %dma_start3A_337 = tpu.memref_squeeze %dma_start3A_336 : memref<1x1x128xi32, #tpu.memory_space<vmem>> -> memref<128xi32, #tpu.memory_space<vmem>>
    %dma_start3A_338 = arith.constant 0 : i32
    %dma_start3A_339 = arith.constant 0 : i32
    %dma_start3A_340 = tpu.memref_slice %arg31[%dma_start3A_338, %dma_start3A_339] : memref<4096x24xf32, #tpu.memory_space<vmem_shared>> -> memref<4096x24xf32, #tpu.memory_space<vmem_shared>>
    tpu.enqueue_indirect_dma source(%dma_start3A_340 : memref<4096x24xf32, #tpu.memory_space<vmem_shared>>) target(%arg13 : memref<128x24xf32, #tpu.memory_space<vmem>>) offsets(%dma_start3A_337 : memref<128xi32, #tpu.memory_space<vmem>>) semaphore(%arg35 : memref<!tpu.dma_semaphore, #tpu.memory_space<semaphore_mem>>)
    %dma_start3A_341 = arith.constant 1 : i32
    %dma_start3A_342 = arith.constant 3 : i32
    %dma_start3A_343 = arith.constant 0 : i32
    %dma_start3A_344 = tpu.memref_slice %arg10[%dma_start3A_341, %dma_start3A_342, %dma_start3A_343] : memref<3x8x128xi32, #tpu.memory_space<vmem>> -> memref<1x1x128xi32, #tpu.memory_space<vmem>>
    %dma_start3A_345 = tpu.memref_squeeze %dma_start3A_344 : memref<1x1x128xi32, #tpu.memory_space<vmem>> -> memref<128xi32, #tpu.memory_space<vmem>>
    %dma_start3A_346 = arith.constant 0 : i32
    %dma_start3A_347 = arith.constant 0 : i32
    %dma_start3A_348 = tpu.memref_slice %arg32[%dma_start3A_346, %dma_start3A_347] : memref<4096x24xf32, #tpu.memory_space<vmem_shared>> -> memref<4096x24xf32, #tpu.memory_space<vmem_shared>>
    tpu.enqueue_indirect_dma source(%dma_start3A_348 : memref<4096x24xf32, #tpu.memory_space<vmem_shared>>) target(%arg14 : memref<128x24xf32, #tpu.memory_space<vmem>>) offsets(%dma_start3A_345 : memref<128xi32, #tpu.memory_space<vmem>>) semaphore(%arg35 : memref<!tpu.dma_semaphore, #tpu.memory_space<semaphore_mem>>)
    %dma_start3A_349 = arith.constant 2 : i32
    %dma_start3A_350 = arith.constant 3 : i32
    %dma_start3A_351 = arith.constant 0 : i32
    %dma_start3A_352 = tpu.memref_slice %arg10[%dma_start3A_349, %dma_start3A_350, %dma_start3A_351] : memref<3x8x128xi32, #tpu.memory_space<vmem>> -> memref<1x1x128xi32, #tpu.memory_space<vmem>>
    %dma_start3A_353 = tpu.memref_squeeze %dma_start3A_352 : memref<1x1x128xi32, #tpu.memory_space<vmem>> -> memref<128xi32, #tpu.memory_space<vmem>>
    %dma_start3A_354 = arith.constant 0 : i32
    %dma_start3A_355 = arith.constant 0 : i32
    %dma_start3A_356 = tpu.memref_slice %arg33[%dma_start3A_354, %dma_start3A_355] : memref<4096x24xf32, #tpu.memory_space<vmem_shared>> -> memref<4096x24xf32, #tpu.memory_space<vmem_shared>>
    tpu.enqueue_indirect_dma source(%dma_start3A_356 : memref<4096x24xf32, #tpu.memory_space<vmem_shared>>) target(%arg15 : memref<128x24xf32, #tpu.memory_space<vmem>>) offsets(%dma_start3A_353 : memref<128xi32, #tpu.memory_space<vmem>>) semaphore(%arg35 : memref<!tpu.dma_semaphore, #tpu.memory_space<semaphore_mem>>)
    %dma_start3A_357 = arith.constant 2 : i32
    %dma_start3A_358 = arith.constant 3 : i32
    %dma_start3A_359 = arith.constant 0 : i32
    %dma_start3A_360 = tpu.memref_slice %arg10[%dma_start3A_357, %dma_start3A_358, %dma_start3A_359] : memref<3x8x128xi32, #tpu.memory_space<vmem>> -> memref<1x1x128xi32, #tpu.memory_space<vmem>>
    %dma_start3A_361 = tpu.memref_squeeze %dma_start3A_360 : memref<1x1x128xi32, #tpu.memory_space<vmem>> -> memref<128xi32, #tpu.memory_space<vmem>>
    %dma_start3A_362 = arith.constant 0 : i32
    %dma_start3A_363 = arith.constant 0 : i32
    %dma_start3A_364 = tpu.memref_slice %arg34[%dma_start3A_362, %dma_start3A_363] : memref<4096x24xf32, #tpu.memory_space<vmem_shared>> -> memref<4096x24xf32, #tpu.memory_space<vmem_shared>>
    tpu.enqueue_indirect_dma source(%dma_start3A_364 : memref<4096x24xf32, #tpu.memory_space<vmem_shared>>) target(%arg16 : memref<128x24xf32, #tpu.memory_space<vmem>>) offsets(%dma_start3A_361 : memref<128xi32, #tpu.memory_space<vmem>>) semaphore(%arg35 : memref<!tpu.dma_semaphore, #tpu.memory_space<semaphore_mem>>)
    %dma_wait3A_365 = arith.constant 0 : i32
    %dma_wait3A_366 = arith.constant 1 : i32
    %dma_wait3A_367 = arith.constant 0 : i32
    %dma_wait3A_368 = tpu.memref_slice %arg10[%dma_wait3A_365, %dma_wait3A_366, %dma_wait3A_367] : memref<3x8x128xi32, #tpu.memory_space<vmem>> -> memref<1x1x128xi32, #tpu.memory_space<vmem>>
    %dma_wait3A_369 = tpu.memref_squeeze %dma_wait3A_368 : memref<1x1x128xi32, #tpu.memory_space<vmem>> -> memref<128xi32, #tpu.memory_space<vmem>>
    %dma_wait3A_370 = arith.constant 0 : i32
    %dma_wait3A_371 = arith.constant 0 : i32
    %dma_wait3A_372 = tpu.memref_slice %arg29[%dma_wait3A_370, %dma_wait3A_371] : memref<4096x16xf32, #tpu.memory_space<vmem_shared>> -> memref<4096x16xf32, #tpu.memory_space<vmem_shared>>
    tpu.wait_indirect_dma semaphore(%arg35 : memref<!tpu.dma_semaphore, #tpu.memory_space<semaphore_mem>>) src(%dma_wait3A_372 : memref<4096x16xf32, #tpu.memory_space<vmem_shared>>) dst(%arg17 : memref<128x16xf32, #tpu.memory_space<vmem>>)
    %dma_wait3A_373 = arith.constant 0 : i32
    %dma_wait3A_374 = arith.constant 1 : i32
    %dma_wait3A_375 = arith.constant 0 : i32
    %dma_wait3A_376 = tpu.memref_slice %arg10[%dma_wait3A_373, %dma_wait3A_374, %dma_wait3A_375] : memref<3x8x128xi32, #tpu.memory_space<vmem>> -> memref<1x1x128xi32, #tpu.memory_space<vmem>>
    %dma_wait3A_377 = tpu.memref_squeeze %dma_wait3A_376 : memref<1x1x128xi32, #tpu.memory_space<vmem>> -> memref<128xi32, #tpu.memory_space<vmem>>
    %dma_wait3A_378 = arith.constant 0 : i32
    %dma_wait3A_379 = arith.constant 0 : i32
    %dma_wait3A_380 = tpu.memref_slice %arg30[%dma_wait3A_378, %dma_wait3A_379] : memref<4096x16xf32, #tpu.memory_space<vmem_shared>> -> memref<4096x16xf32, #tpu.memory_space<vmem_shared>>
    tpu.wait_indirect_dma semaphore(%arg35 : memref<!tpu.dma_semaphore, #tpu.memory_space<semaphore_mem>>) src(%dma_wait3A_380 : memref<4096x16xf32, #tpu.memory_space<vmem_shared>>) dst(%arg18 : memref<128x16xf32, #tpu.memory_space<vmem>>)
    %dma_wait3A_381 = arith.constant 1 : i32
    %dma_wait3A_382 = arith.constant 1 : i32
    %dma_wait3A_383 = arith.constant 0 : i32
    %dma_wait3A_384 = tpu.memref_slice %arg10[%dma_wait3A_381, %dma_wait3A_382, %dma_wait3A_383] : memref<3x8x128xi32, #tpu.memory_space<vmem>> -> memref<1x1x128xi32, #tpu.memory_space<vmem>>
    %dma_wait3A_385 = tpu.memref_squeeze %dma_wait3A_384 : memref<1x1x128xi32, #tpu.memory_space<vmem>> -> memref<128xi32, #tpu.memory_space<vmem>>
    %dma_wait3A_386 = arith.constant 0 : i32
    %dma_wait3A_387 = arith.constant 0 : i32
    %dma_wait3A_388 = tpu.memref_slice %arg31[%dma_wait3A_386, %dma_wait3A_387] : memref<4096x24xf32, #tpu.memory_space<vmem_shared>> -> memref<4096x24xf32, #tpu.memory_space<vmem_shared>>
    tpu.wait_indirect_dma semaphore(%arg35 : memref<!tpu.dma_semaphore, #tpu.memory_space<semaphore_mem>>) src(%dma_wait3A_388 : memref<4096x24xf32, #tpu.memory_space<vmem_shared>>) dst(%arg19 : memref<128x24xf32, #tpu.memory_space<vmem>>)
    %dma_wait3A_389 = arith.constant 1 : i32
    %dma_wait3A_390 = arith.constant 1 : i32
    %dma_wait3A_391 = arith.constant 0 : i32
    %dma_wait3A_392 = tpu.memref_slice %arg10[%dma_wait3A_389, %dma_wait3A_390, %dma_wait3A_391] : memref<3x8x128xi32, #tpu.memory_space<vmem>> -> memref<1x1x128xi32, #tpu.memory_space<vmem>>
    %dma_wait3A_393 = tpu.memref_squeeze %dma_wait3A_392 : memref<1x1x128xi32, #tpu.memory_space<vmem>> -> memref<128xi32, #tpu.memory_space<vmem>>
    %dma_wait3A_394 = arith.constant 0 : i32
    %dma_wait3A_395 = arith.constant 0 : i32
    %dma_wait3A_396 = tpu.memref_slice %arg32[%dma_wait3A_394, %dma_wait3A_395] : memref<4096x24xf32, #tpu.memory_space<vmem_shared>> -> memref<4096x24xf32, #tpu.memory_space<vmem_shared>>
    tpu.wait_indirect_dma semaphore(%arg35 : memref<!tpu.dma_semaphore, #tpu.memory_space<semaphore_mem>>) src(%dma_wait3A_396 : memref<4096x24xf32, #tpu.memory_space<vmem_shared>>) dst(%arg20 : memref<128x24xf32, #tpu.memory_space<vmem>>)
    %dma_wait3A_397 = arith.constant 2 : i32
    %dma_wait3A_398 = arith.constant 1 : i32
    %dma_wait3A_399 = arith.constant 0 : i32
    %dma_wait3A_400 = tpu.memref_slice %arg10[%dma_wait3A_397, %dma_wait3A_398, %dma_wait3A_399] : memref<3x8x128xi32, #tpu.memory_space<vmem>> -> memref<1x1x128xi32, #tpu.memory_space<vmem>>
    %dma_wait3A_401 = tpu.memref_squeeze %dma_wait3A_400 : memref<1x1x128xi32, #tpu.memory_space<vmem>> -> memref<128xi32, #tpu.memory_space<vmem>>
    %dma_wait3A_402 = arith.constant 0 : i32
    %dma_wait3A_403 = arith.constant 0 : i32
    %dma_wait3A_404 = tpu.memref_slice %arg33[%dma_wait3A_402, %dma_wait3A_403] : memref<4096x24xf32, #tpu.memory_space<vmem_shared>> -> memref<4096x24xf32, #tpu.memory_space<vmem_shared>>
    tpu.wait_indirect_dma semaphore(%arg35 : memref<!tpu.dma_semaphore, #tpu.memory_space<semaphore_mem>>) src(%dma_wait3A_404 : memref<4096x24xf32, #tpu.memory_space<vmem_shared>>) dst(%arg21 : memref<128x24xf32, #tpu.memory_space<vmem>>)
    %dma_wait3A_405 = arith.constant 2 : i32
    %dma_wait3A_406 = arith.constant 1 : i32
    %dma_wait3A_407 = arith.constant 0 : i32
    %dma_wait3A_408 = tpu.memref_slice %arg10[%dma_wait3A_405, %dma_wait3A_406, %dma_wait3A_407] : memref<3x8x128xi32, #tpu.memory_space<vmem>> -> memref<1x1x128xi32, #tpu.memory_space<vmem>>
    %dma_wait3A_409 = tpu.memref_squeeze %dma_wait3A_408 : memref<1x1x128xi32, #tpu.memory_space<vmem>> -> memref<128xi32, #tpu.memory_space<vmem>>
    %dma_wait3A_410 = arith.constant 0 : i32
    %dma_wait3A_411 = arith.constant 0 : i32
    %dma_wait3A_412 = tpu.memref_slice %arg34[%dma_wait3A_410, %dma_wait3A_411] : memref<4096x24xf32, #tpu.memory_space<vmem_shared>> -> memref<4096x24xf32, #tpu.memory_space<vmem_shared>>
    tpu.wait_indirect_dma semaphore(%arg35 : memref<!tpu.dma_semaphore, #tpu.memory_space<semaphore_mem>>) src(%dma_wait3A_412 : memref<4096x24xf32, #tpu.memory_space<vmem_shared>>) dst(%arg22 : memref<128x24xf32, #tpu.memory_space<vmem>>)
    %add3A_413 = arith.constant 128 : i32
    %add3A_414 = arith.addi %mul3A_2, %add3A_413 : i32
    %dma_start3A_415 = arith.constant 0 : i32
    %dma_start3A_416 = tpu.memref_slice %arg9[%add3A_414, %dma_start3A_415] : memref<32768x128xf32, #tpu.memory_space<hbm>> -> memref<128x16xf32, #tpu.memory_space<hbm>>
    %dma_start3A_417 = arith.constant 0 : i32
    %dma_start3A_418 = tpu.memref_slice %arg9[%add3A_414, %dma_start3A_417] : memref<32768x128xf32, #tpu.memory_space<hbm>> -> memref<128x16xf32, #tpu.memory_space<hbm>>
    tpu.enqueue_dma source(%arg17 : memref<128x16xf32, #tpu.memory_space<vmem>>) target(%dma_start3A_418 : memref<128x16xf32, #tpu.memory_space<hbm>>) target_semaphore(%arg36 : memref<!tpu.dma_semaphore, #tpu.memory_space<semaphore_mem>>)
    %add3A_419 = arith.constant 128 : i32
    %add3A_420 = arith.addi %mul3A_2, %add3A_419 : i32
    %dma_start3A_421 = arith.constant 64 : i32
    %dma_start3A_422 = tpu.memref_slice %arg9[%add3A_420, %dma_start3A_421] : memref<32768x128xf32, #tpu.memory_space<hbm>> -> memref<128x16xf32, #tpu.memory_space<hbm>>
    %dma_start3A_423 = arith.constant 64 : i32
    %dma_start3A_424 = tpu.memref_slice %arg9[%add3A_420, %dma_start3A_423] : memref<32768x128xf32, #tpu.memory_space<hbm>> -> memref<128x16xf32, #tpu.memory_space<hbm>>
    tpu.enqueue_dma source(%arg18 : memref<128x16xf32, #tpu.memory_space<vmem>>) target(%dma_start3A_424 : memref<128x16xf32, #tpu.memory_space<hbm>>) target_semaphore(%arg36 : memref<!tpu.dma_semaphore, #tpu.memory_space<semaphore_mem>>)
    %add3A_425 = arith.constant 128 : i32
    %add3A_426 = arith.addi %mul3A_2, %add3A_425 : i32
    %dma_start3A_427 = arith.constant 16 : i32
    %dma_start3A_428 = tpu.memref_slice %arg9[%add3A_426, %dma_start3A_427] : memref<32768x128xf32, #tpu.memory_space<hbm>> -> memref<128x24xf32, #tpu.memory_space<hbm>>
    %dma_start3A_429 = arith.constant 16 : i32
    %dma_start3A_430 = tpu.memref_slice %arg9[%add3A_426, %dma_start3A_429] : memref<32768x128xf32, #tpu.memory_space<hbm>> -> memref<128x24xf32, #tpu.memory_space<hbm>>
    tpu.enqueue_dma source(%arg19 : memref<128x24xf32, #tpu.memory_space<vmem>>) target(%dma_start3A_430 : memref<128x24xf32, #tpu.memory_space<hbm>>) target_semaphore(%arg36 : memref<!tpu.dma_semaphore, #tpu.memory_space<semaphore_mem>>)
    %add3A_431 = arith.constant 128 : i32
    %add3A_432 = arith.addi %mul3A_2, %add3A_431 : i32
    %dma_start3A_433 = arith.constant 80 : i32
    %dma_start3A_434 = tpu.memref_slice %arg9[%add3A_432, %dma_start3A_433] : memref<32768x128xf32, #tpu.memory_space<hbm>> -> memref<128x24xf32, #tpu.memory_space<hbm>>
    %dma_start3A_435 = arith.constant 80 : i32
    %dma_start3A_436 = tpu.memref_slice %arg9[%add3A_432, %dma_start3A_435] : memref<32768x128xf32, #tpu.memory_space<hbm>> -> memref<128x24xf32, #tpu.memory_space<hbm>>
    tpu.enqueue_dma source(%arg20 : memref<128x24xf32, #tpu.memory_space<vmem>>) target(%dma_start3A_436 : memref<128x24xf32, #tpu.memory_space<hbm>>) target_semaphore(%arg36 : memref<!tpu.dma_semaphore, #tpu.memory_space<semaphore_mem>>)
    %add3A_437 = arith.constant 128 : i32
    %add3A_438 = arith.addi %mul3A_2, %add3A_437 : i32
    %dma_start3A_439 = arith.constant 40 : i32
    %dma_start3A_440 = tpu.memref_slice %arg9[%add3A_438, %dma_start3A_439] : memref<32768x128xf32, #tpu.memory_space<hbm>> -> memref<128x24xf32, #tpu.memory_space<hbm>>
    %dma_start3A_441 = arith.constant 40 : i32
    %dma_start3A_442 = tpu.memref_slice %arg9[%add3A_438, %dma_start3A_441] : memref<32768x128xf32, #tpu.memory_space<hbm>> -> memref<128x24xf32, #tpu.memory_space<hbm>>
    tpu.enqueue_dma source(%arg21 : memref<128x24xf32, #tpu.memory_space<vmem>>) target(%dma_start3A_442 : memref<128x24xf32, #tpu.memory_space<hbm>>) target_semaphore(%arg36 : memref<!tpu.dma_semaphore, #tpu.memory_space<semaphore_mem>>)
    %add3A_443 = arith.constant 128 : i32
    %add3A_444 = arith.addi %mul3A_2, %add3A_443 : i32
    %dma_start3A_445 = arith.constant 104 : i32
    %dma_start3A_446 = tpu.memref_slice %arg9[%add3A_444, %dma_start3A_445] : memref<32768x128xf32, #tpu.memory_space<hbm>> -> memref<128x24xf32, #tpu.memory_space<hbm>>
    %dma_start3A_447 = arith.constant 104 : i32
    %dma_start3A_448 = tpu.memref_slice %arg9[%add3A_444, %dma_start3A_447] : memref<32768x128xf32, #tpu.memory_space<hbm>> -> memref<128x24xf32, #tpu.memory_space<hbm>>
    tpu.enqueue_dma source(%arg22 : memref<128x24xf32, #tpu.memory_space<vmem>>) target(%dma_start3A_448 : memref<128x24xf32, #tpu.memory_space<hbm>>) target_semaphore(%arg36 : memref<!tpu.dma_semaphore, #tpu.memory_space<semaphore_mem>>)
    %add3A_449 = arith.constant 128 : i32
    %add3A_450 = arith.addi %mul3A_2, %add3A_449 : i32
    %dma_wait3A_451 = arith.constant 0 : i32
    %dma_wait3A_452 = tpu.memref_slice %arg9[%add3A_450, %dma_wait3A_451] : memref<32768x128xf32, #tpu.memory_space<hbm>> -> memref<128x16xf32, #tpu.memory_space<hbm>>
    %dma_wait3A_453 = arith.constant 0 : i32
    %dma_wait3A_454 = tpu.memref_slice %arg9[%add3A_450, %dma_wait3A_453] : memref<32768x128xf32, #tpu.memory_space<hbm>> -> memref<128x16xf32, #tpu.memory_space<hbm>>
    tpu.wait_dma2 semaphore(%arg36 : memref<!tpu.dma_semaphore, #tpu.memory_space<semaphore_mem>>) src(%arg17 : memref<128x16xf32, #tpu.memory_space<vmem>>) dst(%dma_wait3A_454 : memref<128x16xf32, #tpu.memory_space<hbm>>)
    %add3A_455 = arith.constant 128 : i32
    %add3A_456 = arith.addi %mul3A_2, %add3A_455 : i32
    %dma_wait3A_457 = arith.constant 64 : i32
    %dma_wait3A_458 = tpu.memref_slice %arg9[%add3A_456, %dma_wait3A_457] : memref<32768x128xf32, #tpu.memory_space<hbm>> -> memref<128x16xf32, #tpu.memory_space<hbm>>
    %dma_wait3A_459 = arith.constant 64 : i32
    %dma_wait3A_460 = tpu.memref_slice %arg9[%add3A_456, %dma_wait3A_459] : memref<32768x128xf32, #tpu.memory_space<hbm>> -> memref<128x16xf32, #tpu.memory_space<hbm>>
    tpu.wait_dma2 semaphore(%arg36 : memref<!tpu.dma_semaphore, #tpu.memory_space<semaphore_mem>>) src(%arg18 : memref<128x16xf32, #tpu.memory_space<vmem>>) dst(%dma_wait3A_460 : memref<128x16xf32, #tpu.memory_space<hbm>>)
    %add3A_461 = arith.constant 128 : i32
    %add3A_462 = arith.addi %mul3A_2, %add3A_461 : i32
    %dma_wait3A_463 = arith.constant 16 : i32
    %dma_wait3A_464 = tpu.memref_slice %arg9[%add3A_462, %dma_wait3A_463] : memref<32768x128xf32, #tpu.memory_space<hbm>> -> memref<128x24xf32, #tpu.memory_space<hbm>>
    %dma_wait3A_465 = arith.constant 16 : i32
    %dma_wait3A_466 = tpu.memref_slice %arg9[%add3A_462, %dma_wait3A_465] : memref<32768x128xf32, #tpu.memory_space<hbm>> -> memref<128x24xf32, #tpu.memory_space<hbm>>
    tpu.wait_dma2 semaphore(%arg36 : memref<!tpu.dma_semaphore, #tpu.memory_space<semaphore_mem>>) src(%arg19 : memref<128x24xf32, #tpu.memory_space<vmem>>) dst(%dma_wait3A_466 : memref<128x24xf32, #tpu.memory_space<hbm>>)
    %add3A_467 = arith.constant 128 : i32
    %add3A_468 = arith.addi %mul3A_2, %add3A_467 : i32
    %dma_wait3A_469 = arith.constant 80 : i32
    %dma_wait3A_470 = tpu.memref_slice %arg9[%add3A_468, %dma_wait3A_469] : memref<32768x128xf32, #tpu.memory_space<hbm>> -> memref<128x24xf32, #tpu.memory_space<hbm>>
    %dma_wait3A_471 = arith.constant 80 : i32
    %dma_wait3A_472 = tpu.memref_slice %arg9[%add3A_468, %dma_wait3A_471] : memref<32768x128xf32, #tpu.memory_space<hbm>> -> memref<128x24xf32, #tpu.memory_space<hbm>>
    tpu.wait_dma2 semaphore(%arg36 : memref<!tpu.dma_semaphore, #tpu.memory_space<semaphore_mem>>) src(%arg20 : memref<128x24xf32, #tpu.memory_space<vmem>>) dst(%dma_wait3A_472 : memref<128x24xf32, #tpu.memory_space<hbm>>)
    %add3A_473 = arith.constant 128 : i32
    %add3A_474 = arith.addi %mul3A_2, %add3A_473 : i32
    %dma_wait3A_475 = arith.constant 40 : i32
    %dma_wait3A_476 = tpu.memref_slice %arg9[%add3A_474, %dma_wait3A_475] : memref<32768x128xf32, #tpu.memory_space<hbm>> -> memref<128x24xf32, #tpu.memory_space<hbm>>
    %dma_wait3A_477 = arith.constant 40 : i32
    %dma_wait3A_478 = tpu.memref_slice %arg9[%add3A_474, %dma_wait3A_477] : memref<32768x128xf32, #tpu.memory_space<hbm>> -> memref<128x24xf32, #tpu.memory_space<hbm>>
    tpu.wait_dma2 semaphore(%arg36 : memref<!tpu.dma_semaphore, #tpu.memory_space<semaphore_mem>>) src(%arg21 : memref<128x24xf32, #tpu.memory_space<vmem>>) dst(%dma_wait3A_478 : memref<128x24xf32, #tpu.memory_space<hbm>>)
    %add3A_479 = arith.constant 128 : i32
    %add3A_480 = arith.addi %mul3A_2, %add3A_479 : i32
    %dma_wait3A_481 = arith.constant 104 : i32
    %dma_wait3A_482 = tpu.memref_slice %arg9[%add3A_480, %dma_wait3A_481] : memref<32768x128xf32, #tpu.memory_space<hbm>> -> memref<128x24xf32, #tpu.memory_space<hbm>>
    %dma_wait3A_483 = arith.constant 104 : i32
    %dma_wait3A_484 = tpu.memref_slice %arg9[%add3A_480, %dma_wait3A_483] : memref<32768x128xf32, #tpu.memory_space<hbm>> -> memref<128x24xf32, #tpu.memory_space<hbm>>
    tpu.wait_dma2 semaphore(%arg36 : memref<!tpu.dma_semaphore, #tpu.memory_space<semaphore_mem>>) src(%arg22 : memref<128x24xf32, #tpu.memory_space<vmem>>) dst(%dma_wait3A_484 : memref<128x24xf32, #tpu.memory_space<hbm>>)
    %dma_start3A_485 = arith.constant 0 : i32
    %dma_start3A_486 = arith.constant 4 : i32
    %dma_start3A_487 = arith.constant 0 : i32
    %dma_start3A_488 = tpu.memref_slice %arg10[%dma_start3A_485, %dma_start3A_486, %dma_start3A_487] : memref<3x8x128xi32, #tpu.memory_space<vmem>> -> memref<1x1x128xi32, #tpu.memory_space<vmem>>
    %dma_start3A_489 = tpu.memref_squeeze %dma_start3A_488 : memref<1x1x128xi32, #tpu.memory_space<vmem>> -> memref<128xi32, #tpu.memory_space<vmem>>
    %dma_start3A_490 = arith.constant 0 : i32
    %dma_start3A_491 = arith.constant 0 : i32
    %dma_start3A_492 = tpu.memref_slice %arg29[%dma_start3A_490, %dma_start3A_491] : memref<4096x16xf32, #tpu.memory_space<vmem_shared>> -> memref<4096x16xf32, #tpu.memory_space<vmem_shared>>
    tpu.enqueue_indirect_dma source(%dma_start3A_492 : memref<4096x16xf32, #tpu.memory_space<vmem_shared>>) target(%arg17 : memref<128x16xf32, #tpu.memory_space<vmem>>) offsets(%dma_start3A_489 : memref<128xi32, #tpu.memory_space<vmem>>) semaphore(%arg35 : memref<!tpu.dma_semaphore, #tpu.memory_space<semaphore_mem>>)
    %dma_start3A_493 = arith.constant 0 : i32
    %dma_start3A_494 = arith.constant 4 : i32
    %dma_start3A_495 = arith.constant 0 : i32
    %dma_start3A_496 = tpu.memref_slice %arg10[%dma_start3A_493, %dma_start3A_494, %dma_start3A_495] : memref<3x8x128xi32, #tpu.memory_space<vmem>> -> memref<1x1x128xi32, #tpu.memory_space<vmem>>
    %dma_start3A_497 = tpu.memref_squeeze %dma_start3A_496 : memref<1x1x128xi32, #tpu.memory_space<vmem>> -> memref<128xi32, #tpu.memory_space<vmem>>
    %dma_start3A_498 = arith.constant 0 : i32
    %dma_start3A_499 = arith.constant 0 : i32
    %dma_start3A_500 = tpu.memref_slice %arg30[%dma_start3A_498, %dma_start3A_499] : memref<4096x16xf32, #tpu.memory_space<vmem_shared>> -> memref<4096x16xf32, #tpu.memory_space<vmem_shared>>
    tpu.enqueue_indirect_dma source(%dma_start3A_500 : memref<4096x16xf32, #tpu.memory_space<vmem_shared>>) target(%arg18 : memref<128x16xf32, #tpu.memory_space<vmem>>) offsets(%dma_start3A_497 : memref<128xi32, #tpu.memory_space<vmem>>) semaphore(%arg35 : memref<!tpu.dma_semaphore, #tpu.memory_space<semaphore_mem>>)
    %dma_start3A_501 = arith.constant 1 : i32
    %dma_start3A_502 = arith.constant 4 : i32
    %dma_start3A_503 = arith.constant 0 : i32
    %dma_start3A_504 = tpu.memref_slice %arg10[%dma_start3A_501, %dma_start3A_502, %dma_start3A_503] : memref<3x8x128xi32, #tpu.memory_space<vmem>> -> memref<1x1x128xi32, #tpu.memory_space<vmem>>
    %dma_start3A_505 = tpu.memref_squeeze %dma_start3A_504 : memref<1x1x128xi32, #tpu.memory_space<vmem>> -> memref<128xi32, #tpu.memory_space<vmem>>
    %dma_start3A_506 = arith.constant 0 : i32
    %dma_start3A_507 = arith.constant 0 : i32
    %dma_start3A_508 = tpu.memref_slice %arg31[%dma_start3A_506, %dma_start3A_507] : memref<4096x24xf32, #tpu.memory_space<vmem_shared>> -> memref<4096x24xf32, #tpu.memory_space<vmem_shared>>
    tpu.enqueue_indirect_dma source(%dma_start3A_508 : memref<4096x24xf32, #tpu.memory_space<vmem_shared>>) target(%arg19 : memref<128x24xf32, #tpu.memory_space<vmem>>) offsets(%dma_start3A_505 : memref<128xi32, #tpu.memory_space<vmem>>) semaphore(%arg35 : memref<!tpu.dma_semaphore, #tpu.memory_space<semaphore_mem>>)
    %dma_start3A_509 = arith.constant 1 : i32
    %dma_start3A_510 = arith.constant 4 : i32
    %dma_start3A_511 = arith.constant 0 : i32
    %dma_start3A_512 = tpu.memref_slice %arg10[%dma_start3A_509, %dma_start3A_510, %dma_start3A_511] : memref<3x8x128xi32, #tpu.memory_space<vmem>> -> memref<1x1x128xi32, #tpu.memory_space<vmem>>
    %dma_start3A_513 = tpu.memref_squeeze %dma_start3A_512 : memref<1x1x128xi32, #tpu.memory_space<vmem>> -> memref<128xi32, #tpu.memory_space<vmem>>
    %dma_start3A_514 = arith.constant 0 : i32
    %dma_start3A_515 = arith.constant 0 : i32
    %dma_start3A_516 = tpu.memref_slice %arg32[%dma_start3A_514, %dma_start3A_515] : memref<4096x24xf32, #tpu.memory_space<vmem_shared>> -> memref<4096x24xf32, #tpu.memory_space<vmem_shared>>
    tpu.enqueue_indirect_dma source(%dma_start3A_516 : memref<4096x24xf32, #tpu.memory_space<vmem_shared>>) target(%arg20 : memref<128x24xf32, #tpu.memory_space<vmem>>) offsets(%dma_start3A_513 : memref<128xi32, #tpu.memory_space<vmem>>) semaphore(%arg35 : memref<!tpu.dma_semaphore, #tpu.memory_space<semaphore_mem>>)
    %dma_start3A_517 = arith.constant 2 : i32
    %dma_start3A_518 = arith.constant 4 : i32
    %dma_start3A_519 = arith.constant 0 : i32
    %dma_start3A_520 = tpu.memref_slice %arg10[%dma_start3A_517, %dma_start3A_518, %dma_start3A_519] : memref<3x8x128xi32, #tpu.memory_space<vmem>> -> memref<1x1x128xi32, #tpu.memory_space<vmem>>
    %dma_start3A_521 = tpu.memref_squeeze %dma_start3A_520 : memref<1x1x128xi32, #tpu.memory_space<vmem>> -> memref<128xi32, #tpu.memory_space<vmem>>
    %dma_start3A_522 = arith.constant 0 : i32
    %dma_start3A_523 = arith.constant 0 : i32
    %dma_start3A_524 = tpu.memref_slice %arg33[%dma_start3A_522, %dma_start3A_523] : memref<4096x24xf32, #tpu.memory_space<vmem_shared>> -> memref<4096x24xf32, #tpu.memory_space<vmem_shared>>
    tpu.enqueue_indirect_dma source(%dma_start3A_524 : memref<4096x24xf32, #tpu.memory_space<vmem_shared>>) target(%arg21 : memref<128x24xf32, #tpu.memory_space<vmem>>) offsets(%dma_start3A_521 : memref<128xi32, #tpu.memory_space<vmem>>) semaphore(%arg35 : memref<!tpu.dma_semaphore, #tpu.memory_space<semaphore_mem>>)
    %dma_start3A_525 = arith.constant 2 : i32
    %dma_start3A_526 = arith.constant 4 : i32
    %dma_start3A_527 = arith.constant 0 : i32
    %dma_start3A_528 = tpu.memref_slice %arg10[%dma_start3A_525, %dma_start3A_526, %dma_start3A_527] : memref<3x8x128xi32, #tpu.memory_space<vmem>> -> memref<1x1x128xi32, #tpu.memory_space<vmem>>
    %dma_start3A_529 = tpu.memref_squeeze %dma_start3A_528 : memref<1x1x128xi32, #tpu.memory_space<vmem>> -> memref<128xi32, #tpu.memory_space<vmem>>
    %dma_start3A_530 = arith.constant 0 : i32
    %dma_start3A_531 = arith.constant 0 : i32
    %dma_start3A_532 = tpu.memref_slice %arg34[%dma_start3A_530, %dma_start3A_531] : memref<4096x24xf32, #tpu.memory_space<vmem_shared>> -> memref<4096x24xf32, #tpu.memory_space<vmem_shared>>
    tpu.enqueue_indirect_dma source(%dma_start3A_532 : memref<4096x24xf32, #tpu.memory_space<vmem_shared>>) target(%arg22 : memref<128x24xf32, #tpu.memory_space<vmem>>) offsets(%dma_start3A_529 : memref<128xi32, #tpu.memory_space<vmem>>) semaphore(%arg35 : memref<!tpu.dma_semaphore, #tpu.memory_space<semaphore_mem>>)
    %dma_wait3A_533 = arith.constant 0 : i32
    %dma_wait3A_534 = arith.constant 2 : i32
    %dma_wait3A_535 = arith.constant 0 : i32
    %dma_wait3A_536 = tpu.memref_slice %arg10[%dma_wait3A_533, %dma_wait3A_534, %dma_wait3A_535] : memref<3x8x128xi32, #tpu.memory_space<vmem>> -> memref<1x1x128xi32, #tpu.memory_space<vmem>>
    %dma_wait3A_537 = tpu.memref_squeeze %dma_wait3A_536 : memref<1x1x128xi32, #tpu.memory_space<vmem>> -> memref<128xi32, #tpu.memory_space<vmem>>
    %dma_wait3A_538 = arith.constant 0 : i32
    %dma_wait3A_539 = arith.constant 0 : i32
    %dma_wait3A_540 = tpu.memref_slice %arg29[%dma_wait3A_538, %dma_wait3A_539] : memref<4096x16xf32, #tpu.memory_space<vmem_shared>> -> memref<4096x16xf32, #tpu.memory_space<vmem_shared>>
    tpu.wait_indirect_dma semaphore(%arg35 : memref<!tpu.dma_semaphore, #tpu.memory_space<semaphore_mem>>) src(%dma_wait3A_540 : memref<4096x16xf32, #tpu.memory_space<vmem_shared>>) dst(%arg23 : memref<128x16xf32, #tpu.memory_space<vmem>>)
    %dma_wait3A_541 = arith.constant 0 : i32
    %dma_wait3A_542 = arith.constant 2 : i32
    %dma_wait3A_543 = arith.constant 0 : i32
    %dma_wait3A_544 = tpu.memref_slice %arg10[%dma_wait3A_541, %dma_wait3A_542, %dma_wait3A_543] : memref<3x8x128xi32, #tpu.memory_space<vmem>> -> memref<1x1x128xi32, #tpu.memory_space<vmem>>
    %dma_wait3A_545 = tpu.memref_squeeze %dma_wait3A_544 : memref<1x1x128xi32, #tpu.memory_space<vmem>> -> memref<128xi32, #tpu.memory_space<vmem>>
    %dma_wait3A_546 = arith.constant 0 : i32
    %dma_wait3A_547 = arith.constant 0 : i32
    %dma_wait3A_548 = tpu.memref_slice %arg30[%dma_wait3A_546, %dma_wait3A_547] : memref<4096x16xf32, #tpu.memory_space<vmem_shared>> -> memref<4096x16xf32, #tpu.memory_space<vmem_shared>>
    tpu.wait_indirect_dma semaphore(%arg35 : memref<!tpu.dma_semaphore, #tpu.memory_space<semaphore_mem>>) src(%dma_wait3A_548 : memref<4096x16xf32, #tpu.memory_space<vmem_shared>>) dst(%arg24 : memref<128x16xf32, #tpu.memory_space<vmem>>)
    %dma_wait3A_549 = arith.constant 1 : i32
    %dma_wait3A_550 = arith.constant 2 : i32
    %dma_wait3A_551 = arith.constant 0 : i32
    %dma_wait3A_552 = tpu.memref_slice %arg10[%dma_wait3A_549, %dma_wait3A_550, %dma_wait3A_551] : memref<3x8x128xi32, #tpu.memory_space<vmem>> -> memref<1x1x128xi32, #tpu.memory_space<vmem>>
    %dma_wait3A_553 = tpu.memref_squeeze %dma_wait3A_552 : memref<1x1x128xi32, #tpu.memory_space<vmem>> -> memref<128xi32, #tpu.memory_space<vmem>>
    %dma_wait3A_554 = arith.constant 0 : i32
    %dma_wait3A_555 = arith.constant 0 : i32
    %dma_wait3A_556 = tpu.memref_slice %arg31[%dma_wait3A_554, %dma_wait3A_555] : memref<4096x24xf32, #tpu.memory_space<vmem_shared>> -> memref<4096x24xf32, #tpu.memory_space<vmem_shared>>
    tpu.wait_indirect_dma semaphore(%arg35 : memref<!tpu.dma_semaphore, #tpu.memory_space<semaphore_mem>>) src(%dma_wait3A_556 : memref<4096x24xf32, #tpu.memory_space<vmem_shared>>) dst(%arg25 : memref<128x24xf32, #tpu.memory_space<vmem>>)
    %dma_wait3A_557 = arith.constant 1 : i32
    %dma_wait3A_558 = arith.constant 2 : i32
    %dma_wait3A_559 = arith.constant 0 : i32
    %dma_wait3A_560 = tpu.memref_slice %arg10[%dma_wait3A_557, %dma_wait3A_558, %dma_wait3A_559] : memref<3x8x128xi32, #tpu.memory_space<vmem>> -> memref<1x1x128xi32, #tpu.memory_space<vmem>>
    %dma_wait3A_561 = tpu.memref_squeeze %dma_wait3A_560 : memref<1x1x128xi32, #tpu.memory_space<vmem>> -> memref<128xi32, #tpu.memory_space<vmem>>
    %dma_wait3A_562 = arith.constant 0 : i32
    %dma_wait3A_563 = arith.constant 0 : i32
    %dma_wait3A_564 = tpu.memref_slice %arg32[%dma_wait3A_562, %dma_wait3A_563] : memref<4096x24xf32, #tpu.memory_space<vmem_shared>> -> memref<4096x24xf32, #tpu.memory_space<vmem_shared>>
    tpu.wait_indirect_dma semaphore(%arg35 : memref<!tpu.dma_semaphore, #tpu.memory_space<semaphore_mem>>) src(%dma_wait3A_564 : memref<4096x24xf32, #tpu.memory_space<vmem_shared>>) dst(%arg26 : memref<128x24xf32, #tpu.memory_space<vmem>>)
    %dma_wait3A_565 = arith.constant 2 : i32
    %dma_wait3A_566 = arith.constant 2 : i32
    %dma_wait3A_567 = arith.constant 0 : i32
    %dma_wait3A_568 = tpu.memref_slice %arg10[%dma_wait3A_565, %dma_wait3A_566, %dma_wait3A_567] : memref<3x8x128xi32, #tpu.memory_space<vmem>> -> memref<1x1x128xi32, #tpu.memory_space<vmem>>
    %dma_wait3A_569 = tpu.memref_squeeze %dma_wait3A_568 : memref<1x1x128xi32, #tpu.memory_space<vmem>> -> memref<128xi32, #tpu.memory_space<vmem>>
    %dma_wait3A_570 = arith.constant 0 : i32
    %dma_wait3A_571 = arith.constant 0 : i32
    %dma_wait3A_572 = tpu.memref_slice %arg33[%dma_wait3A_570, %dma_wait3A_571] : memref<4096x24xf32, #tpu.memory_space<vmem_shared>> -> memref<4096x24xf32, #tpu.memory_space<vmem_shared>>
    tpu.wait_indirect_dma semaphore(%arg35 : memref<!tpu.dma_semaphore, #tpu.memory_space<semaphore_mem>>) src(%dma_wait3A_572 : memref<4096x24xf32, #tpu.memory_space<vmem_shared>>) dst(%arg27 : memref<128x24xf32, #tpu.memory_space<vmem>>)
    %dma_wait3A_573 = arith.constant 2 : i32
    %dma_wait3A_574 = arith.constant 2 : i32
    %dma_wait3A_575 = arith.constant 0 : i32
    %dma_wait3A_576 = tpu.memref_slice %arg10[%dma_wait3A_573, %dma_wait3A_574, %dma_wait3A_575] : memref<3x8x128xi32, #tpu.memory_space<vmem>> -> memref<1x1x128xi32, #tpu.memory_space<vmem>>
    %dma_wait3A_577 = tpu.memref_squeeze %dma_wait3A_576 : memref<1x1x128xi32, #tpu.memory_space<vmem>> -> memref<128xi32, #tpu.memory_space<vmem>>
    %dma_wait3A_578 = arith.constant 0 : i32
    %dma_wait3A_579 = arith.constant 0 : i32
    %dma_wait3A_580 = tpu.memref_slice %arg34[%dma_wait3A_578, %dma_wait3A_579] : memref<4096x24xf32, #tpu.memory_space<vmem_shared>> -> memref<4096x24xf32, #tpu.memory_space<vmem_shared>>
    tpu.wait_indirect_dma semaphore(%arg35 : memref<!tpu.dma_semaphore, #tpu.memory_space<semaphore_mem>>) src(%dma_wait3A_580 : memref<4096x24xf32, #tpu.memory_space<vmem_shared>>) dst(%arg28 : memref<128x24xf32, #tpu.memory_space<vmem>>)
    %add3A_581 = arith.constant 256 : i32
    %add3A_582 = arith.addi %mul3A_2, %add3A_581 : i32
    %dma_start3A_583 = arith.constant 0 : i32
    %dma_start3A_584 = tpu.memref_slice %arg9[%add3A_582, %dma_start3A_583] : memref<32768x128xf32, #tpu.memory_space<hbm>> -> memref<128x16xf32, #tpu.memory_space<hbm>>
    %dma_start3A_585 = arith.constant 0 : i32
    %dma_start3A_586 = tpu.memref_slice %arg9[%add3A_582, %dma_start3A_585] : memref<32768x128xf32, #tpu.memory_space<hbm>> -> memref<128x16xf32, #tpu.memory_space<hbm>>
    tpu.enqueue_dma source(%arg23 : memref<128x16xf32, #tpu.memory_space<vmem>>) target(%dma_start3A_586 : memref<128x16xf32, #tpu.memory_space<hbm>>) target_semaphore(%arg36 : memref<!tpu.dma_semaphore, #tpu.memory_space<semaphore_mem>>)
    %add3A_587 = arith.constant 256 : i32
    %add3A_588 = arith.addi %mul3A_2, %add3A_587 : i32
    %dma_start3A_589 = arith.constant 64 : i32
    %dma_start3A_590 = tpu.memref_slice %arg9[%add3A_588, %dma_start3A_589] : memref<32768x128xf32, #tpu.memory_space<hbm>> -> memref<128x16xf32, #tpu.memory_space<hbm>>
    %dma_start3A_591 = arith.constant 64 : i32
    %dma_start3A_592 = tpu.memref_slice %arg9[%add3A_588, %dma_start3A_591] : memref<32768x128xf32, #tpu.memory_space<hbm>> -> memref<128x16xf32, #tpu.memory_space<hbm>>
    tpu.enqueue_dma source(%arg24 : memref<128x16xf32, #tpu.memory_space<vmem>>) target(%dma_start3A_592 : memref<128x16xf32, #tpu.memory_space<hbm>>) target_semaphore(%arg36 : memref<!tpu.dma_semaphore, #tpu.memory_space<semaphore_mem>>)
    %add3A_593 = arith.constant 256 : i32
    %add3A_594 = arith.addi %mul3A_2, %add3A_593 : i32
    %dma_start3A_595 = arith.constant 16 : i32
    %dma_start3A_596 = tpu.memref_slice %arg9[%add3A_594, %dma_start3A_595] : memref<32768x128xf32, #tpu.memory_space<hbm>> -> memref<128x24xf32, #tpu.memory_space<hbm>>
    %dma_start3A_597 = arith.constant 16 : i32
    %dma_start3A_598 = tpu.memref_slice %arg9[%add3A_594, %dma_start3A_597] : memref<32768x128xf32, #tpu.memory_space<hbm>> -> memref<128x24xf32, #tpu.memory_space<hbm>>
    tpu.enqueue_dma source(%arg25 : memref<128x24xf32, #tpu.memory_space<vmem>>) target(%dma_start3A_598 : memref<128x24xf32, #tpu.memory_space<hbm>>) target_semaphore(%arg36 : memref<!tpu.dma_semaphore, #tpu.memory_space<semaphore_mem>>)
    %add3A_599 = arith.constant 256 : i32
    %add3A_600 = arith.addi %mul3A_2, %add3A_599 : i32
    %dma_start3A_601 = arith.constant 80 : i32
    %dma_start3A_602 = tpu.memref_slice %arg9[%add3A_600, %dma_start3A_601] : memref<32768x128xf32, #tpu.memory_space<hbm>> -> memref<128x24xf32, #tpu.memory_space<hbm>>
    %dma_start3A_603 = arith.constant 80 : i32
    %dma_start3A_604 = tpu.memref_slice %arg9[%add3A_600, %dma_start3A_603] : memref<32768x128xf32, #tpu.memory_space<hbm>> -> memref<128x24xf32, #tpu.memory_space<hbm>>
    tpu.enqueue_dma source(%arg26 : memref<128x24xf32, #tpu.memory_space<vmem>>) target(%dma_start3A_604 : memref<128x24xf32, #tpu.memory_space<hbm>>) target_semaphore(%arg36 : memref<!tpu.dma_semaphore, #tpu.memory_space<semaphore_mem>>)
    %add3A_605 = arith.constant 256 : i32
    %add3A_606 = arith.addi %mul3A_2, %add3A_605 : i32
    %dma_start3A_607 = arith.constant 40 : i32
    %dma_start3A_608 = tpu.memref_slice %arg9[%add3A_606, %dma_start3A_607] : memref<32768x128xf32, #tpu.memory_space<hbm>> -> memref<128x24xf32, #tpu.memory_space<hbm>>
    %dma_start3A_609 = arith.constant 40 : i32
    %dma_start3A_610 = tpu.memref_slice %arg9[%add3A_606, %dma_start3A_609] : memref<32768x128xf32, #tpu.memory_space<hbm>> -> memref<128x24xf32, #tpu.memory_space<hbm>>
    tpu.enqueue_dma source(%arg27 : memref<128x24xf32, #tpu.memory_space<vmem>>) target(%dma_start3A_610 : memref<128x24xf32, #tpu.memory_space<hbm>>) target_semaphore(%arg36 : memref<!tpu.dma_semaphore, #tpu.memory_space<semaphore_mem>>)
    %add3A_611 = arith.constant 256 : i32
    %add3A_612 = arith.addi %mul3A_2, %add3A_611 : i32
    %dma_start3A_613 = arith.constant 104 : i32
    %dma_start3A_614 = tpu.memref_slice %arg9[%add3A_612, %dma_start3A_613] : memref<32768x128xf32, #tpu.memory_space<hbm>> -> memref<128x24xf32, #tpu.memory_space<hbm>>
    %dma_start3A_615 = arith.constant 104 : i32
    %dma_start3A_616 = tpu.memref_slice %arg9[%add3A_612, %dma_start3A_615] : memref<32768x128xf32, #tpu.memory_space<hbm>> -> memref<128x24xf32, #tpu.memory_space<hbm>>
    tpu.enqueue_dma source(%arg28 : memref<128x24xf32, #tpu.memory_space<vmem>>) target(%dma_start3A_616 : memref<128x24xf32, #tpu.memory_space<hbm>>) target_semaphore(%arg36 : memref<!tpu.dma_semaphore, #tpu.memory_space<semaphore_mem>>)
    %add3A_617 = arith.constant 256 : i32
    %add3A_618 = arith.addi %mul3A_2, %add3A_617 : i32
    %dma_wait3A_619 = arith.constant 0 : i32
    %dma_wait3A_620 = tpu.memref_slice %arg9[%add3A_618, %dma_wait3A_619] : memref<32768x128xf32, #tpu.memory_space<hbm>> -> memref<128x16xf32, #tpu.memory_space<hbm>>
    %dma_wait3A_621 = arith.constant 0 : i32
    %dma_wait3A_622 = tpu.memref_slice %arg9[%add3A_618, %dma_wait3A_621] : memref<32768x128xf32, #tpu.memory_space<hbm>> -> memref<128x16xf32, #tpu.memory_space<hbm>>
    tpu.wait_dma2 semaphore(%arg36 : memref<!tpu.dma_semaphore, #tpu.memory_space<semaphore_mem>>) src(%arg23 : memref<128x16xf32, #tpu.memory_space<vmem>>) dst(%dma_wait3A_622 : memref<128x16xf32, #tpu.memory_space<hbm>>)
    %add3A_623 = arith.constant 256 : i32
    %add3A_624 = arith.addi %mul3A_2, %add3A_623 : i32
    %dma_wait3A_625 = arith.constant 64 : i32
    %dma_wait3A_626 = tpu.memref_slice %arg9[%add3A_624, %dma_wait3A_625] : memref<32768x128xf32, #tpu.memory_space<hbm>> -> memref<128x16xf32, #tpu.memory_space<hbm>>
    %dma_wait3A_627 = arith.constant 64 : i32
    %dma_wait3A_628 = tpu.memref_slice %arg9[%add3A_624, %dma_wait3A_627] : memref<32768x128xf32, #tpu.memory_space<hbm>> -> memref<128x16xf32, #tpu.memory_space<hbm>>
    tpu.wait_dma2 semaphore(%arg36 : memref<!tpu.dma_semaphore, #tpu.memory_space<semaphore_mem>>) src(%arg24 : memref<128x16xf32, #tpu.memory_space<vmem>>) dst(%dma_wait3A_628 : memref<128x16xf32, #tpu.memory_space<hbm>>)
    %add3A_629 = arith.constant 256 : i32
    %add3A_630 = arith.addi %mul3A_2, %add3A_629 : i32
    %dma_wait3A_631 = arith.constant 16 : i32
    %dma_wait3A_632 = tpu.memref_slice %arg9[%add3A_630, %dma_wait3A_631] : memref<32768x128xf32, #tpu.memory_space<hbm>> -> memref<128x24xf32, #tpu.memory_space<hbm>>
    %dma_wait3A_633 = arith.constant 16 : i32
    %dma_wait3A_634 = tpu.memref_slice %arg9[%add3A_630, %dma_wait3A_633] : memref<32768x128xf32, #tpu.memory_space<hbm>> -> memref<128x24xf32, #tpu.memory_space<hbm>>
    tpu.wait_dma2 semaphore(%arg36 : memref<!tpu.dma_semaphore, #tpu.memory_space<semaphore_mem>>) src(%arg25 : memref<128x24xf32, #tpu.memory_space<vmem>>) dst(%dma_wait3A_634 : memref<128x24xf32, #tpu.memory_space<hbm>>)
    %add3A_635 = arith.constant 256 : i32
    %add3A_636 = arith.addi %mul3A_2, %add3A_635 : i32
    %dma_wait3A_637 = arith.constant 80 : i32
    %dma_wait3A_638 = tpu.memref_slice %arg9[%add3A_636, %dma_wait3A_637] : memref<32768x128xf32, #tpu.memory_space<hbm>> -> memref<128x24xf32, #tpu.memory_space<hbm>>
    %dma_wait3A_639 = arith.constant 80 : i32
    %dma_wait3A_640 = tpu.memref_slice %arg9[%add3A_636, %dma_wait3A_639] : memref<32768x128xf32, #tpu.memory_space<hbm>> -> memref<128x24xf32, #tpu.memory_space<hbm>>
    tpu.wait_dma2 semaphore(%arg36 : memref<!tpu.dma_semaphore, #tpu.memory_space<semaphore_mem>>) src(%arg26 : memref<128x24xf32, #tpu.memory_space<vmem>>) dst(%dma_wait3A_640 : memref<128x24xf32, #tpu.memory_space<hbm>>)
    %add3A_641 = arith.constant 256 : i32
    %add3A_642 = arith.addi %mul3A_2, %add3A_641 : i32
    %dma_wait3A_643 = arith.constant 40 : i32
    %dma_wait3A_644 = tpu.memref_slice %arg9[%add3A_642, %dma_wait3A_643] : memref<32768x128xf32, #tpu.memory_space<hbm>> -> memref<128x24xf32, #tpu.memory_space<hbm>>
    %dma_wait3A_645 = arith.constant 40 : i32
    %dma_wait3A_646 = tpu.memref_slice %arg9[%add3A_642, %dma_wait3A_645] : memref<32768x128xf32, #tpu.memory_space<hbm>> -> memref<128x24xf32, #tpu.memory_space<hbm>>
    tpu.wait_dma2 semaphore(%arg36 : memref<!tpu.dma_semaphore, #tpu.memory_space<semaphore_mem>>) src(%arg27 : memref<128x24xf32, #tpu.memory_space<vmem>>) dst(%dma_wait3A_646 : memref<128x24xf32, #tpu.memory_space<hbm>>)
    %add3A_647 = arith.constant 256 : i32
    %add3A_648 = arith.addi %mul3A_2, %add3A_647 : i32
    %dma_wait3A_649 = arith.constant 104 : i32
    %dma_wait3A_650 = tpu.memref_slice %arg9[%add3A_648, %dma_wait3A_649] : memref<32768x128xf32, #tpu.memory_space<hbm>> -> memref<128x24xf32, #tpu.memory_space<hbm>>
    %dma_wait3A_651 = arith.constant 104 : i32
    %dma_wait3A_652 = tpu.memref_slice %arg9[%add3A_648, %dma_wait3A_651] : memref<32768x128xf32, #tpu.memory_space<hbm>> -> memref<128x24xf32, #tpu.memory_space<hbm>>
    tpu.wait_dma2 semaphore(%arg36 : memref<!tpu.dma_semaphore, #tpu.memory_space<semaphore_mem>>) src(%arg28 : memref<128x24xf32, #tpu.memory_space<vmem>>) dst(%dma_wait3A_652 : memref<128x24xf32, #tpu.memory_space<hbm>>)
    %dma_start3A_653 = arith.constant 0 : i32
    %dma_start3A_654 = arith.constant 5 : i32
    %dma_start3A_655 = arith.constant 0 : i32
    %dma_start3A_656 = tpu.memref_slice %arg10[%dma_start3A_653, %dma_start3A_654, %dma_start3A_655] : memref<3x8x128xi32, #tpu.memory_space<vmem>> -> memref<1x1x128xi32, #tpu.memory_space<vmem>>
    %dma_start3A_657 = tpu.memref_squeeze %dma_start3A_656 : memref<1x1x128xi32, #tpu.memory_space<vmem>> -> memref<128xi32, #tpu.memory_space<vmem>>
    %dma_start3A_658 = arith.constant 0 : i32
    %dma_start3A_659 = arith.constant 0 : i32
    %dma_start3A_660 = tpu.memref_slice %arg29[%dma_start3A_658, %dma_start3A_659] : memref<4096x16xf32, #tpu.memory_space<vmem_shared>> -> memref<4096x16xf32, #tpu.memory_space<vmem_shared>>
    tpu.enqueue_indirect_dma source(%dma_start3A_660 : memref<4096x16xf32, #tpu.memory_space<vmem_shared>>) target(%arg23 : memref<128x16xf32, #tpu.memory_space<vmem>>) offsets(%dma_start3A_657 : memref<128xi32, #tpu.memory_space<vmem>>) semaphore(%arg35 : memref<!tpu.dma_semaphore, #tpu.memory_space<semaphore_mem>>)
    %dma_start3A_661 = arith.constant 0 : i32
    %dma_start3A_662 = arith.constant 5 : i32
    %dma_start3A_663 = arith.constant 0 : i32
    %dma_start3A_664 = tpu.memref_slice %arg10[%dma_start3A_661, %dma_start3A_662, %dma_start3A_663] : memref<3x8x128xi32, #tpu.memory_space<vmem>> -> memref<1x1x128xi32, #tpu.memory_space<vmem>>
    %dma_start3A_665 = tpu.memref_squeeze %dma_start3A_664 : memref<1x1x128xi32, #tpu.memory_space<vmem>> -> memref<128xi32, #tpu.memory_space<vmem>>
    %dma_start3A_666 = arith.constant 0 : i32
    %dma_start3A_667 = arith.constant 0 : i32
    %dma_start3A_668 = tpu.memref_slice %arg30[%dma_start3A_666, %dma_start3A_667] : memref<4096x16xf32, #tpu.memory_space<vmem_shared>> -> memref<4096x16xf32, #tpu.memory_space<vmem_shared>>
    tpu.enqueue_indirect_dma source(%dma_start3A_668 : memref<4096x16xf32, #tpu.memory_space<vmem_shared>>) target(%arg24 : memref<128x16xf32, #tpu.memory_space<vmem>>) offsets(%dma_start3A_665 : memref<128xi32, #tpu.memory_space<vmem>>) semaphore(%arg35 : memref<!tpu.dma_semaphore, #tpu.memory_space<semaphore_mem>>)
    %dma_start3A_669 = arith.constant 1 : i32
    %dma_start3A_670 = arith.constant 5 : i32
    %dma_start3A_671 = arith.constant 0 : i32
    %dma_start3A_672 = tpu.memref_slice %arg10[%dma_start3A_669, %dma_start3A_670, %dma_start3A_671] : memref<3x8x128xi32, #tpu.memory_space<vmem>> -> memref<1x1x128xi32, #tpu.memory_space<vmem>>
    %dma_start3A_673 = tpu.memref_squeeze %dma_start3A_672 : memref<1x1x128xi32, #tpu.memory_space<vmem>> -> memref<128xi32, #tpu.memory_space<vmem>>
    %dma_start3A_674 = arith.constant 0 : i32
    %dma_start3A_675 = arith.constant 0 : i32
    %dma_start3A_676 = tpu.memref_slice %arg31[%dma_start3A_674, %dma_start3A_675] : memref<4096x24xf32, #tpu.memory_space<vmem_shared>> -> memref<4096x24xf32, #tpu.memory_space<vmem_shared>>
    tpu.enqueue_indirect_dma source(%dma_start3A_676 : memref<4096x24xf32, #tpu.memory_space<vmem_shared>>) target(%arg25 : memref<128x24xf32, #tpu.memory_space<vmem>>) offsets(%dma_start3A_673 : memref<128xi32, #tpu.memory_space<vmem>>) semaphore(%arg35 : memref<!tpu.dma_semaphore, #tpu.memory_space<semaphore_mem>>)
    %dma_start3A_677 = arith.constant 1 : i32
    %dma_start3A_678 = arith.constant 5 : i32
    %dma_start3A_679 = arith.constant 0 : i32
    %dma_start3A_680 = tpu.memref_slice %arg10[%dma_start3A_677, %dma_start3A_678, %dma_start3A_679] : memref<3x8x128xi32, #tpu.memory_space<vmem>> -> memref<1x1x128xi32, #tpu.memory_space<vmem>>
    %dma_start3A_681 = tpu.memref_squeeze %dma_start3A_680 : memref<1x1x128xi32, #tpu.memory_space<vmem>> -> memref<128xi32, #tpu.memory_space<vmem>>
    %dma_start3A_682 = arith.constant 0 : i32
    %dma_start3A_683 = arith.constant 0 : i32
    %dma_start3A_684 = tpu.memref_slice %arg32[%dma_start3A_682, %dma_start3A_683] : memref<4096x24xf32, #tpu.memory_space<vmem_shared>> -> memref<4096x24xf32, #tpu.memory_space<vmem_shared>>
    tpu.enqueue_indirect_dma source(%dma_start3A_684 : memref<4096x24xf32, #tpu.memory_space<vmem_shared>>) target(%arg26 : memref<128x24xf32, #tpu.memory_space<vmem>>) offsets(%dma_start3A_681 : memref<128xi32, #tpu.memory_space<vmem>>) semaphore(%arg35 : memref<!tpu.dma_semaphore, #tpu.memory_space<semaphore_mem>>)
    %dma_start3A_685 = arith.constant 2 : i32
    %dma_start3A_686 = arith.constant 5 : i32
    %dma_start3A_687 = arith.constant 0 : i32
    %dma_start3A_688 = tpu.memref_slice %arg10[%dma_start3A_685, %dma_start3A_686, %dma_start3A_687] : memref<3x8x128xi32, #tpu.memory_space<vmem>> -> memref<1x1x128xi32, #tpu.memory_space<vmem>>
    %dma_start3A_689 = tpu.memref_squeeze %dma_start3A_688 : memref<1x1x128xi32, #tpu.memory_space<vmem>> -> memref<128xi32, #tpu.memory_space<vmem>>
    %dma_start3A_690 = arith.constant 0 : i32
    %dma_start3A_691 = arith.constant 0 : i32
    %dma_start3A_692 = tpu.memref_slice %arg33[%dma_start3A_690, %dma_start3A_691] : memref<4096x24xf32, #tpu.memory_space<vmem_shared>> -> memref<4096x24xf32, #tpu.memory_space<vmem_shared>>
    tpu.enqueue_indirect_dma source(%dma_start3A_692 : memref<4096x24xf32, #tpu.memory_space<vmem_shared>>) target(%arg27 : memref<128x24xf32, #tpu.memory_space<vmem>>) offsets(%dma_start3A_689 : memref<128xi32, #tpu.memory_space<vmem>>) semaphore(%arg35 : memref<!tpu.dma_semaphore, #tpu.memory_space<semaphore_mem>>)
    %dma_start3A_693 = arith.constant 2 : i32
    %dma_start3A_694 = arith.constant 5 : i32
    %dma_start3A_695 = arith.constant 0 : i32
    %dma_start3A_696 = tpu.memref_slice %arg10[%dma_start3A_693, %dma_start3A_694, %dma_start3A_695] : memref<3x8x128xi32, #tpu.memory_space<vmem>> -> memref<1x1x128xi32, #tpu.memory_space<vmem>>
    %dma_start3A_697 = tpu.memref_squeeze %dma_start3A_696 : memref<1x1x128xi32, #tpu.memory_space<vmem>> -> memref<128xi32, #tpu.memory_space<vmem>>
    %dma_start3A_698 = arith.constant 0 : i32
    %dma_start3A_699 = arith.constant 0 : i32
    %dma_start3A_700 = tpu.memref_slice %arg34[%dma_start3A_698, %dma_start3A_699] : memref<4096x24xf32, #tpu.memory_space<vmem_shared>> -> memref<4096x24xf32, #tpu.memory_space<vmem_shared>>
    tpu.enqueue_indirect_dma source(%dma_start3A_700 : memref<4096x24xf32, #tpu.memory_space<vmem_shared>>) target(%arg28 : memref<128x24xf32, #tpu.memory_space<vmem>>) offsets(%dma_start3A_697 : memref<128xi32, #tpu.memory_space<vmem>>) semaphore(%arg35 : memref<!tpu.dma_semaphore, #tpu.memory_space<semaphore_mem>>)
    %dma_wait3A_701 = arith.constant 0 : i32
    %dma_wait3A_702 = arith.constant 3 : i32
    %dma_wait3A_703 = arith.constant 0 : i32
    %dma_wait3A_704 = tpu.memref_slice %arg10[%dma_wait3A_701, %dma_wait3A_702, %dma_wait3A_703] : memref<3x8x128xi32, #tpu.memory_space<vmem>> -> memref<1x1x128xi32, #tpu.memory_space<vmem>>
    %dma_wait3A_705 = tpu.memref_squeeze %dma_wait3A_704 : memref<1x1x128xi32, #tpu.memory_space<vmem>> -> memref<128xi32, #tpu.memory_space<vmem>>
    %dma_wait3A_706 = arith.constant 0 : i32
    %dma_wait3A_707 = arith.constant 0 : i32
    %dma_wait3A_708 = tpu.memref_slice %arg29[%dma_wait3A_706, %dma_wait3A_707] : memref<4096x16xf32, #tpu.memory_space<vmem_shared>> -> memref<4096x16xf32, #tpu.memory_space<vmem_shared>>
    tpu.wait_indirect_dma semaphore(%arg35 : memref<!tpu.dma_semaphore, #tpu.memory_space<semaphore_mem>>) src(%dma_wait3A_708 : memref<4096x16xf32, #tpu.memory_space<vmem_shared>>) dst(%arg11 : memref<128x16xf32, #tpu.memory_space<vmem>>)
    %dma_wait3A_709 = arith.constant 0 : i32
    %dma_wait3A_710 = arith.constant 3 : i32
    %dma_wait3A_711 = arith.constant 0 : i32
    %dma_wait3A_712 = tpu.memref_slice %arg10[%dma_wait3A_709, %dma_wait3A_710, %dma_wait3A_711] : memref<3x8x128xi32, #tpu.memory_space<vmem>> -> memref<1x1x128xi32, #tpu.memory_space<vmem>>
    %dma_wait3A_713 = tpu.memref_squeeze %dma_wait3A_712 : memref<1x1x128xi32, #tpu.memory_space<vmem>> -> memref<128xi32, #tpu.memory_space<vmem>>
    %dma_wait3A_714 = arith.constant 0 : i32
    %dma_wait3A_715 = arith.constant 0 : i32
    %dma_wait3A_716 = tpu.memref_slice %arg30[%dma_wait3A_714, %dma_wait3A_715] : memref<4096x16xf32, #tpu.memory_space<vmem_shared>> -> memref<4096x16xf32, #tpu.memory_space<vmem_shared>>
    tpu.wait_indirect_dma semaphore(%arg35 : memref<!tpu.dma_semaphore, #tpu.memory_space<semaphore_mem>>) src(%dma_wait3A_716 : memref<4096x16xf32, #tpu.memory_space<vmem_shared>>) dst(%arg12 : memref<128x16xf32, #tpu.memory_space<vmem>>)
    %dma_wait3A_717 = arith.constant 1 : i32
    %dma_wait3A_718 = arith.constant 3 : i32
    %dma_wait3A_719 = arith.constant 0 : i32
    %dma_wait3A_720 = tpu.memref_slice %arg10[%dma_wait3A_717, %dma_wait3A_718, %dma_wait3A_719] : memref<3x8x128xi32, #tpu.memory_space<vmem>> -> memref<1x1x128xi32, #tpu.memory_space<vmem>>
    %dma_wait3A_721 = tpu.memref_squeeze %dma_wait3A_720 : memref<1x1x128xi32, #tpu.memory_space<vmem>> -> memref<128xi32, #tpu.memory_space<vmem>>
    %dma_wait3A_722 = arith.constant 0 : i32
    %dma_wait3A_723 = arith.constant 0 : i32
    %dma_wait3A_724 = tpu.memref_slice %arg31[%dma_wait3A_722, %dma_wait3A_723] : memref<4096x24xf32, #tpu.memory_space<vmem_shared>> -> memref<4096x24xf32, #tpu.memory_space<vmem_shared>>
    tpu.wait_indirect_dma semaphore(%arg35 : memref<!tpu.dma_semaphore, #tpu.memory_space<semaphore_mem>>) src(%dma_wait3A_724 : memref<4096x24xf32, #tpu.memory_space<vmem_shared>>) dst(%arg13 : memref<128x24xf32, #tpu.memory_space<vmem>>)
    %dma_wait3A_725 = arith.constant 1 : i32
    %dma_wait3A_726 = arith.constant 3 : i32
    %dma_wait3A_727 = arith.constant 0 : i32
    %dma_wait3A_728 = tpu.memref_slice %arg10[%dma_wait3A_725, %dma_wait3A_726, %dma_wait3A_727] : memref<3x8x128xi32, #tpu.memory_space<vmem>> -> memref<1x1x128xi32, #tpu.memory_space<vmem>>
    %dma_wait3A_729 = tpu.memref_squeeze %dma_wait3A_728 : memref<1x1x128xi32, #tpu.memory_space<vmem>> -> memref<128xi32, #tpu.memory_space<vmem>>
    %dma_wait3A_730 = arith.constant 0 : i32
    %dma_wait3A_731 = arith.constant 0 : i32
    %dma_wait3A_732 = tpu.memref_slice %arg32[%dma_wait3A_730, %dma_wait3A_731] : memref<4096x24xf32, #tpu.memory_space<vmem_shared>> -> memref<4096x24xf32, #tpu.memory_space<vmem_shared>>
    tpu.wait_indirect_dma semaphore(%arg35 : memref<!tpu.dma_semaphore, #tpu.memory_space<semaphore_mem>>) src(%dma_wait3A_732 : memref<4096x24xf32, #tpu.memory_space<vmem_shared>>) dst(%arg14 : memref<128x24xf32, #tpu.memory_space<vmem>>)
    %dma_wait3A_733 = arith.constant 2 : i32
    %dma_wait3A_734 = arith.constant 3 : i32
    %dma_wait3A_735 = arith.constant 0 : i32
    %dma_wait3A_736 = tpu.memref_slice %arg10[%dma_wait3A_733, %dma_wait3A_734, %dma_wait3A_735] : memref<3x8x128xi32, #tpu.memory_space<vmem>> -> memref<1x1x128xi32, #tpu.memory_space<vmem>>
    %dma_wait3A_737 = tpu.memref_squeeze %dma_wait3A_736 : memref<1x1x128xi32, #tpu.memory_space<vmem>> -> memref<128xi32, #tpu.memory_space<vmem>>
    %dma_wait3A_738 = arith.constant 0 : i32
    %dma_wait3A_739 = arith.constant 0 : i32
    %dma_wait3A_740 = tpu.memref_slice %arg33[%dma_wait3A_738, %dma_wait3A_739] : memref<4096x24xf32, #tpu.memory_space<vmem_shared>> -> memref<4096x24xf32, #tpu.memory_space<vmem_shared>>
    tpu.wait_indirect_dma semaphore(%arg35 : memref<!tpu.dma_semaphore, #tpu.memory_space<semaphore_mem>>) src(%dma_wait3A_740 : memref<4096x24xf32, #tpu.memory_space<vmem_shared>>) dst(%arg15 : memref<128x24xf32, #tpu.memory_space<vmem>>)
    %dma_wait3A_741 = arith.constant 2 : i32
    %dma_wait3A_742 = arith.constant 3 : i32
    %dma_wait3A_743 = arith.constant 0 : i32
    %dma_wait3A_744 = tpu.memref_slice %arg10[%dma_wait3A_741, %dma_wait3A_742, %dma_wait3A_743] : memref<3x8x128xi32, #tpu.memory_space<vmem>> -> memref<1x1x128xi32, #tpu.memory_space<vmem>>
    %dma_wait3A_745 = tpu.memref_squeeze %dma_wait3A_744 : memref<1x1x128xi32, #tpu.memory_space<vmem>> -> memref<128xi32, #tpu.memory_space<vmem>>
    %dma_wait3A_746 = arith.constant 0 : i32
    %dma_wait3A_747 = arith.constant 0 : i32
    %dma_wait3A_748 = tpu.memref_slice %arg34[%dma_wait3A_746, %dma_wait3A_747] : memref<4096x24xf32, #tpu.memory_space<vmem_shared>> -> memref<4096x24xf32, #tpu.memory_space<vmem_shared>>
    tpu.wait_indirect_dma semaphore(%arg35 : memref<!tpu.dma_semaphore, #tpu.memory_space<semaphore_mem>>) src(%dma_wait3A_748 : memref<4096x24xf32, #tpu.memory_space<vmem_shared>>) dst(%arg16 : memref<128x24xf32, #tpu.memory_space<vmem>>)
    %add3A_749 = arith.constant 384 : i32
    %add3A_750 = arith.addi %mul3A_2, %add3A_749 : i32
    %dma_start3A_751 = arith.constant 0 : i32
    %dma_start3A_752 = tpu.memref_slice %arg9[%add3A_750, %dma_start3A_751] : memref<32768x128xf32, #tpu.memory_space<hbm>> -> memref<128x16xf32, #tpu.memory_space<hbm>>
    %dma_start3A_753 = arith.constant 0 : i32
    %dma_start3A_754 = tpu.memref_slice %arg9[%add3A_750, %dma_start3A_753] : memref<32768x128xf32, #tpu.memory_space<hbm>> -> memref<128x16xf32, #tpu.memory_space<hbm>>
    tpu.enqueue_dma source(%arg11 : memref<128x16xf32, #tpu.memory_space<vmem>>) target(%dma_start3A_754 : memref<128x16xf32, #tpu.memory_space<hbm>>) target_semaphore(%arg36 : memref<!tpu.dma_semaphore, #tpu.memory_space<semaphore_mem>>)
    %add3A_755 = arith.constant 384 : i32
    %add3A_756 = arith.addi %mul3A_2, %add3A_755 : i32
    %dma_start3A_757 = arith.constant 64 : i32
    %dma_start3A_758 = tpu.memref_slice %arg9[%add3A_756, %dma_start3A_757] : memref<32768x128xf32, #tpu.memory_space<hbm>> -> memref<128x16xf32, #tpu.memory_space<hbm>>
    %dma_start3A_759 = arith.constant 64 : i32
    %dma_start3A_760 = tpu.memref_slice %arg9[%add3A_756, %dma_start3A_759] : memref<32768x128xf32, #tpu.memory_space<hbm>> -> memref<128x16xf32, #tpu.memory_space<hbm>>
    tpu.enqueue_dma source(%arg12 : memref<128x16xf32, #tpu.memory_space<vmem>>) target(%dma_start3A_760 : memref<128x16xf32, #tpu.memory_space<hbm>>) target_semaphore(%arg36 : memref<!tpu.dma_semaphore, #tpu.memory_space<semaphore_mem>>)
    %add3A_761 = arith.constant 384 : i32
    %add3A_762 = arith.addi %mul3A_2, %add3A_761 : i32
    %dma_start3A_763 = arith.constant 16 : i32
    %dma_start3A_764 = tpu.memref_slice %arg9[%add3A_762, %dma_start3A_763] : memref<32768x128xf32, #tpu.memory_space<hbm>> -> memref<128x24xf32, #tpu.memory_space<hbm>>
    %dma_start3A_765 = arith.constant 16 : i32
    %dma_start3A_766 = tpu.memref_slice %arg9[%add3A_762, %dma_start3A_765] : memref<32768x128xf32, #tpu.memory_space<hbm>> -> memref<128x24xf32, #tpu.memory_space<hbm>>
    tpu.enqueue_dma source(%arg13 : memref<128x24xf32, #tpu.memory_space<vmem>>) target(%dma_start3A_766 : memref<128x24xf32, #tpu.memory_space<hbm>>) target_semaphore(%arg36 : memref<!tpu.dma_semaphore, #tpu.memory_space<semaphore_mem>>)
    %add3A_767 = arith.constant 384 : i32
    %add3A_768 = arith.addi %mul3A_2, %add3A_767 : i32
    %dma_start3A_769 = arith.constant 80 : i32
    %dma_start3A_770 = tpu.memref_slice %arg9[%add3A_768, %dma_start3A_769] : memref<32768x128xf32, #tpu.memory_space<hbm>> -> memref<128x24xf32, #tpu.memory_space<hbm>>
    %dma_start3A_771 = arith.constant 80 : i32
    %dma_start3A_772 = tpu.memref_slice %arg9[%add3A_768, %dma_start3A_771] : memref<32768x128xf32, #tpu.memory_space<hbm>> -> memref<128x24xf32, #tpu.memory_space<hbm>>
    tpu.enqueue_dma source(%arg14 : memref<128x24xf32, #tpu.memory_space<vmem>>) target(%dma_start3A_772 : memref<128x24xf32, #tpu.memory_space<hbm>>) target_semaphore(%arg36 : memref<!tpu.dma_semaphore, #tpu.memory_space<semaphore_mem>>)
    %add3A_773 = arith.constant 384 : i32
    %add3A_774 = arith.addi %mul3A_2, %add3A_773 : i32
    %dma_start3A_775 = arith.constant 40 : i32
    %dma_start3A_776 = tpu.memref_slice %arg9[%add3A_774, %dma_start3A_775] : memref<32768x128xf32, #tpu.memory_space<hbm>> -> memref<128x24xf32, #tpu.memory_space<hbm>>
    %dma_start3A_777 = arith.constant 40 : i32
    %dma_start3A_778 = tpu.memref_slice %arg9[%add3A_774, %dma_start3A_777] : memref<32768x128xf32, #tpu.memory_space<hbm>> -> memref<128x24xf32, #tpu.memory_space<hbm>>
    tpu.enqueue_dma source(%arg15 : memref<128x24xf32, #tpu.memory_space<vmem>>) target(%dma_start3A_778 : memref<128x24xf32, #tpu.memory_space<hbm>>) target_semaphore(%arg36 : memref<!tpu.dma_semaphore, #tpu.memory_space<semaphore_mem>>)
    %add3A_779 = arith.constant 384 : i32
    %add3A_780 = arith.addi %mul3A_2, %add3A_779 : i32
    %dma_start3A_781 = arith.constant 104 : i32
    %dma_start3A_782 = tpu.memref_slice %arg9[%add3A_780, %dma_start3A_781] : memref<32768x128xf32, #tpu.memory_space<hbm>> -> memref<128x24xf32, #tpu.memory_space<hbm>>
    %dma_start3A_783 = arith.constant 104 : i32
    %dma_start3A_784 = tpu.memref_slice %arg9[%add3A_780, %dma_start3A_783] : memref<32768x128xf32, #tpu.memory_space<hbm>> -> memref<128x24xf32, #tpu.memory_space<hbm>>
    tpu.enqueue_dma source(%arg16 : memref<128x24xf32, #tpu.memory_space<vmem>>) target(%dma_start3A_784 : memref<128x24xf32, #tpu.memory_space<hbm>>) target_semaphore(%arg36 : memref<!tpu.dma_semaphore, #tpu.memory_space<semaphore_mem>>)
    %add3A_785 = arith.constant 384 : i32
    %add3A_786 = arith.addi %mul3A_2, %add3A_785 : i32
    %dma_wait3A_787 = arith.constant 0 : i32
    %dma_wait3A_788 = tpu.memref_slice %arg9[%add3A_786, %dma_wait3A_787] : memref<32768x128xf32, #tpu.memory_space<hbm>> -> memref<128x16xf32, #tpu.memory_space<hbm>>
    %dma_wait3A_789 = arith.constant 0 : i32
    %dma_wait3A_790 = tpu.memref_slice %arg9[%add3A_786, %dma_wait3A_789] : memref<32768x128xf32, #tpu.memory_space<hbm>> -> memref<128x16xf32, #tpu.memory_space<hbm>>
    tpu.wait_dma2 semaphore(%arg36 : memref<!tpu.dma_semaphore, #tpu.memory_space<semaphore_mem>>) src(%arg11 : memref<128x16xf32, #tpu.memory_space<vmem>>) dst(%dma_wait3A_790 : memref<128x16xf32, #tpu.memory_space<hbm>>)
    %add3A_791 = arith.constant 384 : i32
    %add3A_792 = arith.addi %mul3A_2, %add3A_791 : i32
    %dma_wait3A_793 = arith.constant 64 : i32
    %dma_wait3A_794 = tpu.memref_slice %arg9[%add3A_792, %dma_wait3A_793] : memref<32768x128xf32, #tpu.memory_space<hbm>> -> memref<128x16xf32, #tpu.memory_space<hbm>>
    %dma_wait3A_795 = arith.constant 64 : i32
    %dma_wait3A_796 = tpu.memref_slice %arg9[%add3A_792, %dma_wait3A_795] : memref<32768x128xf32, #tpu.memory_space<hbm>> -> memref<128x16xf32, #tpu.memory_space<hbm>>
    tpu.wait_dma2 semaphore(%arg36 : memref<!tpu.dma_semaphore, #tpu.memory_space<semaphore_mem>>) src(%arg12 : memref<128x16xf32, #tpu.memory_space<vmem>>) dst(%dma_wait3A_796 : memref<128x16xf32, #tpu.memory_space<hbm>>)
    %add3A_797 = arith.constant 384 : i32
    %add3A_798 = arith.addi %mul3A_2, %add3A_797 : i32
    %dma_wait3A_799 = arith.constant 16 : i32
    %dma_wait3A_800 = tpu.memref_slice %arg9[%add3A_798, %dma_wait3A_799] : memref<32768x128xf32, #tpu.memory_space<hbm>> -> memref<128x24xf32, #tpu.memory_space<hbm>>
    %dma_wait3A_801 = arith.constant 16 : i32
    %dma_wait3A_802 = tpu.memref_slice %arg9[%add3A_798, %dma_wait3A_801] : memref<32768x128xf32, #tpu.memory_space<hbm>> -> memref<128x24xf32, #tpu.memory_space<hbm>>
    tpu.wait_dma2 semaphore(%arg36 : memref<!tpu.dma_semaphore, #tpu.memory_space<semaphore_mem>>) src(%arg13 : memref<128x24xf32, #tpu.memory_space<vmem>>) dst(%dma_wait3A_802 : memref<128x24xf32, #tpu.memory_space<hbm>>)
    %add3A_803 = arith.constant 384 : i32
    %add3A_804 = arith.addi %mul3A_2, %add3A_803 : i32
    %dma_wait3A_805 = arith.constant 80 : i32
    %dma_wait3A_806 = tpu.memref_slice %arg9[%add3A_804, %dma_wait3A_805] : memref<32768x128xf32, #tpu.memory_space<hbm>> -> memref<128x24xf32, #tpu.memory_space<hbm>>
    %dma_wait3A_807 = arith.constant 80 : i32
    %dma_wait3A_808 = tpu.memref_slice %arg9[%add3A_804, %dma_wait3A_807] : memref<32768x128xf32, #tpu.memory_space<hbm>> -> memref<128x24xf32, #tpu.memory_space<hbm>>
    tpu.wait_dma2 semaphore(%arg36 : memref<!tpu.dma_semaphore, #tpu.memory_space<semaphore_mem>>) src(%arg14 : memref<128x24xf32, #tpu.memory_space<vmem>>) dst(%dma_wait3A_808 : memref<128x24xf32, #tpu.memory_space<hbm>>)
    %add3A_809 = arith.constant 384 : i32
    %add3A_810 = arith.addi %mul3A_2, %add3A_809 : i32
    %dma_wait3A_811 = arith.constant 40 : i32
    %dma_wait3A_812 = tpu.memref_slice %arg9[%add3A_810, %dma_wait3A_811] : memref<32768x128xf32, #tpu.memory_space<hbm>> -> memref<128x24xf32, #tpu.memory_space<hbm>>
    %dma_wait3A_813 = arith.constant 40 : i32
    %dma_wait3A_814 = tpu.memref_slice %arg9[%add3A_810, %dma_wait3A_813] : memref<32768x128xf32, #tpu.memory_space<hbm>> -> memref<128x24xf32, #tpu.memory_space<hbm>>
    tpu.wait_dma2 semaphore(%arg36 : memref<!tpu.dma_semaphore, #tpu.memory_space<semaphore_mem>>) src(%arg15 : memref<128x24xf32, #tpu.memory_space<vmem>>) dst(%dma_wait3A_814 : memref<128x24xf32, #tpu.memory_space<hbm>>)
    %add3A_815 = arith.constant 384 : i32
    %add3A_816 = arith.addi %mul3A_2, %add3A_815 : i32
    %dma_wait3A_817 = arith.constant 104 : i32
    %dma_wait3A_818 = tpu.memref_slice %arg9[%add3A_816, %dma_wait3A_817] : memref<32768x128xf32, #tpu.memory_space<hbm>> -> memref<128x24xf32, #tpu.memory_space<hbm>>
    %dma_wait3A_819 = arith.constant 104 : i32
    %dma_wait3A_820 = tpu.memref_slice %arg9[%add3A_816, %dma_wait3A_819] : memref<32768x128xf32, #tpu.memory_space<hbm>> -> memref<128x24xf32, #tpu.memory_space<hbm>>
    tpu.wait_dma2 semaphore(%arg36 : memref<!tpu.dma_semaphore, #tpu.memory_space<semaphore_mem>>) src(%arg16 : memref<128x24xf32, #tpu.memory_space<vmem>>) dst(%dma_wait3A_820 : memref<128x24xf32, #tpu.memory_space<hbm>>)
    %dma_start3A_821 = arith.constant 0 : i32
    %dma_start3A_822 = arith.constant 6 : i32
    %dma_start3A_823 = arith.constant 0 : i32
    %dma_start3A_824 = tpu.memref_slice %arg10[%dma_start3A_821, %dma_start3A_822, %dma_start3A_823] : memref<3x8x128xi32, #tpu.memory_space<vmem>> -> memref<1x1x128xi32, #tpu.memory_space<vmem>>
    %dma_start3A_825 = tpu.memref_squeeze %dma_start3A_824 : memref<1x1x128xi32, #tpu.memory_space<vmem>> -> memref<128xi32, #tpu.memory_space<vmem>>
    %dma_start3A_826 = arith.constant 0 : i32
    %dma_start3A_827 = arith.constant 0 : i32
    %dma_start3A_828 = tpu.memref_slice %arg29[%dma_start3A_826, %dma_start3A_827] : memref<4096x16xf32, #tpu.memory_space<vmem_shared>> -> memref<4096x16xf32, #tpu.memory_space<vmem_shared>>
    tpu.enqueue_indirect_dma source(%dma_start3A_828 : memref<4096x16xf32, #tpu.memory_space<vmem_shared>>) target(%arg11 : memref<128x16xf32, #tpu.memory_space<vmem>>) offsets(%dma_start3A_825 : memref<128xi32, #tpu.memory_space<vmem>>) semaphore(%arg35 : memref<!tpu.dma_semaphore, #tpu.memory_space<semaphore_mem>>)
    %dma_start3A_829 = arith.constant 0 : i32
    %dma_start3A_830 = arith.constant 6 : i32
    %dma_start3A_831 = arith.constant 0 : i32
    %dma_start3A_832 = tpu.memref_slice %arg10[%dma_start3A_829, %dma_start3A_830, %dma_start3A_831] : memref<3x8x128xi32, #tpu.memory_space<vmem>> -> memref<1x1x128xi32, #tpu.memory_space<vmem>>
    %dma_start3A_833 = tpu.memref_squeeze %dma_start3A_832 : memref<1x1x128xi32, #tpu.memory_space<vmem>> -> memref<128xi32, #tpu.memory_space<vmem>>
    %dma_start3A_834 = arith.constant 0 : i32
    %dma_start3A_835 = arith.constant 0 : i32
    %dma_start3A_836 = tpu.memref_slice %arg30[%dma_start3A_834, %dma_start3A_835] : memref<4096x16xf32, #tpu.memory_space<vmem_shared>> -> memref<4096x16xf32, #tpu.memory_space<vmem_shared>>
    tpu.enqueue_indirect_dma source(%dma_start3A_836 : memref<4096x16xf32, #tpu.memory_space<vmem_shared>>) target(%arg12 : memref<128x16xf32, #tpu.memory_space<vmem>>) offsets(%dma_start3A_833 : memref<128xi32, #tpu.memory_space<vmem>>) semaphore(%arg35 : memref<!tpu.dma_semaphore, #tpu.memory_space<semaphore_mem>>)
    %dma_start3A_837 = arith.constant 1 : i32
    %dma_start3A_838 = arith.constant 6 : i32
    %dma_start3A_839 = arith.constant 0 : i32
    %dma_start3A_840 = tpu.memref_slice %arg10[%dma_start3A_837, %dma_start3A_838, %dma_start3A_839] : memref<3x8x128xi32, #tpu.memory_space<vmem>> -> memref<1x1x128xi32, #tpu.memory_space<vmem>>
    %dma_start3A_841 = tpu.memref_squeeze %dma_start3A_840 : memref<1x1x128xi32, #tpu.memory_space<vmem>> -> memref<128xi32, #tpu.memory_space<vmem>>
    %dma_start3A_842 = arith.constant 0 : i32
    %dma_start3A_843 = arith.constant 0 : i32
    %dma_start3A_844 = tpu.memref_slice %arg31[%dma_start3A_842, %dma_start3A_843] : memref<4096x24xf32, #tpu.memory_space<vmem_shared>> -> memref<4096x24xf32, #tpu.memory_space<vmem_shared>>
    tpu.enqueue_indirect_dma source(%dma_start3A_844 : memref<4096x24xf32, #tpu.memory_space<vmem_shared>>) target(%arg13 : memref<128x24xf32, #tpu.memory_space<vmem>>) offsets(%dma_start3A_841 : memref<128xi32, #tpu.memory_space<vmem>>) semaphore(%arg35 : memref<!tpu.dma_semaphore, #tpu.memory_space<semaphore_mem>>)
    %dma_start3A_845 = arith.constant 1 : i32
    %dma_start3A_846 = arith.constant 6 : i32
    %dma_start3A_847 = arith.constant 0 : i32
    %dma_start3A_848 = tpu.memref_slice %arg10[%dma_start3A_845, %dma_start3A_846, %dma_start3A_847] : memref<3x8x128xi32, #tpu.memory_space<vmem>> -> memref<1x1x128xi32, #tpu.memory_space<vmem>>
    %dma_start3A_849 = tpu.memref_squeeze %dma_start3A_848 : memref<1x1x128xi32, #tpu.memory_space<vmem>> -> memref<128xi32, #tpu.memory_space<vmem>>
    %dma_start3A_850 = arith.constant 0 : i32
    %dma_start3A_851 = arith.constant 0 : i32
    %dma_start3A_852 = tpu.memref_slice %arg32[%dma_start3A_850, %dma_start3A_851] : memref<4096x24xf32, #tpu.memory_space<vmem_shared>> -> memref<4096x24xf32, #tpu.memory_space<vmem_shared>>
    tpu.enqueue_indirect_dma source(%dma_start3A_852 : memref<4096x24xf32, #tpu.memory_space<vmem_shared>>) target(%arg14 : memref<128x24xf32, #tpu.memory_space<vmem>>) offsets(%dma_start3A_849 : memref<128xi32, #tpu.memory_space<vmem>>) semaphore(%arg35 : memref<!tpu.dma_semaphore, #tpu.memory_space<semaphore_mem>>)
    %dma_start3A_853 = arith.constant 2 : i32
    %dma_start3A_854 = arith.constant 6 : i32
    %dma_start3A_855 = arith.constant 0 : i32
    %dma_start3A_856 = tpu.memref_slice %arg10[%dma_start3A_853, %dma_start3A_854, %dma_start3A_855] : memref<3x8x128xi32, #tpu.memory_space<vmem>> -> memref<1x1x128xi32, #tpu.memory_space<vmem>>
    %dma_start3A_857 = tpu.memref_squeeze %dma_start3A_856 : memref<1x1x128xi32, #tpu.memory_space<vmem>> -> memref<128xi32, #tpu.memory_space<vmem>>
    %dma_start3A_858 = arith.constant 0 : i32
    %dma_start3A_859 = arith.constant 0 : i32
    %dma_start3A_860 = tpu.memref_slice %arg33[%dma_start3A_858, %dma_start3A_859] : memref<4096x24xf32, #tpu.memory_space<vmem_shared>> -> memref<4096x24xf32, #tpu.memory_space<vmem_shared>>
    tpu.enqueue_indirect_dma source(%dma_start3A_860 : memref<4096x24xf32, #tpu.memory_space<vmem_shared>>) target(%arg15 : memref<128x24xf32, #tpu.memory_space<vmem>>) offsets(%dma_start3A_857 : memref<128xi32, #tpu.memory_space<vmem>>) semaphore(%arg35 : memref<!tpu.dma_semaphore, #tpu.memory_space<semaphore_mem>>)
    %dma_start3A_861 = arith.constant 2 : i32
    %dma_start3A_862 = arith.constant 6 : i32
    %dma_start3A_863 = arith.constant 0 : i32
    %dma_start3A_864 = tpu.memref_slice %arg10[%dma_start3A_861, %dma_start3A_862, %dma_start3A_863] : memref<3x8x128xi32, #tpu.memory_space<vmem>> -> memref<1x1x128xi32, #tpu.memory_space<vmem>>
    %dma_start3A_865 = tpu.memref_squeeze %dma_start3A_864 : memref<1x1x128xi32, #tpu.memory_space<vmem>> -> memref<128xi32, #tpu.memory_space<vmem>>
    %dma_start3A_866 = arith.constant 0 : i32
    %dma_start3A_867 = arith.constant 0 : i32
    %dma_start3A_868 = tpu.memref_slice %arg34[%dma_start3A_866, %dma_start3A_867] : memref<4096x24xf32, #tpu.memory_space<vmem_shared>> -> memref<4096x24xf32, #tpu.memory_space<vmem_shared>>
    tpu.enqueue_indirect_dma source(%dma_start3A_868 : memref<4096x24xf32, #tpu.memory_space<vmem_shared>>) target(%arg16 : memref<128x24xf32, #tpu.memory_space<vmem>>) offsets(%dma_start3A_865 : memref<128xi32, #tpu.memory_space<vmem>>) semaphore(%arg35 : memref<!tpu.dma_semaphore, #tpu.memory_space<semaphore_mem>>)
    %dma_wait3A_869 = arith.constant 0 : i32
    %dma_wait3A_870 = arith.constant 4 : i32
    %dma_wait3A_871 = arith.constant 0 : i32
    %dma_wait3A_872 = tpu.memref_slice %arg10[%dma_wait3A_869, %dma_wait3A_870, %dma_wait3A_871] : memref<3x8x128xi32, #tpu.memory_space<vmem>> -> memref<1x1x128xi32, #tpu.memory_space<vmem>>
    %dma_wait3A_873 = tpu.memref_squeeze %dma_wait3A_872 : memref<1x1x128xi32, #tpu.memory_space<vmem>> -> memref<128xi32, #tpu.memory_space<vmem>>
    %dma_wait3A_874 = arith.constant 0 : i32
    %dma_wait3A_875 = arith.constant 0 : i32
    %dma_wait3A_876 = tpu.memref_slice %arg29[%dma_wait3A_874, %dma_wait3A_875] : memref<4096x16xf32, #tpu.memory_space<vmem_shared>> -> memref<4096x16xf32, #tpu.memory_space<vmem_shared>>
    tpu.wait_indirect_dma semaphore(%arg35 : memref<!tpu.dma_semaphore, #tpu.memory_space<semaphore_mem>>) src(%dma_wait3A_876 : memref<4096x16xf32, #tpu.memory_space<vmem_shared>>) dst(%arg17 : memref<128x16xf32, #tpu.memory_space<vmem>>)
    %dma_wait3A_877 = arith.constant 0 : i32
    %dma_wait3A_878 = arith.constant 4 : i32
    %dma_wait3A_879 = arith.constant 0 : i32
    %dma_wait3A_880 = tpu.memref_slice %arg10[%dma_wait3A_877, %dma_wait3A_878, %dma_wait3A_879] : memref<3x8x128xi32, #tpu.memory_space<vmem>> -> memref<1x1x128xi32, #tpu.memory_space<vmem>>
    %dma_wait3A_881 = tpu.memref_squeeze %dma_wait3A_880 : memref<1x1x128xi32, #tpu.memory_space<vmem>> -> memref<128xi32, #tpu.memory_space<vmem>>
    %dma_wait3A_882 = arith.constant 0 : i32
    %dma_wait3A_883 = arith.constant 0 : i32
    %dma_wait3A_884 = tpu.memref_slice %arg30[%dma_wait3A_882, %dma_wait3A_883] : memref<4096x16xf32, #tpu.memory_space<vmem_shared>> -> memref<4096x16xf32, #tpu.memory_space<vmem_shared>>
    tpu.wait_indirect_dma semaphore(%arg35 : memref<!tpu.dma_semaphore, #tpu.memory_space<semaphore_mem>>) src(%dma_wait3A_884 : memref<4096x16xf32, #tpu.memory_space<vmem_shared>>) dst(%arg18 : memref<128x16xf32, #tpu.memory_space<vmem>>)
    %dma_wait3A_885 = arith.constant 1 : i32
    %dma_wait3A_886 = arith.constant 4 : i32
    %dma_wait3A_887 = arith.constant 0 : i32
    %dma_wait3A_888 = tpu.memref_slice %arg10[%dma_wait3A_885, %dma_wait3A_886, %dma_wait3A_887] : memref<3x8x128xi32, #tpu.memory_space<vmem>> -> memref<1x1x128xi32, #tpu.memory_space<vmem>>
    %dma_wait3A_889 = tpu.memref_squeeze %dma_wait3A_888 : memref<1x1x128xi32, #tpu.memory_space<vmem>> -> memref<128xi32, #tpu.memory_space<vmem>>
    %dma_wait3A_890 = arith.constant 0 : i32
    %dma_wait3A_891 = arith.constant 0 : i32
    %dma_wait3A_892 = tpu.memref_slice %arg31[%dma_wait3A_890, %dma_wait3A_891] : memref<4096x24xf32, #tpu.memory_space<vmem_shared>> -> memref<4096x24xf32, #tpu.memory_space<vmem_shared>>
    tpu.wait_indirect_dma semaphore(%arg35 : memref<!tpu.dma_semaphore, #tpu.memory_space<semaphore_mem>>) src(%dma_wait3A_892 : memref<4096x24xf32, #tpu.memory_space<vmem_shared>>) dst(%arg19 : memref<128x24xf32, #tpu.memory_space<vmem>>)
    %dma_wait3A_893 = arith.constant 1 : i32
    %dma_wait3A_894 = arith.constant 4 : i32
    %dma_wait3A_895 = arith.constant 0 : i32
    %dma_wait3A_896 = tpu.memref_slice %arg10[%dma_wait3A_893, %dma_wait3A_894, %dma_wait3A_895] : memref<3x8x128xi32, #tpu.memory_space<vmem>> -> memref<1x1x128xi32, #tpu.memory_space<vmem>>
    %dma_wait3A_897 = tpu.memref_squeeze %dma_wait3A_896 : memref<1x1x128xi32, #tpu.memory_space<vmem>> -> memref<128xi32, #tpu.memory_space<vmem>>
    %dma_wait3A_898 = arith.constant 0 : i32
    %dma_wait3A_899 = arith.constant 0 : i32
    %dma_wait3A_900 = tpu.memref_slice %arg32[%dma_wait3A_898, %dma_wait3A_899] : memref<4096x24xf32, #tpu.memory_space<vmem_shared>> -> memref<4096x24xf32, #tpu.memory_space<vmem_shared>>
    tpu.wait_indirect_dma semaphore(%arg35 : memref<!tpu.dma_semaphore, #tpu.memory_space<semaphore_mem>>) src(%dma_wait3A_900 : memref<4096x24xf32, #tpu.memory_space<vmem_shared>>) dst(%arg20 : memref<128x24xf32, #tpu.memory_space<vmem>>)
    %dma_wait3A_901 = arith.constant 2 : i32
    %dma_wait3A_902 = arith.constant 4 : i32
    %dma_wait3A_903 = arith.constant 0 : i32
    %dma_wait3A_904 = tpu.memref_slice %arg10[%dma_wait3A_901, %dma_wait3A_902, %dma_wait3A_903] : memref<3x8x128xi32, #tpu.memory_space<vmem>> -> memref<1x1x128xi32, #tpu.memory_space<vmem>>
    %dma_wait3A_905 = tpu.memref_squeeze %dma_wait3A_904 : memref<1x1x128xi32, #tpu.memory_space<vmem>> -> memref<128xi32, #tpu.memory_space<vmem>>
    %dma_wait3A_906 = arith.constant 0 : i32
    %dma_wait3A_907 = arith.constant 0 : i32
    %dma_wait3A_908 = tpu.memref_slice %arg33[%dma_wait3A_906, %dma_wait3A_907] : memref<4096x24xf32, #tpu.memory_space<vmem_shared>> -> memref<4096x24xf32, #tpu.memory_space<vmem_shared>>
    tpu.wait_indirect_dma semaphore(%arg35 : memref<!tpu.dma_semaphore, #tpu.memory_space<semaphore_mem>>) src(%dma_wait3A_908 : memref<4096x24xf32, #tpu.memory_space<vmem_shared>>) dst(%arg21 : memref<128x24xf32, #tpu.memory_space<vmem>>)
    %dma_wait3A_909 = arith.constant 2 : i32
    %dma_wait3A_910 = arith.constant 4 : i32
    %dma_wait3A_911 = arith.constant 0 : i32
    %dma_wait3A_912 = tpu.memref_slice %arg10[%dma_wait3A_909, %dma_wait3A_910, %dma_wait3A_911] : memref<3x8x128xi32, #tpu.memory_space<vmem>> -> memref<1x1x128xi32, #tpu.memory_space<vmem>>
    %dma_wait3A_913 = tpu.memref_squeeze %dma_wait3A_912 : memref<1x1x128xi32, #tpu.memory_space<vmem>> -> memref<128xi32, #tpu.memory_space<vmem>>
    %dma_wait3A_914 = arith.constant 0 : i32
    %dma_wait3A_915 = arith.constant 0 : i32
    %dma_wait3A_916 = tpu.memref_slice %arg34[%dma_wait3A_914, %dma_wait3A_915] : memref<4096x24xf32, #tpu.memory_space<vmem_shared>> -> memref<4096x24xf32, #tpu.memory_space<vmem_shared>>
    tpu.wait_indirect_dma semaphore(%arg35 : memref<!tpu.dma_semaphore, #tpu.memory_space<semaphore_mem>>) src(%dma_wait3A_916 : memref<4096x24xf32, #tpu.memory_space<vmem_shared>>) dst(%arg22 : memref<128x24xf32, #tpu.memory_space<vmem>>)
    %add3A_917 = arith.constant 512 : i32
    %add3A_918 = arith.addi %mul3A_2, %add3A_917 : i32
    %dma_start3A_919 = arith.constant 0 : i32
    %dma_start3A_920 = tpu.memref_slice %arg9[%add3A_918, %dma_start3A_919] : memref<32768x128xf32, #tpu.memory_space<hbm>> -> memref<128x16xf32, #tpu.memory_space<hbm>>
    %dma_start3A_921 = arith.constant 0 : i32
    %dma_start3A_922 = tpu.memref_slice %arg9[%add3A_918, %dma_start3A_921] : memref<32768x128xf32, #tpu.memory_space<hbm>> -> memref<128x16xf32, #tpu.memory_space<hbm>>
    tpu.enqueue_dma source(%arg17 : memref<128x16xf32, #tpu.memory_space<vmem>>) target(%dma_start3A_922 : memref<128x16xf32, #tpu.memory_space<hbm>>) target_semaphore(%arg36 : memref<!tpu.dma_semaphore, #tpu.memory_space<semaphore_mem>>)
    %add3A_923 = arith.constant 512 : i32
    %add3A_924 = arith.addi %mul3A_2, %add3A_923 : i32
    %dma_start3A_925 = arith.constant 64 : i32
    %dma_start3A_926 = tpu.memref_slice %arg9[%add3A_924, %dma_start3A_925] : memref<32768x128xf32, #tpu.memory_space<hbm>> -> memref<128x16xf32, #tpu.memory_space<hbm>>
    %dma_start3A_927 = arith.constant 64 : i32
    %dma_start3A_928 = tpu.memref_slice %arg9[%add3A_924, %dma_start3A_927] : memref<32768x128xf32, #tpu.memory_space<hbm>> -> memref<128x16xf32, #tpu.memory_space<hbm>>
    tpu.enqueue_dma source(%arg18 : memref<128x16xf32, #tpu.memory_space<vmem>>) target(%dma_start3A_928 : memref<128x16xf32, #tpu.memory_space<hbm>>) target_semaphore(%arg36 : memref<!tpu.dma_semaphore, #tpu.memory_space<semaphore_mem>>)
    %add3A_929 = arith.constant 512 : i32
    %add3A_930 = arith.addi %mul3A_2, %add3A_929 : i32
    %dma_start3A_931 = arith.constant 16 : i32
    %dma_start3A_932 = tpu.memref_slice %arg9[%add3A_930, %dma_start3A_931] : memref<32768x128xf32, #tpu.memory_space<hbm>> -> memref<128x24xf32, #tpu.memory_space<hbm>>
    %dma_start3A_933 = arith.constant 16 : i32
    %dma_start3A_934 = tpu.memref_slice %arg9[%add3A_930, %dma_start3A_933] : memref<32768x128xf32, #tpu.memory_space<hbm>> -> memref<128x24xf32, #tpu.memory_space<hbm>>
    tpu.enqueue_dma source(%arg19 : memref<128x24xf32, #tpu.memory_space<vmem>>) target(%dma_start3A_934 : memref<128x24xf32, #tpu.memory_space<hbm>>) target_semaphore(%arg36 : memref<!tpu.dma_semaphore, #tpu.memory_space<semaphore_mem>>)
    %add3A_935 = arith.constant 512 : i32
    %add3A_936 = arith.addi %mul3A_2, %add3A_935 : i32
    %dma_start3A_937 = arith.constant 80 : i32
    %dma_start3A_938 = tpu.memref_slice %arg9[%add3A_936, %dma_start3A_937] : memref<32768x128xf32, #tpu.memory_space<hbm>> -> memref<128x24xf32, #tpu.memory_space<hbm>>
    %dma_start3A_939 = arith.constant 80 : i32
    %dma_start3A_940 = tpu.memref_slice %arg9[%add3A_936, %dma_start3A_939] : memref<32768x128xf32, #tpu.memory_space<hbm>> -> memref<128x24xf32, #tpu.memory_space<hbm>>
    tpu.enqueue_dma source(%arg20 : memref<128x24xf32, #tpu.memory_space<vmem>>) target(%dma_start3A_940 : memref<128x24xf32, #tpu.memory_space<hbm>>) target_semaphore(%arg36 : memref<!tpu.dma_semaphore, #tpu.memory_space<semaphore_mem>>)
    %add3A_941 = arith.constant 512 : i32
    %add3A_942 = arith.addi %mul3A_2, %add3A_941 : i32
    %dma_start3A_943 = arith.constant 40 : i32
    %dma_start3A_944 = tpu.memref_slice %arg9[%add3A_942, %dma_start3A_943] : memref<32768x128xf32, #tpu.memory_space<hbm>> -> memref<128x24xf32, #tpu.memory_space<hbm>>
    %dma_start3A_945 = arith.constant 40 : i32
    %dma_start3A_946 = tpu.memref_slice %arg9[%add3A_942, %dma_start3A_945] : memref<32768x128xf32, #tpu.memory_space<hbm>> -> memref<128x24xf32, #tpu.memory_space<hbm>>
    tpu.enqueue_dma source(%arg21 : memref<128x24xf32, #tpu.memory_space<vmem>>) target(%dma_start3A_946 : memref<128x24xf32, #tpu.memory_space<hbm>>) target_semaphore(%arg36 : memref<!tpu.dma_semaphore, #tpu.memory_space<semaphore_mem>>)
    %add3A_947 = arith.constant 512 : i32
    %add3A_948 = arith.addi %mul3A_2, %add3A_947 : i32
    %dma_start3A_949 = arith.constant 104 : i32
    %dma_start3A_950 = tpu.memref_slice %arg9[%add3A_948, %dma_start3A_949] : memref<32768x128xf32, #tpu.memory_space<hbm>> -> memref<128x24xf32, #tpu.memory_space<hbm>>
    %dma_start3A_951 = arith.constant 104 : i32
    %dma_start3A_952 = tpu.memref_slice %arg9[%add3A_948, %dma_start3A_951] : memref<32768x128xf32, #tpu.memory_space<hbm>> -> memref<128x24xf32, #tpu.memory_space<hbm>>
    tpu.enqueue_dma source(%arg22 : memref<128x24xf32, #tpu.memory_space<vmem>>) target(%dma_start3A_952 : memref<128x24xf32, #tpu.memory_space<hbm>>) target_semaphore(%arg36 : memref<!tpu.dma_semaphore, #tpu.memory_space<semaphore_mem>>)
    %add3A_953 = arith.constant 512 : i32
    %add3A_954 = arith.addi %mul3A_2, %add3A_953 : i32
    %dma_wait3A_955 = arith.constant 0 : i32
    %dma_wait3A_956 = tpu.memref_slice %arg9[%add3A_954, %dma_wait3A_955] : memref<32768x128xf32, #tpu.memory_space<hbm>> -> memref<128x16xf32, #tpu.memory_space<hbm>>
    %dma_wait3A_957 = arith.constant 0 : i32
    %dma_wait3A_958 = tpu.memref_slice %arg9[%add3A_954, %dma_wait3A_957] : memref<32768x128xf32, #tpu.memory_space<hbm>> -> memref<128x16xf32, #tpu.memory_space<hbm>>
    tpu.wait_dma2 semaphore(%arg36 : memref<!tpu.dma_semaphore, #tpu.memory_space<semaphore_mem>>) src(%arg17 : memref<128x16xf32, #tpu.memory_space<vmem>>) dst(%dma_wait3A_958 : memref<128x16xf32, #tpu.memory_space<hbm>>)
    %add3A_959 = arith.constant 512 : i32
    %add3A_960 = arith.addi %mul3A_2, %add3A_959 : i32
    %dma_wait3A_961 = arith.constant 64 : i32
    %dma_wait3A_962 = tpu.memref_slice %arg9[%add3A_960, %dma_wait3A_961] : memref<32768x128xf32, #tpu.memory_space<hbm>> -> memref<128x16xf32, #tpu.memory_space<hbm>>
    %dma_wait3A_963 = arith.constant 64 : i32
    %dma_wait3A_964 = tpu.memref_slice %arg9[%add3A_960, %dma_wait3A_963] : memref<32768x128xf32, #tpu.memory_space<hbm>> -> memref<128x16xf32, #tpu.memory_space<hbm>>
    tpu.wait_dma2 semaphore(%arg36 : memref<!tpu.dma_semaphore, #tpu.memory_space<semaphore_mem>>) src(%arg18 : memref<128x16xf32, #tpu.memory_space<vmem>>) dst(%dma_wait3A_964 : memref<128x16xf32, #tpu.memory_space<hbm>>)
    %add3A_965 = arith.constant 512 : i32
    %add3A_966 = arith.addi %mul3A_2, %add3A_965 : i32
    %dma_wait3A_967 = arith.constant 16 : i32
    %dma_wait3A_968 = tpu.memref_slice %arg9[%add3A_966, %dma_wait3A_967] : memref<32768x128xf32, #tpu.memory_space<hbm>> -> memref<128x24xf32, #tpu.memory_space<hbm>>
    %dma_wait3A_969 = arith.constant 16 : i32
    %dma_wait3A_970 = tpu.memref_slice %arg9[%add3A_966, %dma_wait3A_969] : memref<32768x128xf32, #tpu.memory_space<hbm>> -> memref<128x24xf32, #tpu.memory_space<hbm>>
    tpu.wait_dma2 semaphore(%arg36 : memref<!tpu.dma_semaphore, #tpu.memory_space<semaphore_mem>>) src(%arg19 : memref<128x24xf32, #tpu.memory_space<vmem>>) dst(%dma_wait3A_970 : memref<128x24xf32, #tpu.memory_space<hbm>>)
    %add3A_971 = arith.constant 512 : i32
    %add3A_972 = arith.addi %mul3A_2, %add3A_971 : i32
    %dma_wait3A_973 = arith.constant 80 : i32
    %dma_wait3A_974 = tpu.memref_slice %arg9[%add3A_972, %dma_wait3A_973] : memref<32768x128xf32, #tpu.memory_space<hbm>> -> memref<128x24xf32, #tpu.memory_space<hbm>>
    %dma_wait3A_975 = arith.constant 80 : i32
    %dma_wait3A_976 = tpu.memref_slice %arg9[%add3A_972, %dma_wait3A_975] : memref<32768x128xf32, #tpu.memory_space<hbm>> -> memref<128x24xf32, #tpu.memory_space<hbm>>
    tpu.wait_dma2 semaphore(%arg36 : memref<!tpu.dma_semaphore, #tpu.memory_space<semaphore_mem>>) src(%arg20 : memref<128x24xf32, #tpu.memory_space<vmem>>) dst(%dma_wait3A_976 : memref<128x24xf32, #tpu.memory_space<hbm>>)
    %add3A_977 = arith.constant 512 : i32
    %add3A_978 = arith.addi %mul3A_2, %add3A_977 : i32
    %dma_wait3A_979 = arith.constant 40 : i32
    %dma_wait3A_980 = tpu.memref_slice %arg9[%add3A_978, %dma_wait3A_979] : memref<32768x128xf32, #tpu.memory_space<hbm>> -> memref<128x24xf32, #tpu.memory_space<hbm>>
    %dma_wait3A_981 = arith.constant 40 : i32
    %dma_wait3A_982 = tpu.memref_slice %arg9[%add3A_978, %dma_wait3A_981] : memref<32768x128xf32, #tpu.memory_space<hbm>> -> memref<128x24xf32, #tpu.memory_space<hbm>>
    tpu.wait_dma2 semaphore(%arg36 : memref<!tpu.dma_semaphore, #tpu.memory_space<semaphore_mem>>) src(%arg21 : memref<128x24xf32, #tpu.memory_space<vmem>>) dst(%dma_wait3A_982 : memref<128x24xf32, #tpu.memory_space<hbm>>)
    %add3A_983 = arith.constant 512 : i32
    %add3A_984 = arith.addi %mul3A_2, %add3A_983 : i32
    %dma_wait3A_985 = arith.constant 104 : i32
    %dma_wait3A_986 = tpu.memref_slice %arg9[%add3A_984, %dma_wait3A_985] : memref<32768x128xf32, #tpu.memory_space<hbm>> -> memref<128x24xf32, #tpu.memory_space<hbm>>
    %dma_wait3A_987 = arith.constant 104 : i32
    %dma_wait3A_988 = tpu.memref_slice %arg9[%add3A_984, %dma_wait3A_987] : memref<32768x128xf32, #tpu.memory_space<hbm>> -> memref<128x24xf32, #tpu.memory_space<hbm>>
    tpu.wait_dma2 semaphore(%arg36 : memref<!tpu.dma_semaphore, #tpu.memory_space<semaphore_mem>>) src(%arg22 : memref<128x24xf32, #tpu.memory_space<vmem>>) dst(%dma_wait3A_988 : memref<128x24xf32, #tpu.memory_space<hbm>>)
    %dma_start3A_989 = arith.constant 0 : i32
    %dma_start3A_990 = arith.constant 7 : i32
    %dma_start3A_991 = arith.constant 0 : i32
    %dma_start3A_992 = tpu.memref_slice %arg10[%dma_start3A_989, %dma_start3A_990, %dma_start3A_991] : memref<3x8x128xi32, #tpu.memory_space<vmem>> -> memref<1x1x128xi32, #tpu.memory_space<vmem>>
    %dma_start3A_993 = tpu.memref_squeeze %dma_start3A_992 : memref<1x1x128xi32, #tpu.memory_space<vmem>> -> memref<128xi32, #tpu.memory_space<vmem>>
    %dma_start3A_994 = arith.constant 0 : i32
    %dma_start3A_995 = arith.constant 0 : i32
    %dma_start3A_996 = tpu.memref_slice %arg29[%dma_start3A_994, %dma_start3A_995] : memref<4096x16xf32, #tpu.memory_space<vmem_shared>> -> memref<4096x16xf32, #tpu.memory_space<vmem_shared>>
    tpu.enqueue_indirect_dma source(%dma_start3A_996 : memref<4096x16xf32, #tpu.memory_space<vmem_shared>>) target(%arg17 : memref<128x16xf32, #tpu.memory_space<vmem>>) offsets(%dma_start3A_993 : memref<128xi32, #tpu.memory_space<vmem>>) semaphore(%arg35 : memref<!tpu.dma_semaphore, #tpu.memory_space<semaphore_mem>>)
    %dma_start3A_997 = arith.constant 0 : i32
    %dma_start3A_998 = arith.constant 7 : i32
    %dma_start3A_999 = arith.constant 0 : i32
    %dma_start3A_1000 = tpu.memref_slice %arg10[%dma_start3A_997, %dma_start3A_998, %dma_start3A_999] : memref<3x8x128xi32, #tpu.memory_space<vmem>> -> memref<1x1x128xi32, #tpu.memory_space<vmem>>
    %dma_start3A_1001 = tpu.memref_squeeze %dma_start3A_1000 : memref<1x1x128xi32, #tpu.memory_space<vmem>> -> memref<128xi32, #tpu.memory_space<vmem>>
    %dma_start3A_1002 = arith.constant 0 : i32
    %dma_start3A_1003 = arith.constant 0 : i32
    %dma_start3A_1004 = tpu.memref_slice %arg30[%dma_start3A_1002, %dma_start3A_1003] : memref<4096x16xf32, #tpu.memory_space<vmem_shared>> -> memref<4096x16xf32, #tpu.memory_space<vmem_shared>>
    tpu.enqueue_indirect_dma source(%dma_start3A_1004 : memref<4096x16xf32, #tpu.memory_space<vmem_shared>>) target(%arg18 : memref<128x16xf32, #tpu.memory_space<vmem>>) offsets(%dma_start3A_1001 : memref<128xi32, #tpu.memory_space<vmem>>) semaphore(%arg35 : memref<!tpu.dma_semaphore, #tpu.memory_space<semaphore_mem>>)
    %dma_start3A_1005 = arith.constant 1 : i32
    %dma_start3A_1006 = arith.constant 7 : i32
    %dma_start3A_1007 = arith.constant 0 : i32
    %dma_start3A_1008 = tpu.memref_slice %arg10[%dma_start3A_1005, %dma_start3A_1006, %dma_start3A_1007] : memref<3x8x128xi32, #tpu.memory_space<vmem>> -> memref<1x1x128xi32, #tpu.memory_space<vmem>>
    %dma_start3A_1009 = tpu.memref_squeeze %dma_start3A_1008 : memref<1x1x128xi32, #tpu.memory_space<vmem>> -> memref<128xi32, #tpu.memory_space<vmem>>
    %dma_start3A_1010 = arith.constant 0 : i32
    %dma_start3A_1011 = arith.constant 0 : i32
    %dma_start3A_1012 = tpu.memref_slice %arg31[%dma_start3A_1010, %dma_start3A_1011] : memref<4096x24xf32, #tpu.memory_space<vmem_shared>> -> memref<4096x24xf32, #tpu.memory_space<vmem_shared>>
    tpu.enqueue_indirect_dma source(%dma_start3A_1012 : memref<4096x24xf32, #tpu.memory_space<vmem_shared>>) target(%arg19 : memref<128x24xf32, #tpu.memory_space<vmem>>) offsets(%dma_start3A_1009 : memref<128xi32, #tpu.memory_space<vmem>>) semaphore(%arg35 : memref<!tpu.dma_semaphore, #tpu.memory_space<semaphore_mem>>)
    %dma_start3A_1013 = arith.constant 1 : i32
    %dma_start3A_1014 = arith.constant 7 : i32
    %dma_start3A_1015 = arith.constant 0 : i32
    %dma_start3A_1016 = tpu.memref_slice %arg10[%dma_start3A_1013, %dma_start3A_1014, %dma_start3A_1015] : memref<3x8x128xi32, #tpu.memory_space<vmem>> -> memref<1x1x128xi32, #tpu.memory_space<vmem>>
    %dma_start3A_1017 = tpu.memref_squeeze %dma_start3A_1016 : memref<1x1x128xi32, #tpu.memory_space<vmem>> -> memref<128xi32, #tpu.memory_space<vmem>>
    %dma_start3A_1018 = arith.constant 0 : i32
    %dma_start3A_1019 = arith.constant 0 : i32
    %dma_start3A_1020 = tpu.memref_slice %arg32[%dma_start3A_1018, %dma_start3A_1019] : memref<4096x24xf32, #tpu.memory_space<vmem_shared>> -> memref<4096x24xf32, #tpu.memory_space<vmem_shared>>
    tpu.enqueue_indirect_dma source(%dma_start3A_1020 : memref<4096x24xf32, #tpu.memory_space<vmem_shared>>) target(%arg20 : memref<128x24xf32, #tpu.memory_space<vmem>>) offsets(%dma_start3A_1017 : memref<128xi32, #tpu.memory_space<vmem>>) semaphore(%arg35 : memref<!tpu.dma_semaphore, #tpu.memory_space<semaphore_mem>>)
    %dma_start3A_1021 = arith.constant 2 : i32
    %dma_start3A_1022 = arith.constant 7 : i32
    %dma_start3A_1023 = arith.constant 0 : i32
    %dma_start3A_1024 = tpu.memref_slice %arg10[%dma_start3A_1021, %dma_start3A_1022, %dma_start3A_1023] : memref<3x8x128xi32, #tpu.memory_space<vmem>> -> memref<1x1x128xi32, #tpu.memory_space<vmem>>
    %dma_start3A_1025 = tpu.memref_squeeze %dma_start3A_1024 : memref<1x1x128xi32, #tpu.memory_space<vmem>> -> memref<128xi32, #tpu.memory_space<vmem>>
    %dma_start3A_1026 = arith.constant 0 : i32
    %dma_start3A_1027 = arith.constant 0 : i32
    %dma_start3A_1028 = tpu.memref_slice %arg33[%dma_start3A_1026, %dma_start3A_1027] : memref<4096x24xf32, #tpu.memory_space<vmem_shared>> -> memref<4096x24xf32, #tpu.memory_space<vmem_shared>>
    tpu.enqueue_indirect_dma source(%dma_start3A_1028 : memref<4096x24xf32, #tpu.memory_space<vmem_shared>>) target(%arg21 : memref<128x24xf32, #tpu.memory_space<vmem>>) offsets(%dma_start3A_1025 : memref<128xi32, #tpu.memory_space<vmem>>) semaphore(%arg35 : memref<!tpu.dma_semaphore, #tpu.memory_space<semaphore_mem>>)
    %dma_start3A_1029 = arith.constant 2 : i32
    %dma_start3A_1030 = arith.constant 7 : i32
    %dma_start3A_1031 = arith.constant 0 : i32
    %dma_start3A_1032 = tpu.memref_slice %arg10[%dma_start3A_1029, %dma_start3A_1030, %dma_start3A_1031] : memref<3x8x128xi32, #tpu.memory_space<vmem>> -> memref<1x1x128xi32, #tpu.memory_space<vmem>>
    %dma_start3A_1033 = tpu.memref_squeeze %dma_start3A_1032 : memref<1x1x128xi32, #tpu.memory_space<vmem>> -> memref<128xi32, #tpu.memory_space<vmem>>
    %dma_start3A_1034 = arith.constant 0 : i32
    %dma_start3A_1035 = arith.constant 0 : i32
    %dma_start3A_1036 = tpu.memref_slice %arg34[%dma_start3A_1034, %dma_start3A_1035] : memref<4096x24xf32, #tpu.memory_space<vmem_shared>> -> memref<4096x24xf32, #tpu.memory_space<vmem_shared>>
    tpu.enqueue_indirect_dma source(%dma_start3A_1036 : memref<4096x24xf32, #tpu.memory_space<vmem_shared>>) target(%arg22 : memref<128x24xf32, #tpu.memory_space<vmem>>) offsets(%dma_start3A_1033 : memref<128xi32, #tpu.memory_space<vmem>>) semaphore(%arg35 : memref<!tpu.dma_semaphore, #tpu.memory_space<semaphore_mem>>)
    %dma_wait3A_1037 = arith.constant 0 : i32
    %dma_wait3A_1038 = arith.constant 5 : i32
    %dma_wait3A_1039 = arith.constant 0 : i32
    %dma_wait3A_1040 = tpu.memref_slice %arg10[%dma_wait3A_1037, %dma_wait3A_1038, %dma_wait3A_1039] : memref<3x8x128xi32, #tpu.memory_space<vmem>> -> memref<1x1x128xi32, #tpu.memory_space<vmem>>
    %dma_wait3A_1041 = tpu.memref_squeeze %dma_wait3A_1040 : memref<1x1x128xi32, #tpu.memory_space<vmem>> -> memref<128xi32, #tpu.memory_space<vmem>>
    %dma_wait3A_1042 = arith.constant 0 : i32
    %dma_wait3A_1043 = arith.constant 0 : i32
    %dma_wait3A_1044 = tpu.memref_slice %arg29[%dma_wait3A_1042, %dma_wait3A_1043] : memref<4096x16xf32, #tpu.memory_space<vmem_shared>> -> memref<4096x16xf32, #tpu.memory_space<vmem_shared>>
    tpu.wait_indirect_dma semaphore(%arg35 : memref<!tpu.dma_semaphore, #tpu.memory_space<semaphore_mem>>) src(%dma_wait3A_1044 : memref<4096x16xf32, #tpu.memory_space<vmem_shared>>) dst(%arg23 : memref<128x16xf32, #tpu.memory_space<vmem>>)
    %dma_wait3A_1045 = arith.constant 0 : i32
    %dma_wait3A_1046 = arith.constant 5 : i32
    %dma_wait3A_1047 = arith.constant 0 : i32
    %dma_wait3A_1048 = tpu.memref_slice %arg10[%dma_wait3A_1045, %dma_wait3A_1046, %dma_wait3A_1047] : memref<3x8x128xi32, #tpu.memory_space<vmem>> -> memref<1x1x128xi32, #tpu.memory_space<vmem>>
    %dma_wait3A_1049 = tpu.memref_squeeze %dma_wait3A_1048 : memref<1x1x128xi32, #tpu.memory_space<vmem>> -> memref<128xi32, #tpu.memory_space<vmem>>
    %dma_wait3A_1050 = arith.constant 0 : i32
    %dma_wait3A_1051 = arith.constant 0 : i32
    %dma_wait3A_1052 = tpu.memref_slice %arg30[%dma_wait3A_1050, %dma_wait3A_1051] : memref<4096x16xf32, #tpu.memory_space<vmem_shared>> -> memref<4096x16xf32, #tpu.memory_space<vmem_shared>>
    tpu.wait_indirect_dma semaphore(%arg35 : memref<!tpu.dma_semaphore, #tpu.memory_space<semaphore_mem>>) src(%dma_wait3A_1052 : memref<4096x16xf32, #tpu.memory_space<vmem_shared>>) dst(%arg24 : memref<128x16xf32, #tpu.memory_space<vmem>>)
    %dma_wait3A_1053 = arith.constant 1 : i32
    %dma_wait3A_1054 = arith.constant 5 : i32
    %dma_wait3A_1055 = arith.constant 0 : i32
    %dma_wait3A_1056 = tpu.memref_slice %arg10[%dma_wait3A_1053, %dma_wait3A_1054, %dma_wait3A_1055] : memref<3x8x128xi32, #tpu.memory_space<vmem>> -> memref<1x1x128xi32, #tpu.memory_space<vmem>>
    %dma_wait3A_1057 = tpu.memref_squeeze %dma_wait3A_1056 : memref<1x1x128xi32, #tpu.memory_space<vmem>> -> memref<128xi32, #tpu.memory_space<vmem>>
    %dma_wait3A_1058 = arith.constant 0 : i32
    %dma_wait3A_1059 = arith.constant 0 : i32
    %dma_wait3A_1060 = tpu.memref_slice %arg31[%dma_wait3A_1058, %dma_wait3A_1059] : memref<4096x24xf32, #tpu.memory_space<vmem_shared>> -> memref<4096x24xf32, #tpu.memory_space<vmem_shared>>
    tpu.wait_indirect_dma semaphore(%arg35 : memref<!tpu.dma_semaphore, #tpu.memory_space<semaphore_mem>>) src(%dma_wait3A_1060 : memref<4096x24xf32, #tpu.memory_space<vmem_shared>>) dst(%arg25 : memref<128x24xf32, #tpu.memory_space<vmem>>)
    %dma_wait3A_1061 = arith.constant 1 : i32
    %dma_wait3A_1062 = arith.constant 5 : i32
    %dma_wait3A_1063 = arith.constant 0 : i32
    %dma_wait3A_1064 = tpu.memref_slice %arg10[%dma_wait3A_1061, %dma_wait3A_1062, %dma_wait3A_1063] : memref<3x8x128xi32, #tpu.memory_space<vmem>> -> memref<1x1x128xi32, #tpu.memory_space<vmem>>
    %dma_wait3A_1065 = tpu.memref_squeeze %dma_wait3A_1064 : memref<1x1x128xi32, #tpu.memory_space<vmem>> -> memref<128xi32, #tpu.memory_space<vmem>>
    %dma_wait3A_1066 = arith.constant 0 : i32
    %dma_wait3A_1067 = arith.constant 0 : i32
    %dma_wait3A_1068 = tpu.memref_slice %arg32[%dma_wait3A_1066, %dma_wait3A_1067] : memref<4096x24xf32, #tpu.memory_space<vmem_shared>> -> memref<4096x24xf32, #tpu.memory_space<vmem_shared>>
    tpu.wait_indirect_dma semaphore(%arg35 : memref<!tpu.dma_semaphore, #tpu.memory_space<semaphore_mem>>) src(%dma_wait3A_1068 : memref<4096x24xf32, #tpu.memory_space<vmem_shared>>) dst(%arg26 : memref<128x24xf32, #tpu.memory_space<vmem>>)
    %dma_wait3A_1069 = arith.constant 2 : i32
    %dma_wait3A_1070 = arith.constant 5 : i32
    %dma_wait3A_1071 = arith.constant 0 : i32
    %dma_wait3A_1072 = tpu.memref_slice %arg10[%dma_wait3A_1069, %dma_wait3A_1070, %dma_wait3A_1071] : memref<3x8x128xi32, #tpu.memory_space<vmem>> -> memref<1x1x128xi32, #tpu.memory_space<vmem>>
    %dma_wait3A_1073 = tpu.memref_squeeze %dma_wait3A_1072 : memref<1x1x128xi32, #tpu.memory_space<vmem>> -> memref<128xi32, #tpu.memory_space<vmem>>
    %dma_wait3A_1074 = arith.constant 0 : i32
    %dma_wait3A_1075 = arith.constant 0 : i32
    %dma_wait3A_1076 = tpu.memref_slice %arg33[%dma_wait3A_1074, %dma_wait3A_1075] : memref<4096x24xf32, #tpu.memory_space<vmem_shared>> -> memref<4096x24xf32, #tpu.memory_space<vmem_shared>>
    tpu.wait_indirect_dma semaphore(%arg35 : memref<!tpu.dma_semaphore, #tpu.memory_space<semaphore_mem>>) src(%dma_wait3A_1076 : memref<4096x24xf32, #tpu.memory_space<vmem_shared>>) dst(%arg27 : memref<128x24xf32, #tpu.memory_space<vmem>>)
    %dma_wait3A_1077 = arith.constant 2 : i32
    %dma_wait3A_1078 = arith.constant 5 : i32
    %dma_wait3A_1079 = arith.constant 0 : i32
    %dma_wait3A_1080 = tpu.memref_slice %arg10[%dma_wait3A_1077, %dma_wait3A_1078, %dma_wait3A_1079] : memref<3x8x128xi32, #tpu.memory_space<vmem>> -> memref<1x1x128xi32, #tpu.memory_space<vmem>>
    %dma_wait3A_1081 = tpu.memref_squeeze %dma_wait3A_1080 : memref<1x1x128xi32, #tpu.memory_space<vmem>> -> memref<128xi32, #tpu.memory_space<vmem>>
    %dma_wait3A_1082 = arith.constant 0 : i32
    %dma_wait3A_1083 = arith.constant 0 : i32
    %dma_wait3A_1084 = tpu.memref_slice %arg34[%dma_wait3A_1082, %dma_wait3A_1083] : memref<4096x24xf32, #tpu.memory_space<vmem_shared>> -> memref<4096x24xf32, #tpu.memory_space<vmem_shared>>
    tpu.wait_indirect_dma semaphore(%arg35 : memref<!tpu.dma_semaphore, #tpu.memory_space<semaphore_mem>>) src(%dma_wait3A_1084 : memref<4096x24xf32, #tpu.memory_space<vmem_shared>>) dst(%arg28 : memref<128x24xf32, #tpu.memory_space<vmem>>)
    %add3A_1085 = arith.constant 640 : i32
    %add3A_1086 = arith.addi %mul3A_2, %add3A_1085 : i32
    %dma_start3A_1087 = arith.constant 0 : i32
    %dma_start3A_1088 = tpu.memref_slice %arg9[%add3A_1086, %dma_start3A_1087] : memref<32768x128xf32, #tpu.memory_space<hbm>> -> memref<128x16xf32, #tpu.memory_space<hbm>>
    %dma_start3A_1089 = arith.constant 0 : i32
    %dma_start3A_1090 = tpu.memref_slice %arg9[%add3A_1086, %dma_start3A_1089] : memref<32768x128xf32, #tpu.memory_space<hbm>> -> memref<128x16xf32, #tpu.memory_space<hbm>>
    tpu.enqueue_dma source(%arg23 : memref<128x16xf32, #tpu.memory_space<vmem>>) target(%dma_start3A_1090 : memref<128x16xf32, #tpu.memory_space<hbm>>) target_semaphore(%arg36 : memref<!tpu.dma_semaphore, #tpu.memory_space<semaphore_mem>>)
    %add3A_1091 = arith.constant 640 : i32
    %add3A_1092 = arith.addi %mul3A_2, %add3A_1091 : i32
    %dma_start3A_1093 = arith.constant 64 : i32
    %dma_start3A_1094 = tpu.memref_slice %arg9[%add3A_1092, %dma_start3A_1093] : memref<32768x128xf32, #tpu.memory_space<hbm>> -> memref<128x16xf32, #tpu.memory_space<hbm>>
    %dma_start3A_1095 = arith.constant 64 : i32
    %dma_start3A_1096 = tpu.memref_slice %arg9[%add3A_1092, %dma_start3A_1095] : memref<32768x128xf32, #tpu.memory_space<hbm>> -> memref<128x16xf32, #tpu.memory_space<hbm>>
    tpu.enqueue_dma source(%arg24 : memref<128x16xf32, #tpu.memory_space<vmem>>) target(%dma_start3A_1096 : memref<128x16xf32, #tpu.memory_space<hbm>>) target_semaphore(%arg36 : memref<!tpu.dma_semaphore, #tpu.memory_space<semaphore_mem>>)
    %add3A_1097 = arith.constant 640 : i32
    %add3A_1098 = arith.addi %mul3A_2, %add3A_1097 : i32
    %dma_start3A_1099 = arith.constant 16 : i32
    %dma_start3A_1100 = tpu.memref_slice %arg9[%add3A_1098, %dma_start3A_1099] : memref<32768x128xf32, #tpu.memory_space<hbm>> -> memref<128x24xf32, #tpu.memory_space<hbm>>
    %dma_start3A_1101 = arith.constant 16 : i32
    %dma_start3A_1102 = tpu.memref_slice %arg9[%add3A_1098, %dma_start3A_1101] : memref<32768x128xf32, #tpu.memory_space<hbm>> -> memref<128x24xf32, #tpu.memory_space<hbm>>
    tpu.enqueue_dma source(%arg25 : memref<128x24xf32, #tpu.memory_space<vmem>>) target(%dma_start3A_1102 : memref<128x24xf32, #tpu.memory_space<hbm>>) target_semaphore(%arg36 : memref<!tpu.dma_semaphore, #tpu.memory_space<semaphore_mem>>)
    %add3A_1103 = arith.constant 640 : i32
    %add3A_1104 = arith.addi %mul3A_2, %add3A_1103 : i32
    %dma_start3A_1105 = arith.constant 80 : i32
    %dma_start3A_1106 = tpu.memref_slice %arg9[%add3A_1104, %dma_start3A_1105] : memref<32768x128xf32, #tpu.memory_space<hbm>> -> memref<128x24xf32, #tpu.memory_space<hbm>>
    %dma_start3A_1107 = arith.constant 80 : i32
    %dma_start3A_1108 = tpu.memref_slice %arg9[%add3A_1104, %dma_start3A_1107] : memref<32768x128xf32, #tpu.memory_space<hbm>> -> memref<128x24xf32, #tpu.memory_space<hbm>>
    tpu.enqueue_dma source(%arg26 : memref<128x24xf32, #tpu.memory_space<vmem>>) target(%dma_start3A_1108 : memref<128x24xf32, #tpu.memory_space<hbm>>) target_semaphore(%arg36 : memref<!tpu.dma_semaphore, #tpu.memory_space<semaphore_mem>>)
    %add3A_1109 = arith.constant 640 : i32
    %add3A_1110 = arith.addi %mul3A_2, %add3A_1109 : i32
    %dma_start3A_1111 = arith.constant 40 : i32
    %dma_start3A_1112 = tpu.memref_slice %arg9[%add3A_1110, %dma_start3A_1111] : memref<32768x128xf32, #tpu.memory_space<hbm>> -> memref<128x24xf32, #tpu.memory_space<hbm>>
    %dma_start3A_1113 = arith.constant 40 : i32
    %dma_start3A_1114 = tpu.memref_slice %arg9[%add3A_1110, %dma_start3A_1113] : memref<32768x128xf32, #tpu.memory_space<hbm>> -> memref<128x24xf32, #tpu.memory_space<hbm>>
    tpu.enqueue_dma source(%arg27 : memref<128x24xf32, #tpu.memory_space<vmem>>) target(%dma_start3A_1114 : memref<128x24xf32, #tpu.memory_space<hbm>>) target_semaphore(%arg36 : memref<!tpu.dma_semaphore, #tpu.memory_space<semaphore_mem>>)
    %add3A_1115 = arith.constant 640 : i32
    %add3A_1116 = arith.addi %mul3A_2, %add3A_1115 : i32
    %dma_start3A_1117 = arith.constant 104 : i32
    %dma_start3A_1118 = tpu.memref_slice %arg9[%add3A_1116, %dma_start3A_1117] : memref<32768x128xf32, #tpu.memory_space<hbm>> -> memref<128x24xf32, #tpu.memory_space<hbm>>
    %dma_start3A_1119 = arith.constant 104 : i32
    %dma_start3A_1120 = tpu.memref_slice %arg9[%add3A_1116, %dma_start3A_1119] : memref<32768x128xf32, #tpu.memory_space<hbm>> -> memref<128x24xf32, #tpu.memory_space<hbm>>
    tpu.enqueue_dma source(%arg28 : memref<128x24xf32, #tpu.memory_space<vmem>>) target(%dma_start3A_1120 : memref<128x24xf32, #tpu.memory_space<hbm>>) target_semaphore(%arg36 : memref<!tpu.dma_semaphore, #tpu.memory_space<semaphore_mem>>)
    %dma_wait3A_1121 = arith.constant 0 : i32
    %dma_wait3A_1122 = arith.constant 6 : i32
    %dma_wait3A_1123 = arith.constant 0 : i32
    %dma_wait3A_1124 = tpu.memref_slice %arg10[%dma_wait3A_1121, %dma_wait3A_1122, %dma_wait3A_1123] : memref<3x8x128xi32, #tpu.memory_space<vmem>> -> memref<1x1x128xi32, #tpu.memory_space<vmem>>
    %dma_wait3A_1125 = tpu.memref_squeeze %dma_wait3A_1124 : memref<1x1x128xi32, #tpu.memory_space<vmem>> -> memref<128xi32, #tpu.memory_space<vmem>>
    %dma_wait3A_1126 = arith.constant 0 : i32
    %dma_wait3A_1127 = arith.constant 0 : i32
    %dma_wait3A_1128 = tpu.memref_slice %arg29[%dma_wait3A_1126, %dma_wait3A_1127] : memref<4096x16xf32, #tpu.memory_space<vmem_shared>> -> memref<4096x16xf32, #tpu.memory_space<vmem_shared>>
    tpu.wait_indirect_dma semaphore(%arg35 : memref<!tpu.dma_semaphore, #tpu.memory_space<semaphore_mem>>) src(%dma_wait3A_1128 : memref<4096x16xf32, #tpu.memory_space<vmem_shared>>) dst(%arg11 : memref<128x16xf32, #tpu.memory_space<vmem>>)
    %dma_wait3A_1129 = arith.constant 0 : i32
    %dma_wait3A_1130 = arith.constant 6 : i32
    %dma_wait3A_1131 = arith.constant 0 : i32
    %dma_wait3A_1132 = tpu.memref_slice %arg10[%dma_wait3A_1129, %dma_wait3A_1130, %dma_wait3A_1131] : memref<3x8x128xi32, #tpu.memory_space<vmem>> -> memref<1x1x128xi32, #tpu.memory_space<vmem>>
    %dma_wait3A_1133 = tpu.memref_squeeze %dma_wait3A_1132 : memref<1x1x128xi32, #tpu.memory_space<vmem>> -> memref<128xi32, #tpu.memory_space<vmem>>
    %dma_wait3A_1134 = arith.constant 0 : i32
    %dma_wait3A_1135 = arith.constant 0 : i32
    %dma_wait3A_1136 = tpu.memref_slice %arg30[%dma_wait3A_1134, %dma_wait3A_1135] : memref<4096x16xf32, #tpu.memory_space<vmem_shared>> -> memref<4096x16xf32, #tpu.memory_space<vmem_shared>>
    tpu.wait_indirect_dma semaphore(%arg35 : memref<!tpu.dma_semaphore, #tpu.memory_space<semaphore_mem>>) src(%dma_wait3A_1136 : memref<4096x16xf32, #tpu.memory_space<vmem_shared>>) dst(%arg12 : memref<128x16xf32, #tpu.memory_space<vmem>>)
    %dma_wait3A_1137 = arith.constant 1 : i32
    %dma_wait3A_1138 = arith.constant 6 : i32
    %dma_wait3A_1139 = arith.constant 0 : i32
    %dma_wait3A_1140 = tpu.memref_slice %arg10[%dma_wait3A_1137, %dma_wait3A_1138, %dma_wait3A_1139] : memref<3x8x128xi32, #tpu.memory_space<vmem>> -> memref<1x1x128xi32, #tpu.memory_space<vmem>>
    %dma_wait3A_1141 = tpu.memref_squeeze %dma_wait3A_1140 : memref<1x1x128xi32, #tpu.memory_space<vmem>> -> memref<128xi32, #tpu.memory_space<vmem>>
    %dma_wait3A_1142 = arith.constant 0 : i32
    %dma_wait3A_1143 = arith.constant 0 : i32
    %dma_wait3A_1144 = tpu.memref_slice %arg31[%dma_wait3A_1142, %dma_wait3A_1143] : memref<4096x24xf32, #tpu.memory_space<vmem_shared>> -> memref<4096x24xf32, #tpu.memory_space<vmem_shared>>
    tpu.wait_indirect_dma semaphore(%arg35 : memref<!tpu.dma_semaphore, #tpu.memory_space<semaphore_mem>>) src(%dma_wait3A_1144 : memref<4096x24xf32, #tpu.memory_space<vmem_shared>>) dst(%arg13 : memref<128x24xf32, #tpu.memory_space<vmem>>)
    %dma_wait3A_1145 = arith.constant 1 : i32
    %dma_wait3A_1146 = arith.constant 6 : i32
    %dma_wait3A_1147 = arith.constant 0 : i32
    %dma_wait3A_1148 = tpu.memref_slice %arg10[%dma_wait3A_1145, %dma_wait3A_1146, %dma_wait3A_1147] : memref<3x8x128xi32, #tpu.memory_space<vmem>> -> memref<1x1x128xi32, #tpu.memory_space<vmem>>
    %dma_wait3A_1149 = tpu.memref_squeeze %dma_wait3A_1148 : memref<1x1x128xi32, #tpu.memory_space<vmem>> -> memref<128xi32, #tpu.memory_space<vmem>>
    %dma_wait3A_1150 = arith.constant 0 : i32
    %dma_wait3A_1151 = arith.constant 0 : i32
    %dma_wait3A_1152 = tpu.memref_slice %arg32[%dma_wait3A_1150, %dma_wait3A_1151] : memref<4096x24xf32, #tpu.memory_space<vmem_shared>> -> memref<4096x24xf32, #tpu.memory_space<vmem_shared>>
    tpu.wait_indirect_dma semaphore(%arg35 : memref<!tpu.dma_semaphore, #tpu.memory_space<semaphore_mem>>) src(%dma_wait3A_1152 : memref<4096x24xf32, #tpu.memory_space<vmem_shared>>) dst(%arg14 : memref<128x24xf32, #tpu.memory_space<vmem>>)
    %dma_wait3A_1153 = arith.constant 2 : i32
    %dma_wait3A_1154 = arith.constant 6 : i32
    %dma_wait3A_1155 = arith.constant 0 : i32
    %dma_wait3A_1156 = tpu.memref_slice %arg10[%dma_wait3A_1153, %dma_wait3A_1154, %dma_wait3A_1155] : memref<3x8x128xi32, #tpu.memory_space<vmem>> -> memref<1x1x128xi32, #tpu.memory_space<vmem>>
    %dma_wait3A_1157 = tpu.memref_squeeze %dma_wait3A_1156 : memref<1x1x128xi32, #tpu.memory_space<vmem>> -> memref<128xi32, #tpu.memory_space<vmem>>
    %dma_wait3A_1158 = arith.constant 0 : i32
    %dma_wait3A_1159 = arith.constant 0 : i32
    %dma_wait3A_1160 = tpu.memref_slice %arg33[%dma_wait3A_1158, %dma_wait3A_1159] : memref<4096x24xf32, #tpu.memory_space<vmem_shared>> -> memref<4096x24xf32, #tpu.memory_space<vmem_shared>>
    tpu.wait_indirect_dma semaphore(%arg35 : memref<!tpu.dma_semaphore, #tpu.memory_space<semaphore_mem>>) src(%dma_wait3A_1160 : memref<4096x24xf32, #tpu.memory_space<vmem_shared>>) dst(%arg15 : memref<128x24xf32, #tpu.memory_space<vmem>>)
    %dma_wait3A_1161 = arith.constant 2 : i32
    %dma_wait3A_1162 = arith.constant 6 : i32
    %dma_wait3A_1163 = arith.constant 0 : i32
    %dma_wait3A_1164 = tpu.memref_slice %arg10[%dma_wait3A_1161, %dma_wait3A_1162, %dma_wait3A_1163] : memref<3x8x128xi32, #tpu.memory_space<vmem>> -> memref<1x1x128xi32, #tpu.memory_space<vmem>>
    %dma_wait3A_1165 = tpu.memref_squeeze %dma_wait3A_1164 : memref<1x1x128xi32, #tpu.memory_space<vmem>> -> memref<128xi32, #tpu.memory_space<vmem>>
    %dma_wait3A_1166 = arith.constant 0 : i32
    %dma_wait3A_1167 = arith.constant 0 : i32
    %dma_wait3A_1168 = tpu.memref_slice %arg34[%dma_wait3A_1166, %dma_wait3A_1167] : memref<4096x24xf32, #tpu.memory_space<vmem_shared>> -> memref<4096x24xf32, #tpu.memory_space<vmem_shared>>
    tpu.wait_indirect_dma semaphore(%arg35 : memref<!tpu.dma_semaphore, #tpu.memory_space<semaphore_mem>>) src(%dma_wait3A_1168 : memref<4096x24xf32, #tpu.memory_space<vmem_shared>>) dst(%arg16 : memref<128x24xf32, #tpu.memory_space<vmem>>)
    %add3A_1169 = arith.constant 768 : i32
    %add3A_1170 = arith.addi %mul3A_2, %add3A_1169 : i32
    %dma_start3A_1171 = arith.constant 0 : i32
    %dma_start3A_1172 = tpu.memref_slice %arg9[%add3A_1170, %dma_start3A_1171] : memref<32768x128xf32, #tpu.memory_space<hbm>> -> memref<128x16xf32, #tpu.memory_space<hbm>>
    %dma_start3A_1173 = arith.constant 0 : i32
    %dma_start3A_1174 = tpu.memref_slice %arg9[%add3A_1170, %dma_start3A_1173] : memref<32768x128xf32, #tpu.memory_space<hbm>> -> memref<128x16xf32, #tpu.memory_space<hbm>>
    tpu.enqueue_dma source(%arg11 : memref<128x16xf32, #tpu.memory_space<vmem>>) target(%dma_start3A_1174 : memref<128x16xf32, #tpu.memory_space<hbm>>) target_semaphore(%arg36 : memref<!tpu.dma_semaphore, #tpu.memory_space<semaphore_mem>>)
    %add3A_1175 = arith.constant 768 : i32
    %add3A_1176 = arith.addi %mul3A_2, %add3A_1175 : i32
    %dma_start3A_1177 = arith.constant 64 : i32
    %dma_start3A_1178 = tpu.memref_slice %arg9[%add3A_1176, %dma_start3A_1177] : memref<32768x128xf32, #tpu.memory_space<hbm>> -> memref<128x16xf32, #tpu.memory_space<hbm>>
    %dma_start3A_1179 = arith.constant 64 : i32
    %dma_start3A_1180 = tpu.memref_slice %arg9[%add3A_1176, %dma_start3A_1179] : memref<32768x128xf32, #tpu.memory_space<hbm>> -> memref<128x16xf32, #tpu.memory_space<hbm>>
    tpu.enqueue_dma source(%arg12 : memref<128x16xf32, #tpu.memory_space<vmem>>) target(%dma_start3A_1180 : memref<128x16xf32, #tpu.memory_space<hbm>>) target_semaphore(%arg36 : memref<!tpu.dma_semaphore, #tpu.memory_space<semaphore_mem>>)
    %add3A_1181 = arith.constant 768 : i32
    %add3A_1182 = arith.addi %mul3A_2, %add3A_1181 : i32
    %dma_start3A_1183 = arith.constant 16 : i32
    %dma_start3A_1184 = tpu.memref_slice %arg9[%add3A_1182, %dma_start3A_1183] : memref<32768x128xf32, #tpu.memory_space<hbm>> -> memref<128x24xf32, #tpu.memory_space<hbm>>
    %dma_start3A_1185 = arith.constant 16 : i32
    %dma_start3A_1186 = tpu.memref_slice %arg9[%add3A_1182, %dma_start3A_1185] : memref<32768x128xf32, #tpu.memory_space<hbm>> -> memref<128x24xf32, #tpu.memory_space<hbm>>
    tpu.enqueue_dma source(%arg13 : memref<128x24xf32, #tpu.memory_space<vmem>>) target(%dma_start3A_1186 : memref<128x24xf32, #tpu.memory_space<hbm>>) target_semaphore(%arg36 : memref<!tpu.dma_semaphore, #tpu.memory_space<semaphore_mem>>)
    %add3A_1187 = arith.constant 768 : i32
    %add3A_1188 = arith.addi %mul3A_2, %add3A_1187 : i32
    %dma_start3A_1189 = arith.constant 80 : i32
    %dma_start3A_1190 = tpu.memref_slice %arg9[%add3A_1188, %dma_start3A_1189] : memref<32768x128xf32, #tpu.memory_space<hbm>> -> memref<128x24xf32, #tpu.memory_space<hbm>>
    %dma_start3A_1191 = arith.constant 80 : i32
    %dma_start3A_1192 = tpu.memref_slice %arg9[%add3A_1188, %dma_start3A_1191] : memref<32768x128xf32, #tpu.memory_space<hbm>> -> memref<128x24xf32, #tpu.memory_space<hbm>>
    tpu.enqueue_dma source(%arg14 : memref<128x24xf32, #tpu.memory_space<vmem>>) target(%dma_start3A_1192 : memref<128x24xf32, #tpu.memory_space<hbm>>) target_semaphore(%arg36 : memref<!tpu.dma_semaphore, #tpu.memory_space<semaphore_mem>>)
    %add3A_1193 = arith.constant 768 : i32
    %add3A_1194 = arith.addi %mul3A_2, %add3A_1193 : i32
    %dma_start3A_1195 = arith.constant 40 : i32
    %dma_start3A_1196 = tpu.memref_slice %arg9[%add3A_1194, %dma_start3A_1195] : memref<32768x128xf32, #tpu.memory_space<hbm>> -> memref<128x24xf32, #tpu.memory_space<hbm>>
    %dma_start3A_1197 = arith.constant 40 : i32
    %dma_start3A_1198 = tpu.memref_slice %arg9[%add3A_1194, %dma_start3A_1197] : memref<32768x128xf32, #tpu.memory_space<hbm>> -> memref<128x24xf32, #tpu.memory_space<hbm>>
    tpu.enqueue_dma source(%arg15 : memref<128x24xf32, #tpu.memory_space<vmem>>) target(%dma_start3A_1198 : memref<128x24xf32, #tpu.memory_space<hbm>>) target_semaphore(%arg36 : memref<!tpu.dma_semaphore, #tpu.memory_space<semaphore_mem>>)
    %add3A_1199 = arith.constant 768 : i32
    %add3A_1200 = arith.addi %mul3A_2, %add3A_1199 : i32
    %dma_start3A_1201 = arith.constant 104 : i32
    %dma_start3A_1202 = tpu.memref_slice %arg9[%add3A_1200, %dma_start3A_1201] : memref<32768x128xf32, #tpu.memory_space<hbm>> -> memref<128x24xf32, #tpu.memory_space<hbm>>
    %dma_start3A_1203 = arith.constant 104 : i32
    %dma_start3A_1204 = tpu.memref_slice %arg9[%add3A_1200, %dma_start3A_1203] : memref<32768x128xf32, #tpu.memory_space<hbm>> -> memref<128x24xf32, #tpu.memory_space<hbm>>
    tpu.enqueue_dma source(%arg16 : memref<128x24xf32, #tpu.memory_space<vmem>>) target(%dma_start3A_1204 : memref<128x24xf32, #tpu.memory_space<hbm>>) target_semaphore(%arg36 : memref<!tpu.dma_semaphore, #tpu.memory_space<semaphore_mem>>)
    %dma_wait3A_1205 = arith.constant 0 : i32
    %dma_wait3A_1206 = arith.constant 7 : i32
    %dma_wait3A_1207 = arith.constant 0 : i32
    %dma_wait3A_1208 = tpu.memref_slice %arg10[%dma_wait3A_1205, %dma_wait3A_1206, %dma_wait3A_1207] : memref<3x8x128xi32, #tpu.memory_space<vmem>> -> memref<1x1x128xi32, #tpu.memory_space<vmem>>
    %dma_wait3A_1209 = tpu.memref_squeeze %dma_wait3A_1208 : memref<1x1x128xi32, #tpu.memory_space<vmem>> -> memref<128xi32, #tpu.memory_space<vmem>>
    %dma_wait3A_1210 = arith.constant 0 : i32
    %dma_wait3A_1211 = arith.constant 0 : i32
    %dma_wait3A_1212 = tpu.memref_slice %arg29[%dma_wait3A_1210, %dma_wait3A_1211] : memref<4096x16xf32, #tpu.memory_space<vmem_shared>> -> memref<4096x16xf32, #tpu.memory_space<vmem_shared>>
    tpu.wait_indirect_dma semaphore(%arg35 : memref<!tpu.dma_semaphore, #tpu.memory_space<semaphore_mem>>) src(%dma_wait3A_1212 : memref<4096x16xf32, #tpu.memory_space<vmem_shared>>) dst(%arg17 : memref<128x16xf32, #tpu.memory_space<vmem>>)
    %dma_wait3A_1213 = arith.constant 0 : i32
    %dma_wait3A_1214 = arith.constant 7 : i32
    %dma_wait3A_1215 = arith.constant 0 : i32
    %dma_wait3A_1216 = tpu.memref_slice %arg10[%dma_wait3A_1213, %dma_wait3A_1214, %dma_wait3A_1215] : memref<3x8x128xi32, #tpu.memory_space<vmem>> -> memref<1x1x128xi32, #tpu.memory_space<vmem>>
    %dma_wait3A_1217 = tpu.memref_squeeze %dma_wait3A_1216 : memref<1x1x128xi32, #tpu.memory_space<vmem>> -> memref<128xi32, #tpu.memory_space<vmem>>
    %dma_wait3A_1218 = arith.constant 0 : i32
    %dma_wait3A_1219 = arith.constant 0 : i32
    %dma_wait3A_1220 = tpu.memref_slice %arg30[%dma_wait3A_1218, %dma_wait3A_1219] : memref<4096x16xf32, #tpu.memory_space<vmem_shared>> -> memref<4096x16xf32, #tpu.memory_space<vmem_shared>>
    tpu.wait_indirect_dma semaphore(%arg35 : memref<!tpu.dma_semaphore, #tpu.memory_space<semaphore_mem>>) src(%dma_wait3A_1220 : memref<4096x16xf32, #tpu.memory_space<vmem_shared>>) dst(%arg18 : memref<128x16xf32, #tpu.memory_space<vmem>>)
    %dma_wait3A_1221 = arith.constant 1 : i32
    %dma_wait3A_1222 = arith.constant 7 : i32
    %dma_wait3A_1223 = arith.constant 0 : i32
    %dma_wait3A_1224 = tpu.memref_slice %arg10[%dma_wait3A_1221, %dma_wait3A_1222, %dma_wait3A_1223] : memref<3x8x128xi32, #tpu.memory_space<vmem>> -> memref<1x1x128xi32, #tpu.memory_space<vmem>>
    %dma_wait3A_1225 = tpu.memref_squeeze %dma_wait3A_1224 : memref<1x1x128xi32, #tpu.memory_space<vmem>> -> memref<128xi32, #tpu.memory_space<vmem>>
    %dma_wait3A_1226 = arith.constant 0 : i32
    %dma_wait3A_1227 = arith.constant 0 : i32
    %dma_wait3A_1228 = tpu.memref_slice %arg31[%dma_wait3A_1226, %dma_wait3A_1227] : memref<4096x24xf32, #tpu.memory_space<vmem_shared>> -> memref<4096x24xf32, #tpu.memory_space<vmem_shared>>
    tpu.wait_indirect_dma semaphore(%arg35 : memref<!tpu.dma_semaphore, #tpu.memory_space<semaphore_mem>>) src(%dma_wait3A_1228 : memref<4096x24xf32, #tpu.memory_space<vmem_shared>>) dst(%arg19 : memref<128x24xf32, #tpu.memory_space<vmem>>)
    %dma_wait3A_1229 = arith.constant 1 : i32
    %dma_wait3A_1230 = arith.constant 7 : i32
    %dma_wait3A_1231 = arith.constant 0 : i32
    %dma_wait3A_1232 = tpu.memref_slice %arg10[%dma_wait3A_1229, %dma_wait3A_1230, %dma_wait3A_1231] : memref<3x8x128xi32, #tpu.memory_space<vmem>> -> memref<1x1x128xi32, #tpu.memory_space<vmem>>
    %dma_wait3A_1233 = tpu.memref_squeeze %dma_wait3A_1232 : memref<1x1x128xi32, #tpu.memory_space<vmem>> -> memref<128xi32, #tpu.memory_space<vmem>>
    %dma_wait3A_1234 = arith.constant 0 : i32
    %dma_wait3A_1235 = arith.constant 0 : i32
    %dma_wait3A_1236 = tpu.memref_slice %arg32[%dma_wait3A_1234, %dma_wait3A_1235] : memref<4096x24xf32, #tpu.memory_space<vmem_shared>> -> memref<4096x24xf32, #tpu.memory_space<vmem_shared>>
    tpu.wait_indirect_dma semaphore(%arg35 : memref<!tpu.dma_semaphore, #tpu.memory_space<semaphore_mem>>) src(%dma_wait3A_1236 : memref<4096x24xf32, #tpu.memory_space<vmem_shared>>) dst(%arg20 : memref<128x24xf32, #tpu.memory_space<vmem>>)
    %dma_wait3A_1237 = arith.constant 2 : i32
    %dma_wait3A_1238 = arith.constant 7 : i32
    %dma_wait3A_1239 = arith.constant 0 : i32
    %dma_wait3A_1240 = tpu.memref_slice %arg10[%dma_wait3A_1237, %dma_wait3A_1238, %dma_wait3A_1239] : memref<3x8x128xi32, #tpu.memory_space<vmem>> -> memref<1x1x128xi32, #tpu.memory_space<vmem>>
    %dma_wait3A_1241 = tpu.memref_squeeze %dma_wait3A_1240 : memref<1x1x128xi32, #tpu.memory_space<vmem>> -> memref<128xi32, #tpu.memory_space<vmem>>
    %dma_wait3A_1242 = arith.constant 0 : i32
    %dma_wait3A_1243 = arith.constant 0 : i32
    %dma_wait3A_1244 = tpu.memref_slice %arg33[%dma_wait3A_1242, %dma_wait3A_1243] : memref<4096x24xf32, #tpu.memory_space<vmem_shared>> -> memref<4096x24xf32, #tpu.memory_space<vmem_shared>>
    tpu.wait_indirect_dma semaphore(%arg35 : memref<!tpu.dma_semaphore, #tpu.memory_space<semaphore_mem>>) src(%dma_wait3A_1244 : memref<4096x24xf32, #tpu.memory_space<vmem_shared>>) dst(%arg21 : memref<128x24xf32, #tpu.memory_space<vmem>>)
    %dma_wait3A_1245 = arith.constant 2 : i32
    %dma_wait3A_1246 = arith.constant 7 : i32
    %dma_wait3A_1247 = arith.constant 0 : i32
    %dma_wait3A_1248 = tpu.memref_slice %arg10[%dma_wait3A_1245, %dma_wait3A_1246, %dma_wait3A_1247] : memref<3x8x128xi32, #tpu.memory_space<vmem>> -> memref<1x1x128xi32, #tpu.memory_space<vmem>>
    %dma_wait3A_1249 = tpu.memref_squeeze %dma_wait3A_1248 : memref<1x1x128xi32, #tpu.memory_space<vmem>> -> memref<128xi32, #tpu.memory_space<vmem>>
    %dma_wait3A_1250 = arith.constant 0 : i32
    %dma_wait3A_1251 = arith.constant 0 : i32
    %dma_wait3A_1252 = tpu.memref_slice %arg34[%dma_wait3A_1250, %dma_wait3A_1251] : memref<4096x24xf32, #tpu.memory_space<vmem_shared>> -> memref<4096x24xf32, #tpu.memory_space<vmem_shared>>
    tpu.wait_indirect_dma semaphore(%arg35 : memref<!tpu.dma_semaphore, #tpu.memory_space<semaphore_mem>>) src(%dma_wait3A_1252 : memref<4096x24xf32, #tpu.memory_space<vmem_shared>>) dst(%arg22 : memref<128x24xf32, #tpu.memory_space<vmem>>)
    %add3A_1253 = arith.constant 896 : i32
    %add3A_1254 = arith.addi %mul3A_2, %add3A_1253 : i32
    %dma_start3A_1255 = arith.constant 0 : i32
    %dma_start3A_1256 = tpu.memref_slice %arg9[%add3A_1254, %dma_start3A_1255] : memref<32768x128xf32, #tpu.memory_space<hbm>> -> memref<128x16xf32, #tpu.memory_space<hbm>>
    %dma_start3A_1257 = arith.constant 0 : i32
    %dma_start3A_1258 = tpu.memref_slice %arg9[%add3A_1254, %dma_start3A_1257] : memref<32768x128xf32, #tpu.memory_space<hbm>> -> memref<128x16xf32, #tpu.memory_space<hbm>>
    tpu.enqueue_dma source(%arg17 : memref<128x16xf32, #tpu.memory_space<vmem>>) target(%dma_start3A_1258 : memref<128x16xf32, #tpu.memory_space<hbm>>) target_semaphore(%arg36 : memref<!tpu.dma_semaphore, #tpu.memory_space<semaphore_mem>>)
    %add3A_1259 = arith.constant 896 : i32
    %add3A_1260 = arith.addi %mul3A_2, %add3A_1259 : i32
    %dma_start3A_1261 = arith.constant 64 : i32
    %dma_start3A_1262 = tpu.memref_slice %arg9[%add3A_1260, %dma_start3A_1261] : memref<32768x128xf32, #tpu.memory_space<hbm>> -> memref<128x16xf32, #tpu.memory_space<hbm>>
    %dma_start3A_1263 = arith.constant 64 : i32
    %dma_start3A_1264 = tpu.memref_slice %arg9[%add3A_1260, %dma_start3A_1263] : memref<32768x128xf32, #tpu.memory_space<hbm>> -> memref<128x16xf32, #tpu.memory_space<hbm>>
    tpu.enqueue_dma source(%arg18 : memref<128x16xf32, #tpu.memory_space<vmem>>) target(%dma_start3A_1264 : memref<128x16xf32, #tpu.memory_space<hbm>>) target_semaphore(%arg36 : memref<!tpu.dma_semaphore, #tpu.memory_space<semaphore_mem>>)
    %add3A_1265 = arith.constant 896 : i32
    %add3A_1266 = arith.addi %mul3A_2, %add3A_1265 : i32
    %dma_start3A_1267 = arith.constant 16 : i32
    %dma_start3A_1268 = tpu.memref_slice %arg9[%add3A_1266, %dma_start3A_1267] : memref<32768x128xf32, #tpu.memory_space<hbm>> -> memref<128x24xf32, #tpu.memory_space<hbm>>
    %dma_start3A_1269 = arith.constant 16 : i32
    %dma_start3A_1270 = tpu.memref_slice %arg9[%add3A_1266, %dma_start3A_1269] : memref<32768x128xf32, #tpu.memory_space<hbm>> -> memref<128x24xf32, #tpu.memory_space<hbm>>
    tpu.enqueue_dma source(%arg19 : memref<128x24xf32, #tpu.memory_space<vmem>>) target(%dma_start3A_1270 : memref<128x24xf32, #tpu.memory_space<hbm>>) target_semaphore(%arg36 : memref<!tpu.dma_semaphore, #tpu.memory_space<semaphore_mem>>)
    %add3A_1271 = arith.constant 896 : i32
    %add3A_1272 = arith.addi %mul3A_2, %add3A_1271 : i32
    %dma_start3A_1273 = arith.constant 80 : i32
    %dma_start3A_1274 = tpu.memref_slice %arg9[%add3A_1272, %dma_start3A_1273] : memref<32768x128xf32, #tpu.memory_space<hbm>> -> memref<128x24xf32, #tpu.memory_space<hbm>>
    %dma_start3A_1275 = arith.constant 80 : i32
    %dma_start3A_1276 = tpu.memref_slice %arg9[%add3A_1272, %dma_start3A_1275] : memref<32768x128xf32, #tpu.memory_space<hbm>> -> memref<128x24xf32, #tpu.memory_space<hbm>>
    tpu.enqueue_dma source(%arg20 : memref<128x24xf32, #tpu.memory_space<vmem>>) target(%dma_start3A_1276 : memref<128x24xf32, #tpu.memory_space<hbm>>) target_semaphore(%arg36 : memref<!tpu.dma_semaphore, #tpu.memory_space<semaphore_mem>>)
    %add3A_1277 = arith.constant 896 : i32
    %add3A_1278 = arith.addi %mul3A_2, %add3A_1277 : i32
    %dma_start3A_1279 = arith.constant 40 : i32
    %dma_start3A_1280 = tpu.memref_slice %arg9[%add3A_1278, %dma_start3A_1279] : memref<32768x128xf32, #tpu.memory_space<hbm>> -> memref<128x24xf32, #tpu.memory_space<hbm>>
    %dma_start3A_1281 = arith.constant 40 : i32
    %dma_start3A_1282 = tpu.memref_slice %arg9[%add3A_1278, %dma_start3A_1281] : memref<32768x128xf32, #tpu.memory_space<hbm>> -> memref<128x24xf32, #tpu.memory_space<hbm>>
    tpu.enqueue_dma source(%arg21 : memref<128x24xf32, #tpu.memory_space<vmem>>) target(%dma_start3A_1282 : memref<128x24xf32, #tpu.memory_space<hbm>>) target_semaphore(%arg36 : memref<!tpu.dma_semaphore, #tpu.memory_space<semaphore_mem>>)
    %add3A_1283 = arith.constant 896 : i32
    %add3A_1284 = arith.addi %mul3A_2, %add3A_1283 : i32
    %dma_start3A_1285 = arith.constant 104 : i32
    %dma_start3A_1286 = tpu.memref_slice %arg9[%add3A_1284, %dma_start3A_1285] : memref<32768x128xf32, #tpu.memory_space<hbm>> -> memref<128x24xf32, #tpu.memory_space<hbm>>
    %dma_start3A_1287 = arith.constant 104 : i32
    %dma_start3A_1288 = tpu.memref_slice %arg9[%add3A_1284, %dma_start3A_1287] : memref<32768x128xf32, #tpu.memory_space<hbm>> -> memref<128x24xf32, #tpu.memory_space<hbm>>
    tpu.enqueue_dma source(%arg22 : memref<128x24xf32, #tpu.memory_space<vmem>>) target(%dma_start3A_1288 : memref<128x24xf32, #tpu.memory_space<hbm>>) target_semaphore(%arg36 : memref<!tpu.dma_semaphore, #tpu.memory_space<semaphore_mem>>)
    %add3A_1289 = arith.constant 640 : i32
    %add3A_1290 = arith.addi %mul3A_2, %add3A_1289 : i32
    %dma_wait3A_1291 = arith.constant 0 : i32
    %dma_wait3A_1292 = tpu.memref_slice %arg9[%add3A_1290, %dma_wait3A_1291] : memref<32768x128xf32, #tpu.memory_space<hbm>> -> memref<128x16xf32, #tpu.memory_space<hbm>>
    %dma_wait3A_1293 = arith.constant 0 : i32
    %dma_wait3A_1294 = tpu.memref_slice %arg9[%add3A_1290, %dma_wait3A_1293] : memref<32768x128xf32, #tpu.memory_space<hbm>> -> memref<128x16xf32, #tpu.memory_space<hbm>>
    tpu.wait_dma2 semaphore(%arg36 : memref<!tpu.dma_semaphore, #tpu.memory_space<semaphore_mem>>) src(%arg23 : memref<128x16xf32, #tpu.memory_space<vmem>>) dst(%dma_wait3A_1294 : memref<128x16xf32, #tpu.memory_space<hbm>>)
    %add3A_1295 = arith.constant 640 : i32
    %add3A_1296 = arith.addi %mul3A_2, %add3A_1295 : i32
    %dma_wait3A_1297 = arith.constant 64 : i32
    %dma_wait3A_1298 = tpu.memref_slice %arg9[%add3A_1296, %dma_wait3A_1297] : memref<32768x128xf32, #tpu.memory_space<hbm>> -> memref<128x16xf32, #tpu.memory_space<hbm>>
    %dma_wait3A_1299 = arith.constant 64 : i32
    %dma_wait3A_1300 = tpu.memref_slice %arg9[%add3A_1296, %dma_wait3A_1299] : memref<32768x128xf32, #tpu.memory_space<hbm>> -> memref<128x16xf32, #tpu.memory_space<hbm>>
    tpu.wait_dma2 semaphore(%arg36 : memref<!tpu.dma_semaphore, #tpu.memory_space<semaphore_mem>>) src(%arg24 : memref<128x16xf32, #tpu.memory_space<vmem>>) dst(%dma_wait3A_1300 : memref<128x16xf32, #tpu.memory_space<hbm>>)
    %add3A_1301 = arith.constant 640 : i32
    %add3A_1302 = arith.addi %mul3A_2, %add3A_1301 : i32
    %dma_wait3A_1303 = arith.constant 16 : i32
    %dma_wait3A_1304 = tpu.memref_slice %arg9[%add3A_1302, %dma_wait3A_1303] : memref<32768x128xf32, #tpu.memory_space<hbm>> -> memref<128x24xf32, #tpu.memory_space<hbm>>
    %dma_wait3A_1305 = arith.constant 16 : i32
    %dma_wait3A_1306 = tpu.memref_slice %arg9[%add3A_1302, %dma_wait3A_1305] : memref<32768x128xf32, #tpu.memory_space<hbm>> -> memref<128x24xf32, #tpu.memory_space<hbm>>
    tpu.wait_dma2 semaphore(%arg36 : memref<!tpu.dma_semaphore, #tpu.memory_space<semaphore_mem>>) src(%arg25 : memref<128x24xf32, #tpu.memory_space<vmem>>) dst(%dma_wait3A_1306 : memref<128x24xf32, #tpu.memory_space<hbm>>)
    %add3A_1307 = arith.constant 640 : i32
    %add3A_1308 = arith.addi %mul3A_2, %add3A_1307 : i32
    %dma_wait3A_1309 = arith.constant 80 : i32
    %dma_wait3A_1310 = tpu.memref_slice %arg9[%add3A_1308, %dma_wait3A_1309] : memref<32768x128xf32, #tpu.memory_space<hbm>> -> memref<128x24xf32, #tpu.memory_space<hbm>>
    %dma_wait3A_1311 = arith.constant 80 : i32
    %dma_wait3A_1312 = tpu.memref_slice %arg9[%add3A_1308, %dma_wait3A_1311] : memref<32768x128xf32, #tpu.memory_space<hbm>> -> memref<128x24xf32, #tpu.memory_space<hbm>>
    tpu.wait_dma2 semaphore(%arg36 : memref<!tpu.dma_semaphore, #tpu.memory_space<semaphore_mem>>) src(%arg26 : memref<128x24xf32, #tpu.memory_space<vmem>>) dst(%dma_wait3A_1312 : memref<128x24xf32, #tpu.memory_space<hbm>>)
    %add3A_1313 = arith.constant 640 : i32
    %add3A_1314 = arith.addi %mul3A_2, %add3A_1313 : i32
    %dma_wait3A_1315 = arith.constant 40 : i32
    %dma_wait3A_1316 = tpu.memref_slice %arg9[%add3A_1314, %dma_wait3A_1315] : memref<32768x128xf32, #tpu.memory_space<hbm>> -> memref<128x24xf32, #tpu.memory_space<hbm>>
    %dma_wait3A_1317 = arith.constant 40 : i32
    %dma_wait3A_1318 = tpu.memref_slice %arg9[%add3A_1314, %dma_wait3A_1317] : memref<32768x128xf32, #tpu.memory_space<hbm>> -> memref<128x24xf32, #tpu.memory_space<hbm>>
    tpu.wait_dma2 semaphore(%arg36 : memref<!tpu.dma_semaphore, #tpu.memory_space<semaphore_mem>>) src(%arg27 : memref<128x24xf32, #tpu.memory_space<vmem>>) dst(%dma_wait3A_1318 : memref<128x24xf32, #tpu.memory_space<hbm>>)
    %add3A_1319 = arith.constant 640 : i32
    %add3A_1320 = arith.addi %mul3A_2, %add3A_1319 : i32
    %dma_wait3A_1321 = arith.constant 104 : i32
    %dma_wait3A_1322 = tpu.memref_slice %arg9[%add3A_1320, %dma_wait3A_1321] : memref<32768x128xf32, #tpu.memory_space<hbm>> -> memref<128x24xf32, #tpu.memory_space<hbm>>
    %dma_wait3A_1323 = arith.constant 104 : i32
    %dma_wait3A_1324 = tpu.memref_slice %arg9[%add3A_1320, %dma_wait3A_1323] : memref<32768x128xf32, #tpu.memory_space<hbm>> -> memref<128x24xf32, #tpu.memory_space<hbm>>
    tpu.wait_dma2 semaphore(%arg36 : memref<!tpu.dma_semaphore, #tpu.memory_space<semaphore_mem>>) src(%arg28 : memref<128x24xf32, #tpu.memory_space<vmem>>) dst(%dma_wait3A_1324 : memref<128x24xf32, #tpu.memory_space<hbm>>)
    %add3A_1325 = arith.constant 768 : i32
    %add3A_1326 = arith.addi %mul3A_2, %add3A_1325 : i32
    %dma_wait3A_1327 = arith.constant 0 : i32
    %dma_wait3A_1328 = tpu.memref_slice %arg9[%add3A_1326, %dma_wait3A_1327] : memref<32768x128xf32, #tpu.memory_space<hbm>> -> memref<128x16xf32, #tpu.memory_space<hbm>>
    %dma_wait3A_1329 = arith.constant 0 : i32
    %dma_wait3A_1330 = tpu.memref_slice %arg9[%add3A_1326, %dma_wait3A_1329] : memref<32768x128xf32, #tpu.memory_space<hbm>> -> memref<128x16xf32, #tpu.memory_space<hbm>>
    tpu.wait_dma2 semaphore(%arg36 : memref<!tpu.dma_semaphore, #tpu.memory_space<semaphore_mem>>) src(%arg11 : memref<128x16xf32, #tpu.memory_space<vmem>>) dst(%dma_wait3A_1330 : memref<128x16xf32, #tpu.memory_space<hbm>>)
    %add3A_1331 = arith.constant 768 : i32
    %add3A_1332 = arith.addi %mul3A_2, %add3A_1331 : i32
    %dma_wait3A_1333 = arith.constant 64 : i32
    %dma_wait3A_1334 = tpu.memref_slice %arg9[%add3A_1332, %dma_wait3A_1333] : memref<32768x128xf32, #tpu.memory_space<hbm>> -> memref<128x16xf32, #tpu.memory_space<hbm>>
    %dma_wait3A_1335 = arith.constant 64 : i32
    %dma_wait3A_1336 = tpu.memref_slice %arg9[%add3A_1332, %dma_wait3A_1335] : memref<32768x128xf32, #tpu.memory_space<hbm>> -> memref<128x16xf32, #tpu.memory_space<hbm>>
    tpu.wait_dma2 semaphore(%arg36 : memref<!tpu.dma_semaphore, #tpu.memory_space<semaphore_mem>>) src(%arg12 : memref<128x16xf32, #tpu.memory_space<vmem>>) dst(%dma_wait3A_1336 : memref<128x16xf32, #tpu.memory_space<hbm>>)
    %add3A_1337 = arith.constant 768 : i32
    %add3A_1338 = arith.addi %mul3A_2, %add3A_1337 : i32
    %dma_wait3A_1339 = arith.constant 16 : i32
    %dma_wait3A_1340 = tpu.memref_slice %arg9[%add3A_1338, %dma_wait3A_1339] : memref<32768x128xf32, #tpu.memory_space<hbm>> -> memref<128x24xf32, #tpu.memory_space<hbm>>
    %dma_wait3A_1341 = arith.constant 16 : i32
    %dma_wait3A_1342 = tpu.memref_slice %arg9[%add3A_1338, %dma_wait3A_1341] : memref<32768x128xf32, #tpu.memory_space<hbm>> -> memref<128x24xf32, #tpu.memory_space<hbm>>
    tpu.wait_dma2 semaphore(%arg36 : memref<!tpu.dma_semaphore, #tpu.memory_space<semaphore_mem>>) src(%arg13 : memref<128x24xf32, #tpu.memory_space<vmem>>) dst(%dma_wait3A_1342 : memref<128x24xf32, #tpu.memory_space<hbm>>)
    %add3A_1343 = arith.constant 768 : i32
    %add3A_1344 = arith.addi %mul3A_2, %add3A_1343 : i32
    %dma_wait3A_1345 = arith.constant 80 : i32
    %dma_wait3A_1346 = tpu.memref_slice %arg9[%add3A_1344, %dma_wait3A_1345] : memref<32768x128xf32, #tpu.memory_space<hbm>> -> memref<128x24xf32, #tpu.memory_space<hbm>>
    %dma_wait3A_1347 = arith.constant 80 : i32
    %dma_wait3A_1348 = tpu.memref_slice %arg9[%add3A_1344, %dma_wait3A_1347] : memref<32768x128xf32, #tpu.memory_space<hbm>> -> memref<128x24xf32, #tpu.memory_space<hbm>>
    tpu.wait_dma2 semaphore(%arg36 : memref<!tpu.dma_semaphore, #tpu.memory_space<semaphore_mem>>) src(%arg14 : memref<128x24xf32, #tpu.memory_space<vmem>>) dst(%dma_wait3A_1348 : memref<128x24xf32, #tpu.memory_space<hbm>>)
    %add3A_1349 = arith.constant 768 : i32
    %add3A_1350 = arith.addi %mul3A_2, %add3A_1349 : i32
    %dma_wait3A_1351 = arith.constant 40 : i32
    %dma_wait3A_1352 = tpu.memref_slice %arg9[%add3A_1350, %dma_wait3A_1351] : memref<32768x128xf32, #tpu.memory_space<hbm>> -> memref<128x24xf32, #tpu.memory_space<hbm>>
    %dma_wait3A_1353 = arith.constant 40 : i32
    %dma_wait3A_1354 = tpu.memref_slice %arg9[%add3A_1350, %dma_wait3A_1353] : memref<32768x128xf32, #tpu.memory_space<hbm>> -> memref<128x24xf32, #tpu.memory_space<hbm>>
    tpu.wait_dma2 semaphore(%arg36 : memref<!tpu.dma_semaphore, #tpu.memory_space<semaphore_mem>>) src(%arg15 : memref<128x24xf32, #tpu.memory_space<vmem>>) dst(%dma_wait3A_1354 : memref<128x24xf32, #tpu.memory_space<hbm>>)
    %add3A_1355 = arith.constant 768 : i32
    %add3A_1356 = arith.addi %mul3A_2, %add3A_1355 : i32
    %dma_wait3A_1357 = arith.constant 104 : i32
    %dma_wait3A_1358 = tpu.memref_slice %arg9[%add3A_1356, %dma_wait3A_1357] : memref<32768x128xf32, #tpu.memory_space<hbm>> -> memref<128x24xf32, #tpu.memory_space<hbm>>
    %dma_wait3A_1359 = arith.constant 104 : i32
    %dma_wait3A_1360 = tpu.memref_slice %arg9[%add3A_1356, %dma_wait3A_1359] : memref<32768x128xf32, #tpu.memory_space<hbm>> -> memref<128x24xf32, #tpu.memory_space<hbm>>
    tpu.wait_dma2 semaphore(%arg36 : memref<!tpu.dma_semaphore, #tpu.memory_space<semaphore_mem>>) src(%arg16 : memref<128x24xf32, #tpu.memory_space<vmem>>) dst(%dma_wait3A_1360 : memref<128x24xf32, #tpu.memory_space<hbm>>)
    %add3A_1361 = arith.constant 896 : i32
    %add3A_1362 = arith.addi %mul3A_2, %add3A_1361 : i32
    %dma_wait3A_1363 = arith.constant 0 : i32
    %dma_wait3A_1364 = tpu.memref_slice %arg9[%add3A_1362, %dma_wait3A_1363] : memref<32768x128xf32, #tpu.memory_space<hbm>> -> memref<128x16xf32, #tpu.memory_space<hbm>>
    %dma_wait3A_1365 = arith.constant 0 : i32
    %dma_wait3A_1366 = tpu.memref_slice %arg9[%add3A_1362, %dma_wait3A_1365] : memref<32768x128xf32, #tpu.memory_space<hbm>> -> memref<128x16xf32, #tpu.memory_space<hbm>>
    tpu.wait_dma2 semaphore(%arg36 : memref<!tpu.dma_semaphore, #tpu.memory_space<semaphore_mem>>) src(%arg17 : memref<128x16xf32, #tpu.memory_space<vmem>>) dst(%dma_wait3A_1366 : memref<128x16xf32, #tpu.memory_space<hbm>>)
    %add3A_1367 = arith.constant 896 : i32
    %add3A_1368 = arith.addi %mul3A_2, %add3A_1367 : i32
    %dma_wait3A_1369 = arith.constant 64 : i32
    %dma_wait3A_1370 = tpu.memref_slice %arg9[%add3A_1368, %dma_wait3A_1369] : memref<32768x128xf32, #tpu.memory_space<hbm>> -> memref<128x16xf32, #tpu.memory_space<hbm>>
    %dma_wait3A_1371 = arith.constant 64 : i32
    %dma_wait3A_1372 = tpu.memref_slice %arg9[%add3A_1368, %dma_wait3A_1371] : memref<32768x128xf32, #tpu.memory_space<hbm>> -> memref<128x16xf32, #tpu.memory_space<hbm>>
    tpu.wait_dma2 semaphore(%arg36 : memref<!tpu.dma_semaphore, #tpu.memory_space<semaphore_mem>>) src(%arg18 : memref<128x16xf32, #tpu.memory_space<vmem>>) dst(%dma_wait3A_1372 : memref<128x16xf32, #tpu.memory_space<hbm>>)
    %add3A_1373 = arith.constant 896 : i32
    %add3A_1374 = arith.addi %mul3A_2, %add3A_1373 : i32
    %dma_wait3A_1375 = arith.constant 16 : i32
    %dma_wait3A_1376 = tpu.memref_slice %arg9[%add3A_1374, %dma_wait3A_1375] : memref<32768x128xf32, #tpu.memory_space<hbm>> -> memref<128x24xf32, #tpu.memory_space<hbm>>
    %dma_wait3A_1377 = arith.constant 16 : i32
    %dma_wait3A_1378 = tpu.memref_slice %arg9[%add3A_1374, %dma_wait3A_1377] : memref<32768x128xf32, #tpu.memory_space<hbm>> -> memref<128x24xf32, #tpu.memory_space<hbm>>
    tpu.wait_dma2 semaphore(%arg36 : memref<!tpu.dma_semaphore, #tpu.memory_space<semaphore_mem>>) src(%arg19 : memref<128x24xf32, #tpu.memory_space<vmem>>) dst(%dma_wait3A_1378 : memref<128x24xf32, #tpu.memory_space<hbm>>)
    %add3A_1379 = arith.constant 896 : i32
    %add3A_1380 = arith.addi %mul3A_2, %add3A_1379 : i32
    %dma_wait3A_1381 = arith.constant 80 : i32
    %dma_wait3A_1382 = tpu.memref_slice %arg9[%add3A_1380, %dma_wait3A_1381] : memref<32768x128xf32, #tpu.memory_space<hbm>> -> memref<128x24xf32, #tpu.memory_space<hbm>>
    %dma_wait3A_1383 = arith.constant 80 : i32
    %dma_wait3A_1384 = tpu.memref_slice %arg9[%add3A_1380, %dma_wait3A_1383] : memref<32768x128xf32, #tpu.memory_space<hbm>> -> memref<128x24xf32, #tpu.memory_space<hbm>>
    tpu.wait_dma2 semaphore(%arg36 : memref<!tpu.dma_semaphore, #tpu.memory_space<semaphore_mem>>) src(%arg20 : memref<128x24xf32, #tpu.memory_space<vmem>>) dst(%dma_wait3A_1384 : memref<128x24xf32, #tpu.memory_space<hbm>>)
    %add3A_1385 = arith.constant 896 : i32
    %add3A_1386 = arith.addi %mul3A_2, %add3A_1385 : i32
    %dma_wait3A_1387 = arith.constant 40 : i32
    %dma_wait3A_1388 = tpu.memref_slice %arg9[%add3A_1386, %dma_wait3A_1387] : memref<32768x128xf32, #tpu.memory_space<hbm>> -> memref<128x24xf32, #tpu.memory_space<hbm>>
    %dma_wait3A_1389 = arith.constant 40 : i32
    %dma_wait3A_1390 = tpu.memref_slice %arg9[%add3A_1386, %dma_wait3A_1389] : memref<32768x128xf32, #tpu.memory_space<hbm>> -> memref<128x24xf32, #tpu.memory_space<hbm>>
    tpu.wait_dma2 semaphore(%arg36 : memref<!tpu.dma_semaphore, #tpu.memory_space<semaphore_mem>>) src(%arg21 : memref<128x24xf32, #tpu.memory_space<vmem>>) dst(%dma_wait3A_1390 : memref<128x24xf32, #tpu.memory_space<hbm>>)
    %add3A_1391 = arith.constant 896 : i32
    %add3A_1392 = arith.addi %mul3A_2, %add3A_1391 : i32
    %dma_wait3A_1393 = arith.constant 104 : i32
    %dma_wait3A_1394 = tpu.memref_slice %arg9[%add3A_1392, %dma_wait3A_1393] : memref<32768x128xf32, #tpu.memory_space<hbm>> -> memref<128x24xf32, #tpu.memory_space<hbm>>
    %dma_wait3A_1395 = arith.constant 104 : i32
    %dma_wait3A_1396 = tpu.memref_slice %arg9[%add3A_1392, %dma_wait3A_1395] : memref<32768x128xf32, #tpu.memory_space<hbm>> -> memref<128x24xf32, #tpu.memory_space<hbm>>
    tpu.wait_dma2 semaphore(%arg36 : memref<!tpu.dma_semaphore, #tpu.memory_space<semaphore_mem>>) src(%arg22 : memref<128x24xf32, #tpu.memory_space<vmem>>) dst(%dma_wait3A_1396 : memref<128x24xf32, #tpu.memory_space<hbm>>)
    return
  }
}

</mosaic_0001>

<sc_bundles>
// kernel: kernel.3.cloned.1.call-start
scs
__scs_entry_jumppad:
0x0: {  	(pc) =	sbr.rel $0x88, $3  }
0x1: {  	(tag) =	ssettag $0x0;
	lr =	simm.s32 $0x1  }
0x2: {  	[smem:$0x3F9A] =	sst lr;
	_ =	strace $0xD0000000  }
0x3: {  	_ = 	snop  }
0x4: {  	_ = 	snop  }
0x5: {  	_ = 	snop  }
0x6: {  	_ = 	snop  }
0x7: {  	_ = 	snop  }
__scs_overlays_trampoline_lowered:
0x8: {  	[smem:$0x3FA9] =	sst s0  }
0x9: {  	[smem:$0x3FAA] =	sst s1  }
0xa: {  	[smem:$0x3FAB] =	sst s2  }
0xb: {  	[smem:$0x3FAC] =	sst s3  }
0xc: {  	[smem:$0x3FAD] =	sst s4  }
0xd: {  	[smem:$0x3FAE] =	sst s5  }
0xe: {  	[smem:$0x3FAF] =	sst s6  }
0xf: {  	[smem:$0x3FB0] =	sst s7  }
0x10: {  	[smem:$0x3FB1] =	sst s8  }
0x11: {  	[smem:$0x3FB2] =	sst s9;
	s0 =	simm.s32 @!p0 $0x0  }
0x12: {  	s1 =	sld [smem:$0x3F98];
	s0 =	simm.s32 @p0 $0x1  }
0x13: {  	[smem:$0x3FB3] =	sst s0;
	s0 =	simm.s32 @!p1 $0x0  }
0x14: {  	s2 =	sld [smem:$0x3F97];
	s0 =	simm.s32 @p1 $0x1  }
0x15: {  	[smem:$0x3FB4] =	sst s0;
	s0 =	simm.s32 @!p2 $0x0  }
0x16: {  	s3 =	sld [smem:$0x3FDB];
	s0 =	simm.s32 @p2 $0x1  }
0x17: {  	s4 =	simm.s32 $0x1BF5;
	[smem:$0x3FB6] =	sst s0  }
0x18: {  	s0 =	sld [smem:$0x3F99];
	_ =	swait.ge [sflag:s4], $0x0  }
0x19: {  	s7 =	sld [smem:$0x3F9A]  }
0x1a: {  	s8 =	sadd.s32 $0xFFFFE003, lr  }
0x1b: {  	s9 =	sadd.s32 $0xFFFFFEF7, lr;
	s5 =	simm.s32 $0xFFFFFFFF;
	p2 =	slt.u32 s8, $0xFFFFF086  }
0x1c: {  	p1 =	slt.u32 s9, $0xF7A;
	s5 =	simm.s32 @!p2 $0x0  }
0x1d: {  	s5 =	simm.s32 @p1 $0x1;
	p0 =	seq.s32 s7, s2  }
0x1e: {  	s7 =	smul.u32 @!p0 $0xF7A, s2;
	p2 =	seq.s32 @!p0 s5, $0x0  }
0x1f: {  	s9 =	smul.u32 $0xF7A, s1;
	s8 =	simm.s32 @!p0 $0x1BF5;
	p2 =	por !p2, p0  }
0x20: {  	[sflag:s8] =	ssyncset.s32 @!p0 $0xFFFFF086;
	s6 =	sadd.s32 @!p0 s3, s7;
	s7 =	simm.s32 @!p0 $0x108  }
0x21: {  	s3 =	sadd.s32 s3, s9;
	s6 =	sadd.s32 @!p0 $0x88, s6;
	s7 =	simm.s32 @p2 $0x1082  }
0x22: {  	[simem:s7], [sflag:s8] =	dma.local @!p0 [hbm:s6], $0xF7A  }
0x23: {  	s9 =	sor.u32 $0xD0000000, s2;
	s6 =	simm.s32 $0x108;
	_ =	swait.ge @!p0 [sflag:s8], $0x0  }
0x24: {  	s3 =	sadd.s32 $0x88, s3;
	s6 =	simm.s32 @!p1 $0x1082;
	[sflag:s4] =	ssyncset.s32 $0xFFFFF086  }
0x25: {  	[simem:s6], [sflag:s4] =	dma.local [hbm:s3], $0xF7A  }
0x26: {  	[smem:$0x3F9A] =	sst s1;
	(tag) =	ssettag s2;
	_ =	strace s9  }
0x27: {  	s1 =	sld [smem:$0x3FAA]  }
0x28: {  	s2 =	sld [smem:$0x3FAB]  }
0x29: {  	s4 =	sld [smem:$0x3FAD]  }
0x2a: {  	p0 =	seq.s32 s5, $0x0;
	s5 =	sld [smem:$0x3FAE]  }
0x2b: {  	s6 =	sld [smem:$0x3FAF]  }
0x2c: {  	s7 =	sld [smem:$0x3FB0]  }
0x2d: {  	s3 =	simm.s32 $0x108;
	s8 =	sld [smem:$0x3FB1]  }
0x2e: {  	s3 =	simm.s32 @!p0 $0x1082;
	s9 =	sld [smem:$0x3FB2]  }
0x2f: {  	lr =	sadd.s32 s0, s3;
	s0 =	sld [smem:$0x3FA9]  }
0x30: {  	s3 =	sld [smem:$0x3FAC]  }
0x31: {  	[smem:$0x3FB5] =	sst s10  }
0x32: {  	s10 =	sld [smem:$0x3FB3];
	_ =	sdelay $0x3  }
0x33: {  	p0 =	seq.s32 s10, $0x1;
	s10 =	sld [smem:$0x3FB5];
	_ =	sdelay $0x3  }
0x34: {  	[smem:$0x3FB5] =	sst s10  }
0x35: {  	s10 =	sld [smem:$0x3FB4];
	_ =	sdelay $0x3  }
0x36: {  	p1 =	seq.s32 s10, $0x1;
	s10 =	sld [smem:$0x3FB5];
	_ =	sdelay $0x3  }
0x37: {  	[smem:$0x3FB5] =	sst s10  }
0x38: {  	s10 =	sld [smem:$0x3FB6]  }
0x39: {  	_ = 	snop;
	(pc) =	sbr.ind lr, $3  }
0x3a: {  	_ = 	snop  }
0x3b: {  	_ = 	snop  }
0x3c: {  	p2 =	seq.s32 s10, $0x1;
	s10 =	sld [smem:$0x3FB5]  }
0x3d: {  	_ =	shalt  }
0x3e: {  	_ =	shalt  }
0x3f: {  	_ =	shalt  }
0x40: {  	_ =	shalt  }
0x41: {  	_ =	shalt  }
0x42: {  	_ =	shalt  }
0x43: {  	_ =	shalt  }
0x44: {  	_ =	shalt  }
0x45: {  	_ =	shalt  }
0x46: {  	_ =	shalt  }
0x47: {  	_ =	shalt  }
0x48: {  	_ =	shalt  }
0x49: {  	_ =	shalt  }
0x4a: {  	_ =	shalt  }
0x4b: {  	_ =	shalt  }
0x4c: {  	_ =	shalt  }
0x4d: {  	_ =	shalt  }
0x4e: {  	_ =	shalt  }
0x4f: {  	_ =	shalt  }
0x50: {  	_ =	shalt  }
0x51: {  	_ =	shalt  }
0x52: {  	_ =	shalt  }
0x53: {  	_ =	shalt  }
0x54: {  	_ =	shalt  }
0x55: {  	_ =	shalt  }
0x56: {  	_ =	shalt  }
0x57: {  	_ =	shalt  }
0x58: {  	_ =	shalt  }
0x59: {  	_ =	shalt  }
0x5a: {  	_ =	shalt  }
0x5b: {  	_ =	shalt  }
0x5c: {  	_ =	shalt  }
0x5d: {  	_ =	shalt  }
0x5e: {  	_ =	shalt  }
0x5f: {  	_ =	shalt  }
0x60: {  	_ =	shalt  }
0x61: {  	_ =	shalt  }
0x62: {  	_ =	shalt  }
0x63: {  	_ =	shalt  }
0x64: {  	_ =	shalt  }
0x65: {  	_ =	shalt  }
0x66: {  	_ =	shalt  }
0x67: {  	_ =	shalt  }
0x68: {  	_ =	shalt  }
0x69: {  	_ =	shalt  }
0x6a: {  	_ =	shalt  }
0x6b: {  	_ =	shalt  }
0x6c: {  	_ =	shalt  }
0x6d: {  	_ =	shalt  }
0x6e: {  	_ =	shalt  }
0x6f: {  	_ =	shalt  }
0x70: {  	_ =	shalt  }
0x71: {  	_ =	shalt  }
0x72: {  	_ =	shalt  }
0x73: {  	_ =	shalt  }
0x74: {  	_ =	shalt  }
0x75: {  	_ =	shalt  }
0x76: {  	_ =	shalt  }
0x77: {  	_ =	shalt  }
0x78: {  	_ =	shalt  }
0x79: {  	_ =	shalt  }
0x7a: {  	_ =	shalt  }
0x7b: {  	_ =	shalt  }
0x7c: {  	_ =	shalt  }
0x7d: {  	_ =	shalt  }
0x7e: {  	_ =	shalt  }
0x7f: {  	_ =	shalt  }
0x80: {  	_ =	shalt  }
0x81: {  	_ =	shalt  }
0x82: {  	_ =	shalt  }
0x83: {  	_ =	shalt  }
0x84: {  	_ =	shalt  }
0x85: {  	_ =	shalt  }
0x86: {  	_ =	shalt  }
0x87: {  	_ =	shalt  }
.Lfunc_end0:
.L_simem_size_0:
called_computation_lowered:
.L_overlay_start_0:
0x88: {  	s2 =	sld [smem:$0x3FD9]  }
0x89: {  	s3 =	sld [smem:$0x3FFE];
	_ =	sdelay $0x1  }
0x8a: {  	s1 =	srdreg.scid  }
0x8b: {  	s0 =	sand.u32 $0x1, s1  }
0x8c: {  	s17 =	sshll.u32 s0, $0xA;
	s2 =	sadd.s32 s3, s2  }
0x8d: {  	s2 =	sadd.s32 s2, s17  }
0x8e: {  	[smem:$0x3FC1] =	sst s2  }
0x8f: {  	_ = 	snop  }
0x90: {  	s2 =	sld [smem:$0x3FD0];
	(tm) =	ssettm $0x1  }
0x91: {  	s18 =	sld [smem:$0x3FFB];
	_ =	sdelay $0x3  }
0x92: {  	_ =	strace s18  }
0x93: {  	s3 =	sld [smem:$0x3FFC];
	_ =	sdelay $0x3  }
0x94: {  	_ =	strace s3  }
0x95: {  	s3 =	sld [smem:$0x3FFD];
	_ =	sdelay $0x3  }
0x96: {  	_ =	strace s3  }
0x97: {  	_ =	strace $0x8FFFFFFF  }
0x98: {  	s19 =	sld [smem:$0x3FDB];
	_ =	sdelay $0x1  }
0x99: {  	s4 =	simm.s32 $_scs_section_size  }
0x9a: {  	s5 =	simm.s32 $_size__tile_overlayer_lowered;
	s6 =	simm.s32 $_tile_overlayer_lowered  }
0x9b: {  	s22 =	simm.s32 $0x1BFF;
	s21 =	sshll.u32 s6, $0x1;
	s3 =	sadd.s32 s4, s19  }
0x9c: {  	s7 =	simm.s32 $0x0;
	s20 =	sshll.u32 s5, $0x1;
	s5 =	sadd.s32 s21, s3  }
0x9d: {  	[timem:s7], [sflag:s22] =	dma.local [hbm:s5], s20  }
0x9e: {  	_ =	swait.ge [sflag:s22], s20  }
0x9f: {  	s4 =	ssub.s32 $0x0, s20;
	[sflag:s22] =	ssyncset.done $0x0  }
0xa0: {  	[sflag:s22] =	ssyncadd.s32 s4;
	_ =	sdelay $0x1  }
0xa1: {  	s23 =	simm.s32 $0x1B8B  }
0xa2: {  	_ =	swait.ge [sflag:s23], $0x1  }
0xa3: {  	[sflag:s23] =	ssyncset.done $0x0  }
0xa4: {  	s25 =	simm.s32 $0x1B8E;
	s24 =	sld [smem:$0x3FFE];
	[sflag:s23] =	ssyncadd.s32 $0xFFFFFFFF  }
0xa5: {  	s26 =	simm.s32 $execute0_lowered;
	[smem:$0x3FD2] =	sst s25  }
0xa6: {  	s5 =	sshll.u32 s26, $0x1;
	_ =	strace $0x80000046;
	[dreg:$0x1] =	wrdreg $0xFFFFFFFF  }
0xa7: {  	s28 =	simm.s32 $_size_execute0_lowered;
	s3 =	sadd.s32 s3, s5;
	[dreg:$0x0] =	wrdreg $0x0  }
0xa8: {  	s5 =	sshll.u32 s28, $0x1;
	[dreg:$0x2] =	wrdreg s3  }
0xa9: {  	[dreg:$0x3] =	wrdreg s5  }
0xaa: {  	[dreg:$0x4] =	wrdreg $0xC0  }
0xab: {  	_ =	task [dreg:s7], $0x5FFFF  }
0xac: {  	[dreg:$0x1] =	wrdreg $0xFFFFFFFF  }
0xad: {  	[dreg:$0x0] =	wrdreg $0x60  }
0xae: {  	[dreg:$0x2] =	wrdreg s24  }
0xaf: {  	[dreg:$0x3] =	wrdreg s2  }
0xb0: {  	[dreg:$0x4] =	wrdreg $0xCC000  }
0xb1: {  	[dreg:$0x5] =	wrdreg $0xDC000  }
0xb2: {  	[dreg:$0x6] =	wrdreg $0xEC000  }
0xb3: {  	[dreg:$0x7] =	wrdreg $0x104000  }
0xb4: {  	[dreg:$0x8] =	wrdreg $0x11C000  }
0xb5: {  	[dreg:$0x9] =	wrdreg $0x134000  }
0xb6: {  	[dreg:$0xa] =	wrdreg $0x9  }
0xb7: {  	_ =	task.clear_ibuf [dreg:s7], $0xBFFFF;
	_ =	strace $0x90000046  }
0xb8: {  	s29 =	simm.s32 $0x9;
	_ =	strace $0x80000048  }
0xb9: {  	_ =	swait.ge [sflag:s29], $0x1  }
0xba: {  	[sflag:s29] =	ssyncadd.s32 $0xFFFFFFFF  }
0xbb: {  	_ =	strace $0x90000048  }
0xbc: {  	_ =	sfence  }
0xbd: {  	s30 =	sld [smem:$0x0];
	_ =	sdelay $0x2  }
0xbe: {  	s31 =	sshll.u32 s1, $0xD;
	s1 =	sshrl.u32 s1, $0x2  }
0xbf: {  	s3 =	sand.u32 $0x4000, s31;
	s1 =	sadd.s32 s1, s30  }
0xc0: {  	s0 =	sor.u32 s3, s0;
	s1 =	sshll.u32 s1, $0x11  }
0xc1: {  	s0 =	sor.u32 s1, s0  }
0xc2: {  	s0 =	sadd.s32 $0x8F2B, s0  }
0xc3: {  	[sflag:s0] =	ssyncadd.remote.s32 $0x1  }
0xc4: {  	_ =	sfence.sel $0xFFFF  }
0xc5: {  	[dreg:$0x0] =	wrdreg $0xFFFFFFFF;
	(pc) =	sbr.abs _section_cstart, $3  }
0xc6: {  	[dreg:$0x1] =	wrdreg $0xFFFFFFFF  }
0xc7: {  	_ =	task.clear_ibuf [dreg:s7], $0x2FFFF;
	_ =	strace $0x9FFFFFFF  }
0xc8: {  	(tm) =	ssettm $0x7FFFFFFF  }
0xc9: {  	_ =	shalt  }
tec
execute0_lowered:
.L_overlay_start_1:
0x0: {  	(tag) =	ssettag $0x1  }
0x1: {  	s1 =	rddreg [dreg:$0x0]  }
0x2: {  	s8 =	rddreg [dreg:$0x1]  }
0x3: {  	s3 =	rddreg [dreg:$0x2]  }
0x4: {  	s4 =	rddreg [dreg:$0x3]  }
0x5: {  	s5 =	rddreg [dreg:$0x4]  }
0x6: {  	s6 =	rddreg [dreg:$0x5]  }
0x7: {  	s7 =	rddreg [dreg:$0x6]  }
0x8: {  	s25 =	rddreg [dreg:$0x7];
	s18 =	simm.s32 $0x0;
	s13 =	stileid.u32  }
0x9: {  	s9 =	srdreg.scid;
	[smem:$0x7FF] =	sst s18  }
0xa: {  	s10 =	sshll.u32 s13, $0x9;
	s0 =	smul.u32 $0x1800, s13;
	s2 =	sand.u32 $0x1, s9  }
0xb: {  	s21 =	sshll.u32 s13, $0x1;
	_ =	strace $0x80000047;
	s20 =	sadd.s32 s10, s1  }
0xc: {  	[smem:$0x7FD] =	sst s2;
	s11 =	sshrl.u32 s0, $0x3;
	s12 =	sadd.s32 $0x3E00, s20  }
0xd: {  	s9 =	sadd.s32 $0x5E00, s20;
	s11 =	sadd.s32 s11, s1;
	[dreg:$0x9] =	wrdreg s12  }
0xe: {  	s10 =	sor.u32 s2, s21;
	[dreg:$0xa] =	wrdreg s9;
	s22 =	sadd.s32 $0x7E00, s11  }
0xf: {  	s23 =	sshll.u32 s10, $0x7;
	s24 =	sadd.s32 $0xAE00, s11;
	[dreg:$0xb] =	wrdreg s22  }
0x10: {  	s10 =	sshll.u32 s10, $0xE;
	s26 =	sadd.s32 $0xDE00, s11;
	[dreg:$0xc] =	wrdreg s24  }
0x11: {  	s1 =	sadd.s32 s23, s1;
	s28 =	sadd.s32 $0x10E00, s11;
	[dreg:$0xd] =	wrdreg s26  }
0x12: {  	s29 =	sadd.s32 s8, s10;
	s1 =	sadd.s32 $0xE00, s1;
	[dreg:$0xe] =	wrdreg s28  }
0x13: {  	s31 =	sadd.s32 $0x8, s29;
	[dreg:$0xf] =	wrdreg s1  }
0x14: {  	s2 =	sadd.s32 $0x2, s29;
	[dreg:$0x10] =	wrdreg s31  }
0x15: {  	s8 =	sadd.s32 $0xA, s29;
	[dreg:$0x11] =	wrdreg s2  }
0x16: {  	s9 =	sadd.s32 $0x5, s29;
	[dreg:$0x12] =	wrdreg s8  }
0x17: {  	s10 =	sadd.s32 $0xD, s29;
	[dreg:$0x13] =	wrdreg s9  }
0x18: {  	s11 =	sadd.s32 $0x800, s29;
	[dreg:$0x14] =	wrdreg s10  }
0x19: {  	s12 =	sadd.s32 $0x808, s29;
	[dreg:$0x15] =	wrdreg s11  }
0x1a: {  	s14 =	sadd.s32 $0x802, s29;
	[dreg:$0x16] =	wrdreg s12  }
0x1b: {  	s15 =	sadd.s32 $0x80A, s29;
	[dreg:$0x17] =	wrdreg s14  }
0x1c: {  	s16 =	sadd.s32 $0x805, s29;
	[dreg:$0x18] =	wrdreg s15  }
0x1d: {  	s17 =	sadd.s32 $0x80D, s29;
	[dreg:$0x19] =	wrdreg s16  }
0x1e: {  	s19 =	sadd.s32 $0x1000, s29;
	[dreg:$0x1a] =	wrdreg s17  }
0x1f: {  	s20 =	sadd.s32 $0x1008, s29;
	[dreg:$0x1b] =	wrdreg s19  }
0x20: {  	s21 =	sadd.s32 $0x1002, s29;
	[dreg:$0x1c] =	wrdreg s20  }
0x21: {  	s23 =	sadd.s32 $0x1005, s29;
	[dreg:$0x1d] =	wrdreg s21  }
0x22: {  	s22 =	sadd.s32 $0x100A, s29;
	[dreg:$0x1f] =	wrdreg s23  }
0x23: {  	s24 =	sadd.s32 $0x100D, s29;
	[dreg:$0x1e] =	wrdreg s22  }
0x24: {  	s26 =	sadd.s32 $0x1800, s29;
	[smem:$0x7DE] =	sst s24  }
0x25: {  	s28 =	sadd.s32 $0x1808, s29;
	[smem:$0x7DF] =	sst s26  }
0x26: {  	s31 =	sadd.s32 $0x1802, s29;
	[smem:$0x7E0] =	sst s28  }
0x27: {  	s2 =	sadd.s32 $0x180A, s29;
	[smem:$0x7E1] =	sst s31  }
0x28: {  	s8 =	sadd.s32 $0x1805, s29;
	[smem:$0x7E2] =	sst s2  }
0x29: {  	s9 =	sadd.s32 $0x180D, s29;
	[smem:$0x7E3] =	sst s8  }
0x2a: {  	s10 =	sadd.s32 $0x2000, s29;
	[smem:$0x7E4] =	sst s9  }
0x2b: {  	s11 =	sadd.s32 $0x2008, s29;
	[smem:$0x7E5] =	sst s10  }
0x2c: {  	s12 =	sadd.s32 $0x2002, s29;
	[smem:$0x7E6] =	sst s11  }
0x2d: {  	s14 =	sadd.s32 $0x200A, s29;
	[smem:$0x7E7] =	sst s12  }
0x2e: {  	s15 =	sadd.s32 $0x2005, s29;
	[smem:$0x7E8] =	sst s14  }
0x2f: {  	s16 =	sadd.s32 $0x200D, s29;
	[smem:$0x7E9] =	sst s15  }
0x30: {  	s17 =	sadd.s32 $0x2800, s29;
	[smem:$0x7EA] =	sst s16  }
0x31: {  	s19 =	sadd.s32 $0x2808, s29;
	[smem:$0x7EB] =	sst s17  }
0x32: {  	s20 =	sadd.s32 $0x2802, s29;
	[smem:$0x7EC] =	sst s19  }
0x33: {  	s21 =	sadd.s32 $0x280A, s29;
	[smem:$0x7ED] =	sst s20  }
0x34: {  	s23 =	sadd.s32 $0x280D, s29;
	[smem:$0x7EE] =	sst s21  }
0x35: {  	s22 =	sadd.s32 $0x2805, s29;
	[smem:$0x7F0] =	sst s23  }
0x36: {  	s24 =	sadd.s32 $0x3000, s29;
	[smem:$0x7EF] =	sst s22  }
0x37: {  	s26 =	sadd.s32 $0x3008, s29;
	[smem:$0x7F1] =	sst s24  }
0x38: {  	s28 =	sadd.s32 $0x3002, s29;
	[smem:$0x7F2] =	sst s26  }
0x39: {  	s31 =	sadd.s32 $0x300A, s29;
	[smem:$0x7F3] =	sst s28  }
0x3a: {  	s2 =	sadd.s32 $0x3005, s29;
	[smem:$0x7F4] =	sst s31  }
0x3b: {  	s8 =	sadd.s32 $0x300D, s29;
	[smem:$0x7F5] =	sst s2  }
0x3c: {  	s9 =	sadd.s32 $0x3800, s29;
	[smem:$0x7F6] =	sst s8  }
0x3d: {  	s10 =	sadd.s32 $0x3808, s29;
	[smem:$0x7F7] =	sst s9  }
0x3e: {  	s11 =	sadd.s32 $0x3802, s29;
	[smem:$0x7F8] =	sst s10  }
0x3f: {  	s12 =	sadd.s32 $0x380A, s29;
	[smem:$0x7F9] =	sst s11  }
0x40: {  	s15 =	sadd.s32 $0x3805, s29;
	[smem:$0x7FA] =	sst s12  }
0x41: {  	s17 =	sadd.s32 $0x380D, s29;
	[smem:$0x7FB] =	sst s15  }
0x42: {  	s14 =	sshll.u32 s13, $0xC;
	s20 =	sadd.s32 s0, s5;
	[smem:$0x7FC] =	sst s17  }
0x43: {  	s16 =	sadd.s32 s14, s3;
	s23 =	sshrl.u32 s20, $0x3;
	s31 =	rddreg [dreg:$0x9]  }
0x44: {  	s8 =	sadd.s32 s14, s4;
	s19 =	sshrl.u32 s16, $0x3;
	[smem:$0x7D8] =	sst s23  }
0x45: {  	s22 =	sadd.s32 s0, s6;
	s21 =	sshrl.u32 s8, $0x3;
	[smem:$0x7D6] =	sst s19  }
0x46: {  	s24 =	sshrl.u32 s22, $0x3;
	[smem:$0x7D7] =	sst s21  }
0x47: {  	s26 =	sadd.s32 s0, s7;
	[smem:$0x7D9] =	sst s24  }
0x48: {  	s0 =	sadd.s32 s0, s25;
	s1 =	sshrl.u32 s26, $0x3;
	s28 =	sld [smem:$0x7D6]  }
0x49: {  	s9 =	sshll.u32 s13, $0x6;
	s0 =	sshrl.u32 s0, $0x3;
	[smem:$0x7DA] =	sst s1  }
0x4a: {  	s10 =	sor.u32 $0x1C01, s9;
	[smem:$0x7DB] =	sst s0  }
0x4b: {  	[spmem:s28], [sflag:s10] =	dma.local [hbm:s31], $0x200  }
0x4c: {  	s12 =	sld [smem:$0x7D7];
	_ =	sdelay $0x1  }
0x4d: {  	s11 =	rddreg [dreg:$0xa]  }
0x4e: {  	[spmem:s12], [sflag:s10] =	dma.local [hbm:s11], $0x200  }
0x4f: {  	s1 =	sld [smem:$0x7D8];
	_ =	sdelay $0x1  }
0x50: {  	s0 =	rddreg [dreg:$0xb]  }
0x51: {  	[spmem:s1], [sflag:s10] =	dma.local [hbm:s0], $0x300  }
0x52: {  	s1 =	sld [smem:$0x7D9];
	_ =	sdelay $0x1  }
0x53: {  	s0 =	rddreg [dreg:$0xc]  }
0x54: {  	[spmem:s1], [sflag:s10] =	dma.local [hbm:s0], $0x300  }
0x55: {  	s1 =	sld [smem:$0x7DA];
	_ =	sdelay $0x1  }
0x56: {  	s0 =	rddreg [dreg:$0xd]  }
0x57: {  	[spmem:s1], [sflag:s10] =	dma.local [hbm:s0], $0x300  }
0x58: {  	s1 =	sld [smem:$0x7DB]  }
0x59: {  	[smem:$0x7DC] =	sst s10  }
0x5a: {  	s13 =	simm.s32 $0x400;
	s0 =	rddreg [dreg:$0xe]  }
0x5b: {  	[spmem:s1], [sflag:s10] =	dma.local [hbm:s0], $0x300  }
0x5c: {  	s2 =	simm.s32 $0x8000;
	s15 =	simm.s32 $0x3;
	s0 =	rddreg [dreg:$0xf]  }
0x5d: {  	[tilespmem:s18], [sflag:$0x3] =	stream.strided.gather [hbm4b:s0+s13], $0xC00, s2, s13, $0x38;
	[tilespmem:$0x14C00] =	vst v63  }
0x5e: {  	_ =	swait.ge [sflag:s15], $0xC00  }
0x5f: {  	[sflag:s15] =	ssyncset.done $0x0  }
0x60: {  	s14 =	simm.s32 $0x1;
	[sflag:s15] =	ssyncadd.s32 $0xFFFFF400  }
0x61: {  	_ =	swait.ge [sflag:s14], $0x200  }
0x62: {  	[sflag:s14] =	ssyncset.done $0x0  }
0x63: {  	[sflag:s14] =	ssyncadd.s32 $0xFFFFFE00  }
0x64: {  	_ =	swait.ge [sflag:s14], $0x200  }
0x65: {  	[sflag:s14] =	ssyncset.done $0x0  }
0x66: {  	[sflag:s14] =	ssyncadd.s32 $0xFFFFFE00  }
0x67: {  	_ =	swait.ge [sflag:s14], $0x300  }
0x68: {  	[sflag:s14] =	ssyncset.done $0x0  }
0x69: {  	[sflag:s14] =	ssyncadd.s32 $0xFFFFFD00  }
0x6a: {  	_ =	swait.ge [sflag:s14], $0x300  }
0x6b: {  	[sflag:s14] =	ssyncset.done $0x0  }
0x6c: {  	[sflag:s14] =	ssyncadd.s32 $0xFFFFFD00  }
0x6d: {  	_ =	swait.ge [sflag:s14], $0x300  }
0x6e: {  	[sflag:s14] =	ssyncset.done $0x0  }
0x6f: {  	[sflag:s14] =	ssyncadd.s32 $0xFFFFFD00  }
0x70: {  	_ =	swait.ge [sflag:s14], $0x300  }
0x71: {  	[sflag:s14] =	ssyncset.done $0x0  }
0x72: {  	[sflag:s14] =	ssyncadd.s32 $0xFFFFFD00  }
0x73: {  	s17 =	simm.s32 $0xC00;
	s15 =	simm.s32 $0x80;
	[bflag:$0x0] =	sbarrier.arrive $0xFFFF  }
0x74: {  	[tilespmem:s17], [sflag:$0x1] =	stream.indirect.gather [spmem:s3], $0x10, s18, s15, $0xb8;
	[tilespmem:$0x14C00] =	vst v63  }
0x75: {  	s9 =	simm.s32 $0x1400  }
0x76: {  	[tilespmem:s9], [sflag:$0x1] =	stream.indirect.gather [spmem:s4], $0x10, s18, s15, $0xb8;
	[tilespmem:$0x14C00] =	vst v63  }
0x77: {  	s18 =	simm.s32 $0x1C00  }
0x78: {  	[tilespmem:s18], [sflag:$0x1] =	stream.indirect.gather [spmem:s5], $0x18, s13, s15, $0xb8;
	[tilespmem:$0x14C00] =	vst v63  }
0x79: {  	s19 =	simm.s32 $0x2800  }
0x7a: {  	[tilespmem:s19], [sflag:$0x1] =	stream.indirect.gather [spmem:s6], $0x18, s13, s15, $0xb8;
	[tilespmem:$0x14C00] =	vst v63  }
0x7b: {  	s16 =	simm.s32 $0x800;
	s21 =	simm.s32 $0x3400  }
0x7c: {  	[tilespmem:s21], [sflag:$0x1] =	stream.indirect.gather [spmem:s7], $0x18, s16, s15, $0xb8;
	[tilespmem:$0x14C00] =	vst v63  }
0x7d: {  	s22 =	simm.s32 $0x4000  }
0x7e: {  	[tilespmem:s22], [sflag:$0x1] =	stream.indirect.gather [spmem:s25], $0x18, s16, s15, $0xb8;
	[tilespmem:$0x14C00] =	vst v63  }
0x7f: {  	s23 =	simm.s32 $0x4C00  }
0x80: {  	[tilespmem:s23], [sflag:$0x1] =	stream.indirect.gather [spmem:s3], $0x10, s15, s15, $0xb8;
	[tilespmem:$0x14C00] =	vst v63  }
0x81: {  	s24 =	simm.s32 $0x5400  }
0x82: {  	[tilespmem:s24], [sflag:$0x1] =	stream.indirect.gather [spmem:s4], $0x10, s15, s15, $0xb8;
	[tilespmem:$0x14C00] =	vst v63  }
0x83: {  	s20 =	simm.s32 $0x480;
	s26 =	simm.s32 $0x5C00  }
0x84: {  	[tilespmem:s26], [sflag:$0x1] =	stream.indirect.gather [spmem:s5], $0x18, s20, s15, $0xb8;
	[tilespmem:$0x14C00] =	vst v63  }
0x85: {  	s28 =	simm.s32 $0x6800  }
0x86: {  	[tilespmem:s28], [sflag:$0x1] =	stream.indirect.gather [spmem:s6], $0x18, s20, s15, $0xb8;
	[tilespmem:$0x14C00] =	vst v63  }
0x87: {  	s31 =	simm.s32 $0x880;
	s12 =	simm.s32 $0x7400  }
0x88: {  	[tilespmem:s12], [sflag:$0x1] =	stream.indirect.gather [spmem:s7], $0x18, s31, s15, $0xb8;
	[tilespmem:$0x14C00] =	vst v63  }
0x89: {  	_ = 	snop  }
0x8a: {  	[tilespmem:s2], [sflag:$0x1] =	stream.indirect.gather [spmem:s25], $0x18, s31, s15, $0xb8;
	[tilespmem:$0x14C00] =	vst v63  }
0x8b: {  	s8 =	simm.s32 $0x8C00;
	s1 =	simm.s32 $0x100  }
0x8c: {  	[tilespmem:s8], [sflag:$0x1] =	stream.indirect.gather [spmem:s3], $0x10, s1, s15, $0xb8;
	[tilespmem:$0x14C00] =	vst v63  }
0x8d: {  	s20 =	simm.s32 $0x9400  }
0x8e: {  	[tilespmem:s20], [sflag:$0x1] =	stream.indirect.gather [spmem:s4], $0x10, s1, s15, $0xb8;
	[tilespmem:$0x14C00] =	vst v63  }
0x8f: {  	s10 =	simm.s32 $0x500;
	s31 =	simm.s32 $0x9C00  }
0x90: {  	[tilespmem:s31], [sflag:$0x1] =	stream.indirect.gather [spmem:s5], $0x18, s10, s15, $0xb8;
	[tilespmem:$0x14C00] =	vst v63  }
0x91: {  	s16 =	simm.s32 $0xA800  }
0x92: {  	[tilespmem:s16], [sflag:$0x1] =	stream.indirect.gather [spmem:s6], $0x18, s10, s15, $0xb8;
	[tilespmem:$0x14C00] =	vst v63  }
0x93: {  	s11 =	simm.s32 $0x900;
	s10 =	simm.s32 $0xB400  }
0x94: {  	[tilespmem:s10], [sflag:$0x1] =	stream.indirect.gather [spmem:s7], $0x18, s11, s15, $0xb8;
	[tilespmem:$0x14C00] =	vst v63  }
0x95: {  	s1 =	simm.s32 $0xC000  }
0x96: {  	[tilespmem:s1], [sflag:$0x1] =	stream.indirect.gather [spmem:s25], $0x18, s11, s15, $0xb8;
	[tilespmem:$0x14C00] =	vst v63  }
0x97: {  	_ =	swait.ge [sflag:s14], $0x800  }
0x98: {  	[sflag:s14] =	ssyncset.done $0x0  }
0x99: {  	[sflag:s14] =	ssyncadd.s32 $0xFFFFF800  }
0x9a: {  	_ =	swait.ge [sflag:s14], $0x800  }
0x9b: {  	[sflag:s14] =	ssyncset.done $0x0  }
0x9c: {  	[sflag:s14] =	ssyncadd.s32 $0xFFFFF800  }
0x9d: {  	_ =	swait.ge [sflag:s14], $0xC00  }
0x9e: {  	[sflag:s14] =	ssyncset.done $0x0  }
0x9f: {  	[sflag:s14] =	ssyncadd.s32 $0xFFFFF400  }
0xa0: {  	_ =	swait.ge [sflag:s14], $0xC00  }
0xa1: {  	[sflag:s14] =	ssyncset.done $0x0  }
0xa2: {  	[sflag:s14] =	ssyncadd.s32 $0xFFFFF400  }
0xa3: {  	_ =	swait.ge [sflag:s14], $0xC00  }
0xa4: {  	[sflag:s14] =	ssyncset.done $0x0  }
0xa5: {  	[sflag:s14] =	ssyncadd.s32 $0xFFFFF400  }
0xa6: {  	_ =	swait.ge [sflag:s14], $0xC00  }
0xa7: {  	[sflag:s14] =	ssyncset.done $0x0  }
0xa8: {  	s30 =	simm.s32 $0x10;
	s13 =	rddreg [dreg:$0x10];
	[sflag:s14] =	ssyncadd.s32 $0xFFFFF400  }
0xa9: {  	[hbm4b:s29+s30] =	stream.strided.scatter [tilespmem:s17], [sflag:$0x2], $0x800, s15, s30, $0x38;
	[tilespmem:$0x14C00] =	vst v63  }
0xaa: {  	[smem:$0x7DD] =	sst s29  }
0xab: {  	[hbm4b:s13+s30] =	stream.strided.scatter [tilespmem:s9], [sflag:$0x2], $0x800, s15, s30, $0x38;
	[tilespmem:$0x14C00] =	vst v63  }
0xac: {  	s11 =	simm.s32 $0x18;
	s29 =	rddreg [dreg:$0x11]  }
0xad: {  	[hbm4b:s29+s11] =	stream.strided.scatter [tilespmem:s18], [sflag:$0x2], $0xC00, s15, s11, $0x38;
	[tilespmem:$0x14C00] =	vst v63  }
0xae: {  	s0 =	rddreg [dreg:$0x12]  }
0xaf: {  	[hbm4b:s0+s11] =	stream.strided.scatter [tilespmem:s19], [sflag:$0x2], $0xC00, s15, s11, $0x38;
	[tilespmem:$0x14C00] =	vst v63  }
0xb0: {  	s29 =	rddreg [dreg:$0x13]  }
0xb1: {  	[hbm4b:s29+s11] =	stream.strided.scatter [tilespmem:s21], [sflag:$0x2], $0xC00, s15, s11, $0x38;
	[tilespmem:$0x14C00] =	vst v63  }
0xb2: {  	s0 =	rddreg [dreg:$0x14];
	s29 =	simm.s32 $0x2  }
0xb3: {  	[hbm4b:s0+s11] =	stream.strided.scatter [tilespmem:s22], [sflag:$0x2], $0xC00, s15, s11, $0x38;
	[tilespmem:$0x14C00] =	vst v63  }
0xb4: {  	_ =	swait.ge [sflag:s29], $0x800  }
0xb5: {  	[sflag:s29] =	ssyncset.done $0x0  }
0xb6: {  	[sflag:s29] =	ssyncadd.s32 $0xFFFFF800  }
0xb7: {  	_ =	swait.ge [sflag:s29], $0x800  }
0xb8: {  	[sflag:s29] =	ssyncset.done $0x0  }
0xb9: {  	[sflag:s29] =	ssyncadd.s32 $0xFFFFF800  }
0xba: {  	_ =	swait.ge [sflag:s29], $0xC00  }
0xbb: {  	[sflag:s29] =	ssyncset.done $0x0  }
0xbc: {  	[sflag:s29] =	ssyncadd.s32 $0xFFFFF400  }
0xbd: {  	_ =	swait.ge [sflag:s29], $0xC00  }
0xbe: {  	[sflag:s29] =	ssyncset.done $0x0  }
0xbf: {  	[sflag:s29] =	ssyncadd.s32 $0xFFFFF400  }
0xc0: {  	_ =	swait.ge [sflag:s29], $0xC00  }
0xc1: {  	[sflag:s29] =	ssyncset.done $0x0  }
0xc2: {  	[sflag:s29] =	ssyncadd.s32 $0xFFFFF400  }
0xc3: {  	_ =	swait.ge [sflag:s29], $0xC00  }
0xc4: {  	[sflag:s29] =	ssyncset.done $0x0  }
0xc5: {  	s13 =	simm.s32 $0x180;
	[sflag:s29] =	ssyncadd.s32 $0xFFFFF400  }
0xc6: {  	[tilespmem:s17], [sflag:$0x1] =	stream.indirect.gather [spmem:s3], $0x10, s13, s15, $0xb8;
	[tilespmem:$0x14C00] =	vst v63  }
0xc7: {  	_ = 	snop  }
0xc8: {  	[tilespmem:s9], [sflag:$0x1] =	stream.indirect.gather [spmem:s4], $0x10, s13, s15, $0xb8;
	[tilespmem:$0x14C00] =	vst v63  }
0xc9: {  	s13 =	simm.s32 $0x580  }
0xca: {  	[tilespmem:s18], [sflag:$0x1] =	stream.indirect.gather [spmem:s5], $0x18, s13, s15, $0xb8;
	[tilespmem:$0x14C00] =	vst v63  }
0xcb: {  	_ = 	snop  }
0xcc: {  	[tilespmem:s19], [sflag:$0x1] =	stream.indirect.gather [spmem:s6], $0x18, s13, s15, $0xb8;
	[tilespmem:$0x14C00] =	vst v63  }
0xcd: {  	s13 =	simm.s32 $0x980  }
0xce: {  	[tilespmem:s21], [sflag:$0x1] =	stream.indirect.gather [spmem:s7], $0x18, s13, s15, $0xb8;
	[tilespmem:$0x14C00] =	vst v63  }
0xcf: {  	_ = 	snop  }
0xd0: {  	[tilespmem:s22], [sflag:$0x1] =	stream.indirect.gather [spmem:s25], $0x18, s13, s15, $0xb8;
	[tilespmem:$0x14C00] =	vst v63  }
0xd1: {  	_ =	swait.ge [sflag:s14], $0x800  }
0xd2: {  	[sflag:s14] =	ssyncset.done $0x0  }
0xd3: {  	[sflag:s14] =	ssyncadd.s32 $0xFFFFF800  }
0xd4: {  	_ =	swait.ge [sflag:s14], $0x800  }
0xd5: {  	[sflag:s14] =	ssyncset.done $0x0  }
0xd6: {  	[sflag:s14] =	ssyncadd.s32 $0xFFFFF800  }
0xd7: {  	_ =	swait.ge [sflag:s14], $0xC00  }
0xd8: {  	[sflag:s14] =	ssyncset.done $0x0  }
0xd9: {  	[sflag:s14] =	ssyncadd.s32 $0xFFFFF400  }
0xda: {  	_ =	swait.ge [sflag:s14], $0xC00  }
0xdb: {  	[sflag:s14] =	ssyncset.done $0x0  }
0xdc: {  	[sflag:s14] =	ssyncadd.s32 $0xFFFFF400  }
0xdd: {  	_ =	swait.ge [sflag:s14], $0xC00  }
0xde: {  	[sflag:s14] =	ssyncset.done $0x0  }
0xdf: {  	[sflag:s14] =	ssyncadd.s32 $0xFFFFF400  }
0xe0: {  	_ =	swait.ge [sflag:s14], $0xC00  }
0xe1: {  	[sflag:s14] =	ssyncset.done $0x0  }
0xe2: {  	s0 =	rddreg [dreg:$0x15];
	[sflag:s14] =	ssyncadd.s32 $0xFFFFF400  }
0xe3: {  	[hbm4b:s0+s30] =	stream.strided.scatter [tilespmem:s23], [sflag:$0x2], $0x800, s15, s30, $0x38;
	[tilespmem:$0x14C00] =	vst v63  }
0xe4: {  	s13 =	rddreg [dreg:$0x16]  }
0xe5: {  	[hbm4b:s13+s30] =	stream.strided.scatter [tilespmem:s24], [sflag:$0x2], $0x800, s15, s30, $0x38;
	[tilespmem:$0x14C00] =	vst v63  }
0xe6: {  	s0 =	rddreg [dreg:$0x17]  }
0xe7: {  	[hbm4b:s0+s11] =	stream.strided.scatter [tilespmem:s26], [sflag:$0x2], $0xC00, s15, s11, $0x38;
	[tilespmem:$0x14C00] =	vst v63  }
0xe8: {  	s13 =	rddreg [dreg:$0x18]  }
0xe9: {  	[hbm4b:s13+s11] =	stream.strided.scatter [tilespmem:s28], [sflag:$0x2], $0xC00, s15, s11, $0x38;
	[tilespmem:$0x14C00] =	vst v63  }
0xea: {  	s0 =	rddreg [dreg:$0x19]  }
0xeb: {  	[hbm4b:s0+s11] =	stream.strided.scatter [tilespmem:s12], [sflag:$0x2], $0xC00, s15, s11, $0x38;
	[tilespmem:$0x14C00] =	vst v63  }
0xec: {  	s13 =	rddreg [dreg:$0x1a]  }
0xed: {  	[hbm4b:s13+s11] =	stream.strided.scatter [tilespmem:s2], [sflag:$0x2], $0xC00, s15, s11, $0x38;
	[tilespmem:$0x14C00] =	vst v63  }
0xee: {  	_ =	swait.ge [sflag:s29], $0x800  }
0xef: {  	[sflag:s29] =	ssyncset.done $0x0  }
0xf0: {  	[sflag:s29] =	ssyncadd.s32 $0xFFFFF800  }
0xf1: {  	_ =	swait.ge [sflag:s29], $0x800  }
0xf2: {  	[sflag:s29] =	ssyncset.done $0x0  }
0xf3: {  	[sflag:s29] =	ssyncadd.s32 $0xFFFFF800  }
0xf4: {  	_ =	swait.ge [sflag:s29], $0xC00  }
0xf5: {  	[sflag:s29] =	ssyncset.done $0x0  }
0xf6: {  	[sflag:s29] =	ssyncadd.s32 $0xFFFFF400  }
0xf7: {  	_ =	swait.ge [sflag:s29], $0xC00  }
0xf8: {  	[sflag:s29] =	ssyncset.done $0x0  }
0xf9: {  	[sflag:s29] =	ssyncadd.s32 $0xFFFFF400  }
0xfa: {  	_ =	swait.ge [sflag:s29], $0xC00  }
0xfb: {  	[sflag:s29] =	ssyncset.done $0x0  }
0xfc: {  	[sflag:s29] =	ssyncadd.s32 $0xFFFFF400  }
0xfd: {  	_ =	swait.ge [sflag:s29], $0xC00  }
0xfe: {  	[sflag:s29] =	ssyncset.done $0x0  }
0xff: {  	s13 =	simm.s32 $0x200;
	[sflag:s29] =	ssyncadd.s32 $0xFFFFF400  }
0x100: {  	[tilespmem:s23], [sflag:$0x1] =	stream.indirect.gather [spmem:s3], $0x10, s13, s15, $0xb8;
	[tilespmem:$0x14C00] =	vst v63  }
0x101: {  	_ = 	snop  }
0x102: {  	[tilespmem:s24], [sflag:$0x1] =	stream.indirect.gather [spmem:s4], $0x10, s13, s15, $0xb8;
	[tilespmem:$0x14C00] =	vst v63  }
0x103: {  	s13 =	simm.s32 $0x600  }
0x104: {  	[tilespmem:s26], [sflag:$0x1] =	stream.indirect.gather [spmem:s5], $0x18, s13, s15, $0xb8;
	[tilespmem:$0x14C00] =	vst v63  }
0x105: {  	_ = 	snop  }
0x106: {  	[tilespmem:s28], [sflag:$0x1] =	stream.indirect.gather [spmem:s6], $0x18, s13, s15, $0xb8;
	[tilespmem:$0x14C00] =	vst v63  }
0x107: {  	s13 =	simm.s32 $0xA00  }
0x108: {  	[tilespmem:s12], [sflag:$0x1] =	stream.indirect.gather [spmem:s7], $0x18, s13, s15, $0xb8;
	[tilespmem:$0x14C00] =	vst v63  }
0x109: {  	_ = 	snop  }
0x10a: {  	[tilespmem:s2], [sflag:$0x1] =	stream.indirect.gather [spmem:s25], $0x18, s13, s15, $0xb8;
	[tilespmem:$0x14C00] =	vst v63  }
0x10b: {  	_ =	swait.ge [sflag:s14], $0x800  }
0x10c: {  	[sflag:s14] =	ssyncset.done $0x0  }
0x10d: {  	[sflag:s14] =	ssyncadd.s32 $0xFFFFF800  }
0x10e: {  	_ =	swait.ge [sflag:s14], $0x800  }
0x10f: {  	[sflag:s14] =	ssyncset.done $0x0  }
0x110: {  	[sflag:s14] =	ssyncadd.s32 $0xFFFFF800  }
0x111: {  	_ =	swait.ge [sflag:s14], $0xC00  }
0x112: {  	[sflag:s14] =	ssyncset.done $0x0  }
0x113: {  	[sflag:s14] =	ssyncadd.s32 $0xFFFFF400  }
0x114: {  	_ =	swait.ge [sflag:s14], $0xC00  }
0x115: {  	[sflag:s14] =	ssyncset.done $0x0  }
0x116: {  	[sflag:s14] =	ssyncadd.s32 $0xFFFFF400  }
0x117: {  	_ =	swait.ge [sflag:s14], $0xC00  }
0x118: {  	[sflag:s14] =	ssyncset.done $0x0  }
0x119: {  	[sflag:s14] =	ssyncadd.s32 $0xFFFFF400  }
0x11a: {  	_ =	swait.ge [sflag:s14], $0xC00  }
0x11b: {  	s0 =	rddreg [dreg:$0x1b];
	[sflag:s14] =	ssyncset.done $0x0  }
0x11c: {  	s13 =	rddreg [dreg:$0x1c];
	[sflag:s14] =	ssyncadd.s32 $0xFFFFF400  }
0x11d: {  	[hbm4b:s0+s30] =	stream.strided.scatter [tilespmem:s8], [sflag:$0x2], $0x800, s15, s30, $0x38;
	[tilespmem:$0x14C00] =	vst v63  }
0x11e: {  	s0 =	rddreg [dreg:$0x1d]  }
0x11f: {  	[hbm4b:s13+s30] =	stream.strided.scatter [tilespmem:s20], [sflag:$0x2], $0x800, s15, s30, $0x38;
	[tilespmem:$0x14C00] =	vst v63  }
0x120: {  	s13 =	rddreg [dreg:$0x1e]  }
0x121: {  	[hbm4b:s0+s11] =	stream.strided.scatter [tilespmem:s31], [sflag:$0x2], $0xC00, s15, s11, $0x38;
	[tilespmem:$0x14C00] =	vst v63  }
0x122: {  	s0 =	rddreg [dreg:$0x1f]  }
0x123: {  	[hbm4b:s13+s11] =	stream.strided.scatter [tilespmem:s16], [sflag:$0x2], $0xC00, s15, s11, $0x38;
	[tilespmem:$0x14C00] =	vst v63  }
0x124: {  	s13 =	sld [smem:$0x7DE]  }
0x125: {  	[hbm4b:s0+s11] =	stream.strided.scatter [tilespmem:s10], [sflag:$0x2], $0xC00, s15, s11, $0x38;
	[tilespmem:$0x14C00] =	vst v63  }
0x126: {  	_ = 	snop  }
0x127: {  	[hbm4b:s13+s11] =	stream.strided.scatter [tilespmem:s1], [sflag:$0x2], $0xC00, s15, s11, $0x38;
	[tilespmem:$0x14C00] =	vst v63  }
0x128: {  	_ =	swait.ge [sflag:s29], $0x800  }
0x129: {  	[sflag:s29] =	ssyncset.done $0x0  }
0x12a: {  	[sflag:s29] =	ssyncadd.s32 $0xFFFFF800  }
0x12b: {  	_ =	swait.ge [sflag:s29], $0x800  }
0x12c: {  	[sflag:s29] =	ssyncset.done $0x0  }
0x12d: {  	[sflag:s29] =	ssyncadd.s32 $0xFFFFF800  }
0x12e: {  	_ =	swait.ge [sflag:s29], $0xC00  }
0x12f: {  	[sflag:s29] =	ssyncset.done $0x0  }
0x130: {  	[sflag:s29] =	ssyncadd.s32 $0xFFFFF400  }
0x131: {  	_ =	swait.ge [sflag:s29], $0xC00  }
0x132: {  	[sflag:s29] =	ssyncset.done $0x0  }
0x133: {  	[sflag:s29] =	ssyncadd.s32 $0xFFFFF400  }
0x134: {  	_ =	swait.ge [sflag:s29], $0xC00  }
0x135: {  	[sflag:s29] =	ssyncset.done $0x0  }
0x136: {  	[sflag:s29] =	ssyncadd.s32 $0xFFFFF400  }
0x137: {  	_ =	swait.ge [sflag:s29], $0xC00  }
0x138: {  	[sflag:s29] =	ssyncset.done $0x0  }
0x139: {  	s13 =	simm.s32 $0x280;
	[sflag:s29] =	ssyncadd.s32 $0xFFFFF400  }
0x13a: {  	[tilespmem:s8], [sflag:$0x1] =	stream.indirect.gather [spmem:s3], $0x10, s13, s15, $0xb8;
	[tilespmem:$0x14C00] =	vst v63  }
0x13b: {  	_ = 	snop  }
0x13c: {  	[tilespmem:s20], [sflag:$0x1] =	stream.indirect.gather [spmem:s4], $0x10, s13, s15, $0xb8;
	[tilespmem:$0x14C00] =	vst v63  }
0x13d: {  	s13 =	simm.s32 $0x680  }
0x13e: {  	[tilespmem:s31], [sflag:$0x1] =	stream.indirect.gather [spmem:s5], $0x18, s13, s15, $0xb8;
	[tilespmem:$0x14C00] =	vst v63  }
0x13f: {  	_ = 	snop  }
0x140: {  	[tilespmem:s16], [sflag:$0x1] =	stream.indirect.gather [spmem:s6], $0x18, s13, s15, $0xb8;
	[tilespmem:$0x14C00] =	vst v63  }
0x141: {  	s13 =	simm.s32 $0xA80  }
0x142: {  	[tilespmem:s10], [sflag:$0x1] =	stream.indirect.gather [spmem:s7], $0x18, s13, s15, $0xb8;
	[tilespmem:$0x14C00] =	vst v63  }
0x143: {  	_ = 	snop  }
0x144: {  	[tilespmem:s1], [sflag:$0x1] =	stream.indirect.gather [spmem:s25], $0x18, s13, s15, $0xb8;
	[tilespmem:$0x14C00] =	vst v63  }
0x145: {  	_ =	swait.ge [sflag:s14], $0x800  }
0x146: {  	[sflag:s14] =	ssyncset.done $0x0  }
0x147: {  	[sflag:s14] =	ssyncadd.s32 $0xFFFFF800  }
0x148: {  	_ =	swait.ge [sflag:s14], $0x800  }
0x149: {  	[sflag:s14] =	ssyncset.done $0x0  }
0x14a: {  	[sflag:s14] =	ssyncadd.s32 $0xFFFFF800  }
0x14b: {  	_ =	swait.ge [sflag:s14], $0xC00  }
0x14c: {  	[sflag:s14] =	ssyncset.done $0x0  }
0x14d: {  	[sflag:s14] =	ssyncadd.s32 $0xFFFFF400  }
0x14e: {  	_ =	swait.ge [sflag:s14], $0xC00  }
0x14f: {  	[sflag:s14] =	ssyncset.done $0x0  }
0x150: {  	[sflag:s14] =	ssyncadd.s32 $0xFFFFF400  }
0x151: {  	_ =	swait.ge [sflag:s14], $0xC00  }
0x152: {  	[sflag:s14] =	ssyncset.done $0x0  }
0x153: {  	[sflag:s14] =	ssyncadd.s32 $0xFFFFF400  }
0x154: {  	_ =	swait.ge [sflag:s14], $0xC00  }
0x155: {  	s0 =	sld [smem:$0x7DF]  }
0x156: {  	[sflag:s14] =	ssyncset.done $0x0  }
0x157: {  	s13 =	sld [smem:$0x7E0];
	[sflag:s14] =	ssyncadd.s32 $0xFFFFF400  }
0x158: {  	[hbm4b:s0+s30] =	stream.strided.scatter [tilespmem:s17], [sflag:$0x2], $0x800, s15, s30, $0x38;
	[tilespmem:$0x14C00] =	vst v63  }
0x159: {  	s0 =	sld [smem:$0x7E1]  }
0x15a: {  	[hbm4b:s13+s30] =	stream.strided.scatter [tilespmem:s9], [sflag:$0x2], $0x800, s15, s30, $0x38;
	[tilespmem:$0x14C00] =	vst v63  }
0x15b: {  	s13 =	sld [smem:$0x7E2]  }
0x15c: {  	[hbm4b:s0+s11] =	stream.strided.scatter [tilespmem:s18], [sflag:$0x2], $0xC00, s15, s11, $0x38;
	[tilespmem:$0x14C00] =	vst v63  }
0x15d: {  	s0 =	sld [smem:$0x7E3]  }
0x15e: {  	[hbm4b:s13+s11] =	stream.strided.scatter [tilespmem:s19], [sflag:$0x2], $0xC00, s15, s11, $0x38;
	[tilespmem:$0x14C00] =	vst v63  }
0x15f: {  	s13 =	sld [smem:$0x7E4]  }
0x160: {  	[hbm4b:s0+s11] =	stream.strided.scatter [tilespmem:s21], [sflag:$0x2], $0xC00, s15, s11, $0x38;
	[tilespmem:$0x14C00] =	vst v63  }
0x161: {  	_ = 	snop  }
0x162: {  	[hbm4b:s13+s11] =	stream.strided.scatter [tilespmem:s22], [sflag:$0x2], $0xC00, s15, s11, $0x38;
	[tilespmem:$0x14C00] =	vst v63  }
0x163: {  	_ =	swait.ge [sflag:s29], $0x800  }
0x164: {  	[sflag:s29] =	ssyncset.done $0x0  }
0x165: {  	[sflag:s29] =	ssyncadd.s32 $0xFFFFF800  }
0x166: {  	_ =	swait.ge [sflag:s29], $0x800  }
0x167: {  	[sflag:s29] =	ssyncset.done $0x0  }
0x168: {  	[sflag:s29] =	ssyncadd.s32 $0xFFFFF800  }
0x169: {  	_ =	swait.ge [sflag:s29], $0xC00  }
0x16a: {  	[sflag:s29] =	ssyncset.done $0x0  }
0x16b: {  	[sflag:s29] =	ssyncadd.s32 $0xFFFFF400  }
0x16c: {  	_ =	swait.ge [sflag:s29], $0xC00  }
0x16d: {  	[sflag:s29] =	ssyncset.done $0x0  }
0x16e: {  	[sflag:s29] =	ssyncadd.s32 $0xFFFFF400  }
0x16f: {  	_ =	swait.ge [sflag:s29], $0xC00  }
0x170: {  	[sflag:s29] =	ssyncset.done $0x0  }
0x171: {  	[sflag:s29] =	ssyncadd.s32 $0xFFFFF400  }
0x172: {  	_ =	swait.ge [sflag:s29], $0xC00  }
0x173: {  	[sflag:s29] =	ssyncset.done $0x0  }
0x174: {  	s13 =	simm.s32 $0x300;
	[sflag:s29] =	ssyncadd.s32 $0xFFFFF400  }
0x175: {  	[tilespmem:s17], [sflag:$0x1] =	stream.indirect.gather [spmem:s3], $0x10, s13, s15, $0xb8;
	[tilespmem:$0x14C00] =	vst v63  }
0x176: {  	_ = 	snop  }
0x177: {  	[tilespmem:s9], [sflag:$0x1] =	stream.indirect.gather [spmem:s4], $0x10, s13, s15, $0xb8;
	[tilespmem:$0x14C00] =	vst v63  }
0x178: {  	s13 =	simm.s32 $0x700  }
0x179: {  	[tilespmem:s18], [sflag:$0x1] =	stream.indirect.gather [spmem:s5], $0x18, s13, s15, $0xb8;
	[tilespmem:$0x14C00] =	vst v63  }
0x17a: {  	_ = 	snop  }
0x17b: {  	[tilespmem:s19], [sflag:$0x1] =	stream.indirect.gather [spmem:s6], $0x18, s13, s15, $0xb8;
	[tilespmem:$0x14C00] =	vst v63  }
0x17c: {  	s13 =	simm.s32 $0xB00  }
0x17d: {  	[tilespmem:s21], [sflag:$0x1] =	stream.indirect.gather [spmem:s7], $0x18, s13, s15, $0xb8;
	[tilespmem:$0x14C00] =	vst v63  }
0x17e: {  	_ = 	snop  }
0x17f: {  	[tilespmem:s22], [sflag:$0x1] =	stream.indirect.gather [spmem:s25], $0x18, s13, s15, $0xb8;
	[tilespmem:$0x14C00] =	vst v63  }
0x180: {  	_ =	swait.ge [sflag:s14], $0x800  }
0x181: {  	[sflag:s14] =	ssyncset.done $0x0  }
0x182: {  	[sflag:s14] =	ssyncadd.s32 $0xFFFFF800  }
0x183: {  	_ =	swait.ge [sflag:s14], $0x800  }
0x184: {  	[sflag:s14] =	ssyncset.done $0x0  }
0x185: {  	[sflag:s14] =	ssyncadd.s32 $0xFFFFF800  }
0x186: {  	_ =	swait.ge [sflag:s14], $0xC00  }
0x187: {  	[sflag:s14] =	ssyncset.done $0x0  }
0x188: {  	[sflag:s14] =	ssyncadd.s32 $0xFFFFF400  }
0x189: {  	_ =	swait.ge [sflag:s14], $0xC00  }
0x18a: {  	[sflag:s14] =	ssyncset.done $0x0  }
0x18b: {  	[sflag:s14] =	ssyncadd.s32 $0xFFFFF400  }
0x18c: {  	_ =	swait.ge [sflag:s14], $0xC00  }
0x18d: {  	[sflag:s14] =	ssyncset.done $0x0  }
0x18e: {  	[sflag:s14] =	ssyncadd.s32 $0xFFFFF400  }
0x18f: {  	_ =	swait.ge [sflag:s14], $0xC00  }
0x190: {  	s0 =	sld [smem:$0x7E5]  }
0x191: {  	[sflag:s14] =	ssyncset.done $0x0  }
0x192: {  	s13 =	sld [smem:$0x7E6];
	[sflag:s14] =	ssyncadd.s32 $0xFFFFF400  }
0x193: {  	[hbm4b:s0+s30] =	stream.strided.scatter [tilespmem:s23], [sflag:$0x2], $0x800, s15, s30, $0x38;
	[tilespmem:$0x14C00] =	vst v63  }
0x194: {  	s0 =	sld [smem:$0x7E7]  }
0x195: {  	[hbm4b:s13+s30] =	stream.strided.scatter [tilespmem:s24], [sflag:$0x2], $0x800, s15, s30, $0x38;
	[tilespmem:$0x14C00] =	vst v63  }
0x196: {  	s13 =	sld [smem:$0x7E8]  }
0x197: {  	[hbm4b:s0+s11] =	stream.strided.scatter [tilespmem:s26], [sflag:$0x2], $0xC00, s15, s11, $0x38;
	[tilespmem:$0x14C00] =	vst v63  }
0x198: {  	s0 =	sld [smem:$0x7E9]  }
0x199: {  	[hbm4b:s13+s11] =	stream.strided.scatter [tilespmem:s28], [sflag:$0x2], $0xC00, s15, s11, $0x38;
	[tilespmem:$0x14C00] =	vst v63  }
0x19a: {  	s13 =	sld [smem:$0x7EA]  }
0x19b: {  	[hbm4b:s0+s11] =	stream.strided.scatter [tilespmem:s12], [sflag:$0x2], $0xC00, s15, s11, $0x38;
	[tilespmem:$0x14C00] =	vst v63  }
0x19c: {  	_ = 	snop  }
0x19d: {  	[hbm4b:s13+s11] =	stream.strided.scatter [tilespmem:s2], [sflag:$0x2], $0xC00, s15, s11, $0x38;
	[tilespmem:$0x14C00] =	vst v63  }
0x19e: {  	_ =	swait.ge [sflag:s29], $0x800  }
0x19f: {  	[sflag:s29] =	ssyncset.done $0x0  }
0x1a0: {  	[sflag:s29] =	ssyncadd.s32 $0xFFFFF800  }
0x1a1: {  	_ =	swait.ge [sflag:s29], $0x800  }
0x1a2: {  	[sflag:s29] =	ssyncset.done $0x0  }
0x1a3: {  	[sflag:s29] =	ssyncadd.s32 $0xFFFFF800  }
0x1a4: {  	_ =	swait.ge [sflag:s29], $0xC00  }
0x1a5: {  	[sflag:s29] =	ssyncset.done $0x0  }
0x1a6: {  	[sflag:s29] =	ssyncadd.s32 $0xFFFFF400  }
0x1a7: {  	_ =	swait.ge [sflag:s29], $0xC00  }
0x1a8: {  	[sflag:s29] =	ssyncset.done $0x0  }
0x1a9: {  	[sflag:s29] =	ssyncadd.s32 $0xFFFFF400  }
0x1aa: {  	_ =	swait.ge [sflag:s29], $0xC00  }
0x1ab: {  	[sflag:s29] =	ssyncset.done $0x0  }
0x1ac: {  	[sflag:s29] =	ssyncadd.s32 $0xFFFFF400  }
0x1ad: {  	_ =	swait.ge [sflag:s29], $0xC00  }
0x1ae: {  	[sflag:s29] =	ssyncset.done $0x0  }
0x1af: {  	s13 =	simm.s32 $0x380;
	[sflag:s29] =	ssyncadd.s32 $0xFFFFF400  }
0x1b0: {  	[tilespmem:s23], [sflag:$0x1] =	stream.indirect.gather [spmem:s3], $0x10, s13, s15, $0xb8;
	[tilespmem:$0x14C00] =	vst v63  }
0x1b1: {  	_ = 	snop  }
0x1b2: {  	[tilespmem:s24], [sflag:$0x1] =	stream.indirect.gather [spmem:s4], $0x10, s13, s15, $0xb8;
	[tilespmem:$0x14C00] =	vst v63  }
0x1b3: {  	s4 =	simm.s32 $0x780  }
0x1b4: {  	[tilespmem:s26], [sflag:$0x1] =	stream.indirect.gather [spmem:s5], $0x18, s4, s15, $0xb8;
	[tilespmem:$0x14C00] =	vst v63  }
0x1b5: {  	_ = 	snop  }
0x1b6: {  	[tilespmem:s28], [sflag:$0x1] =	stream.indirect.gather [spmem:s6], $0x18, s4, s15, $0xb8;
	[tilespmem:$0x14C00] =	vst v63  }
0x1b7: {  	s13 =	simm.s32 $0xB80  }
0x1b8: {  	[tilespmem:s12], [sflag:$0x1] =	stream.indirect.gather [spmem:s7], $0x18, s13, s15, $0xb8;
	[tilespmem:$0x14C00] =	vst v63  }
0x1b9: {  	_ = 	snop  }
0x1ba: {  	[tilespmem:s2], [sflag:$0x1] =	stream.indirect.gather [spmem:s25], $0x18, s13, s15, $0xb8;
	[tilespmem:$0x14C00] =	vst v63  }
0x1bb: {  	_ =	swait.ge [sflag:s14], $0x800  }
0x1bc: {  	[sflag:s14] =	ssyncset.done $0x0  }
0x1bd: {  	[sflag:s14] =	ssyncadd.s32 $0xFFFFF800  }
0x1be: {  	_ =	swait.ge [sflag:s14], $0x800  }
0x1bf: {  	[sflag:s14] =	ssyncset.done $0x0  }
0x1c0: {  	[sflag:s14] =	ssyncadd.s32 $0xFFFFF800  }
0x1c1: {  	_ =	swait.ge [sflag:s14], $0xC00  }
0x1c2: {  	[sflag:s14] =	ssyncset.done $0x0  }
0x1c3: {  	[sflag:s14] =	ssyncadd.s32 $0xFFFFF400  }
0x1c4: {  	_ =	swait.ge [sflag:s14], $0xC00  }
0x1c5: {  	[sflag:s14] =	ssyncset.done $0x0  }
0x1c6: {  	[sflag:s14] =	ssyncadd.s32 $0xFFFFF400  }
0x1c7: {  	_ =	swait.ge [sflag:s14], $0xC00  }
0x1c8: {  	[sflag:s14] =	ssyncset.done $0x0  }
0x1c9: {  	[sflag:s14] =	ssyncadd.s32 $0xFFFFF400  }
0x1ca: {  	_ =	swait.ge [sflag:s14], $0xC00  }
0x1cb: {  	s25 =	sld [smem:$0x7EB]  }
0x1cc: {  	[sflag:s14] =	ssyncset.done $0x0  }
0x1cd: {  	s3 =	sld [smem:$0x7EC];
	[sflag:s14] =	ssyncadd.s32 $0xFFFFF400  }
0x1ce: {  	[hbm4b:s25+s30] =	stream.strided.scatter [tilespmem:s8], [sflag:$0x2], $0x800, s15, s30, $0x38;
	[tilespmem:$0x14C00] =	vst v63  }
0x1cf: {  	s4 =	sld [smem:$0x7ED]  }
0x1d0: {  	[hbm4b:s3+s30] =	stream.strided.scatter [tilespmem:s20], [sflag:$0x2], $0x800, s15, s30, $0x38;
	[tilespmem:$0x14C00] =	vst v63  }
0x1d1: {  	s5 =	sld [smem:$0x7EE]  }
0x1d2: {  	[hbm4b:s4+s11] =	stream.strided.scatter [tilespmem:s31], [sflag:$0x2], $0xC00, s15, s11, $0x38;
	[tilespmem:$0x14C00] =	vst v63  }
0x1d3: {  	s6 =	sld [smem:$0x7EF]  }
0x1d4: {  	[hbm4b:s5+s11] =	stream.strided.scatter [tilespmem:s16], [sflag:$0x2], $0xC00, s15, s11, $0x38;
	[tilespmem:$0x14C00] =	vst v63  }
0x1d5: {  	s7 =	sld [smem:$0x7F0]  }
0x1d6: {  	[hbm4b:s6+s11] =	stream.strided.scatter [tilespmem:s10], [sflag:$0x2], $0xC00, s15, s11, $0x38;
	[tilespmem:$0x14C00] =	vst v63  }
0x1d7: {  	_ = 	snop  }
0x1d8: {  	[hbm4b:s7+s11] =	stream.strided.scatter [tilespmem:s1], [sflag:$0x2], $0xC00, s15, s11, $0x38;
	[tilespmem:$0x14C00] =	vst v63  }
0x1d9: {  	_ =	swait.ge [sflag:s14], $0x800  }
0x1da: {  	[sflag:s14] =	ssyncset.done $0x0  }
0x1db: {  	[sflag:s14] =	ssyncadd.s32 $0xFFFFF800  }
0x1dc: {  	_ =	swait.ge [sflag:s14], $0x800  }
0x1dd: {  	[sflag:s14] =	ssyncset.done $0x0  }
0x1de: {  	[sflag:s14] =	ssyncadd.s32 $0xFFFFF800  }
0x1df: {  	_ =	swait.ge [sflag:s14], $0xC00  }
0x1e0: {  	[sflag:s14] =	ssyncset.done $0x0  }
0x1e1: {  	[sflag:s14] =	ssyncadd.s32 $0xFFFFF400  }
0x1e2: {  	_ =	swait.ge [sflag:s14], $0xC00  }
0x1e3: {  	[sflag:s14] =	ssyncset.done $0x0  }
0x1e4: {  	[sflag:s14] =	ssyncadd.s32 $0xFFFFF400  }
0x1e5: {  	_ =	swait.ge [sflag:s14], $0xC00  }
0x1e6: {  	[sflag:s14] =	ssyncset.done $0x0  }
0x1e7: {  	[sflag:s14] =	ssyncadd.s32 $0xFFFFF400  }
0x1e8: {  	_ =	swait.ge [sflag:s14], $0xC00  }
0x1e9: {  	s8 =	sld [smem:$0x7F1]  }
0x1ea: {  	[sflag:s14] =	ssyncset.done $0x0  }
0x1eb: {  	s10 =	sld [smem:$0x7F2];
	[sflag:s14] =	ssyncadd.s32 $0xFFFFF400  }
0x1ec: {  	[hbm4b:s8+s30] =	stream.strided.scatter [tilespmem:s17], [sflag:$0x2], $0x800, s15, s30, $0x38;
	[tilespmem:$0x14C00] =	vst v63  }
0x1ed: {  	s16 =	sld [smem:$0x7F3]  }
0x1ee: {  	[hbm4b:s10+s30] =	stream.strided.scatter [tilespmem:s9], [sflag:$0x2], $0x800, s15, s30, $0x38;
	[tilespmem:$0x14C00] =	vst v63  }
0x1ef: {  	s17 =	sld [smem:$0x7F4]  }
0x1f0: {  	[hbm4b:s16+s11] =	stream.strided.scatter [tilespmem:s18], [sflag:$0x2], $0xC00, s15, s11, $0x38;
	[tilespmem:$0x14C00] =	vst v63  }
0x1f1: {  	s18 =	sld [smem:$0x7F5]  }
0x1f2: {  	[hbm4b:s17+s11] =	stream.strided.scatter [tilespmem:s19], [sflag:$0x2], $0xC00, s15, s11, $0x38;
	[tilespmem:$0x14C00] =	vst v63  }
0x1f3: {  	s20 =	sld [smem:$0x7F6]  }
0x1f4: {  	[hbm4b:s18+s11] =	stream.strided.scatter [tilespmem:s21], [sflag:$0x2], $0xC00, s15, s11, $0x38;
	[tilespmem:$0x14C00] =	vst v63  }
0x1f5: {  	_ = 	snop  }
0x1f6: {  	[hbm4b:s20+s11] =	stream.strided.scatter [tilespmem:s22], [sflag:$0x2], $0xC00, s15, s11, $0x38;
	[tilespmem:$0x14C00] =	vst v63  }
0x1f7: {  	_ =	swait.ge [sflag:s14], $0x800  }
0x1f8: {  	[sflag:s14] =	ssyncset.done $0x0  }
0x1f9: {  	[sflag:s14] =	ssyncadd.s32 $0xFFFFF800  }
0x1fa: {  	_ =	swait.ge [sflag:s14], $0x800  }
0x1fb: {  	[sflag:s14] =	ssyncset.done $0x0  }
0x1fc: {  	[sflag:s14] =	ssyncadd.s32 $0xFFFFF800  }
0x1fd: {  	_ =	swait.ge [sflag:s14], $0xC00  }
0x1fe: {  	[sflag:s14] =	ssyncset.done $0x0  }
0x1ff: {  	[sflag:s14] =	ssyncadd.s32 $0xFFFFF400  }
0x200: {  	_ =	swait.ge [sflag:s14], $0xC00  }
0x201: {  	[sflag:s14] =	ssyncset.done $0x0  }
0x202: {  	[sflag:s14] =	ssyncadd.s32 $0xFFFFF400  }
0x203: {  	_ =	swait.ge [sflag:s14], $0xC00  }
0x204: {  	[sflag:s14] =	ssyncset.done $0x0  }
0x205: {  	[sflag:s14] =	ssyncadd.s32 $0xFFFFF400  }
0x206: {  	_ =	swait.ge [sflag:s14], $0xC00  }
0x207: {  	s21 =	sld [smem:$0x7F7]  }
0x208: {  	[sflag:s14] =	ssyncset.done $0x0  }
0x209: {  	s22 =	sld [smem:$0x7F8];
	[sflag:s14] =	ssyncadd.s32 $0xFFFFF400  }
0x20a: {  	[hbm4b:s21+s30] =	stream.strided.scatter [tilespmem:s23], [sflag:$0x2], $0x800, s15, s30, $0x38;
	[tilespmem:$0x14C00] =	vst v63  }
0x20b: {  	s23 =	sld [smem:$0x7F9]  }
0x20c: {  	[hbm4b:s22+s30] =	stream.strided.scatter [tilespmem:s24], [sflag:$0x2], $0x800, s15, s30, $0x38;
	[tilespmem:$0x14C00] =	vst v63  }
0x20d: {  	s24 =	sld [smem:$0x7FA]  }
0x20e: {  	[hbm4b:s23+s11] =	stream.strided.scatter [tilespmem:s26], [sflag:$0x2], $0xC00, s15, s11, $0x38;
	[tilespmem:$0x14C00] =	vst v63  }
0x20f: {  	s25 =	sld [smem:$0x7FB]  }
0x210: {  	[hbm4b:s24+s11] =	stream.strided.scatter [tilespmem:s28], [sflag:$0x2], $0xC00, s15, s11, $0x38;
	[tilespmem:$0x14C00] =	vst v63  }
0x211: {  	s26 =	sld [smem:$0x7FC]  }
0x212: {  	[hbm4b:s25+s11] =	stream.strided.scatter [tilespmem:s12], [sflag:$0x2], $0xC00, s15, s11, $0x38;
	[tilespmem:$0x14C00] =	vst v63  }
0x213: {  	_ = 	snop  }
0x214: {  	[hbm4b:s26+s11] =	stream.strided.scatter [tilespmem:s2], [sflag:$0x2], $0xC00, s15, s11, $0x38;
	[tilespmem:$0x14C00] =	vst v63  }
0x215: {  	_ =	swait.ge [sflag:s29], $0x800  }
0x216: {  	[sflag:s29] =	ssyncset.done $0x0  }
0x217: {  	[sflag:s29] =	ssyncadd.s32 $0xFFFFF800  }
0x218: {  	_ =	swait.ge [sflag:s29], $0x800  }
0x219: {  	[sflag:s29] =	ssyncset.done $0x0  }
0x21a: {  	[sflag:s29] =	ssyncadd.s32 $0xFFFFF800  }
0x21b: {  	_ =	swait.ge [sflag:s29], $0xC00  }
0x21c: {  	[sflag:s29] =	ssyncset.done $0x0  }
0x21d: {  	[sflag:s29] =	ssyncadd.s32 $0xFFFFF400  }
0x21e: {  	_ =	swait.ge [sflag:s29], $0xC00  }
0x21f: {  	[sflag:s29] =	ssyncset.done $0x0  }
0x220: {  	[sflag:s29] =	ssyncadd.s32 $0xFFFFF400  }
0x221: {  	_ =	swait.ge [sflag:s29], $0xC00  }
0x222: {  	[sflag:s29] =	ssyncset.done $0x0  }
0x223: {  	[sflag:s29] =	ssyncadd.s32 $0xFFFFF400  }
0x224: {  	_ =	swait.ge [sflag:s29], $0xC00  }
0x225: {  	[sflag:s29] =	ssyncset.done $0x0  }
0x226: {  	[sflag:s29] =	ssyncadd.s32 $0xFFFFF400  }
0x227: {  	_ =	swait.ge [sflag:s29], $0x800  }
0x228: {  	[sflag:s29] =	ssyncset.done $0x0  }
0x229: {  	[sflag:s29] =	ssyncadd.s32 $0xFFFFF800  }
0x22a: {  	_ =	swait.ge [sflag:s29], $0x800  }
0x22b: {  	[sflag:s29] =	ssyncset.done $0x0  }
0x22c: {  	[sflag:s29] =	ssyncadd.s32 $0xFFFFF800  }
0x22d: {  	_ =	swait.ge [sflag:s29], $0xC00  }
0x22e: {  	[sflag:s29] =	ssyncset.done $0x0  }
0x22f: {  	[sflag:s29] =	ssyncadd.s32 $0xFFFFF400  }
0x230: {  	_ =	swait.ge [sflag:s29], $0xC00  }
0x231: {  	s28 =	sld [smem:$0x7FD];
	_ =	sdelay $0x2  }
0x232: {  	s0 =	ssub.s32 $0x2, s28  }
0x233: {  	s31 =	sshrl.u32 s0, $0x1  }
0x234: {  	[sflag:s29] =	ssyncset.done $0x0;
	s13 =	ssub.s32 s0, s31  }
0x235: {  	[sflag:s29] =	ssyncadd.s32 $0xFFFFF400;
	s13 =	smax.u32 s13, $0x1  }
0x236: {  	_ =	swait.ge [sflag:s29], $0xC00;
	p0 =	sne.s32 s13, $0x1  }
.Ltmp0:
0x237: {  	[sflag:s29] =	ssyncset.done $0x0;
	(pc) =	sbr.rel @!p0 .LBB2_3-.Ltmp0, $4  }
0x238: {  	[sflag:s29] =	ssyncadd.s32 $0xFFFFF400  }
0x239: {  	_ =	swait.ge [sflag:s29], $0xC00  }
0x23a: {  	[sflag:s29] =	ssyncset.done $0x0  }
0x23b: {  	s13 =	sadd.s32 $0xFFFFFFFF, s13;
	[sflag:s29] =	ssyncadd.s32 $0xFFFFF400  }
0x23c: {  	s12 =	simm.s32 $0x8000;
	s17 =	simm.s32 $0xC00;
	s18 =	simm.s32 $0x1400  }
0x23d: {  	s19 =	simm.s32 $0x1C00;
	s21 =	simm.s32 $0x2800;
	s22 =	simm.s32 $0x3400  }
0x23e: {  	s23 =	simm.s32 $0x4000;
	s24 =	simm.s32 $0x4C00;
	s26 =	simm.s32 $0x5400  }
0x23f: {  	s28 =	simm.s32 $0x5C00;
	s31 =	simm.s32 $0xA800;
	s9 =	simm.s32 $0xC000  }
.LBB2_2:
0x240: {  	_ =	swait.ge [sflag:s29], $0x800  }
0x241: {  	[sflag:s29] =	ssyncset.done $0x0  }
0x242: {  	[sflag:s29] =	ssyncadd.s32 $0xFFFFF800  }
0x243: {  	_ =	swait.ge [sflag:s29], $0x800  }
0x244: {  	[sflag:s29] =	ssyncset.done $0x0  }
0x245: {  	[sflag:s29] =	ssyncadd.s32 $0xFFFFF800  }
0x246: {  	_ =	swait.ge [sflag:s29], $0xC00  }
0x247: {  	[sflag:s29] =	ssyncset.done $0x0  }
0x248: {  	[sflag:s29] =	ssyncadd.s32 $0xFFFFF400  }
0x249: {  	_ =	swait.ge [sflag:s29], $0xC00  }
0x24a: {  	[sflag:s29] =	ssyncset.done $0x0  }
0x24b: {  	[sflag:s29] =	ssyncadd.s32 $0xFFFFF400  }
0x24c: {  	_ =	swait.ge [sflag:s29], $0xC00  }
0x24d: {  	[sflag:s29] =	ssyncset.done $0x0  }
0x24e: {  	[sflag:s29] =	ssyncadd.s32 $0xFFFFF400  }
0x24f: {  	_ =	swait.ge [sflag:s29], $0xC00  }
0x250: {  	s0 =	sld [smem:$0x7D6]  }
0x251: {  	s2 =	sld [smem:$0x7DC]  }
0x252: {  	[sflag:s29] =	ssyncset.done $0x0  }
0x253: {  	s1 =	rddreg [dreg:$0x9];
	[sflag:s29] =	ssyncadd.s32 $0xFFFFF400  }
0x254: {  	[spmem:s0], [sflag:s2] =	dma.local [hbm:s1], $0x200  }
0x255: {  	s1 =	sld [smem:$0x7D7];
	_ =	sdelay $0x1  }
0x256: {  	s0 =	rddreg [dreg:$0xa]  }
0x257: {  	[spmem:s1], [sflag:s2] =	dma.local [hbm:s0], $0x200  }
0x258: {  	s1 =	sld [smem:$0x7D8];
	_ =	sdelay $0x1  }
0x259: {  	s0 =	rddreg [dreg:$0xb]  }
0x25a: {  	[spmem:s1], [sflag:s2] =	dma.local [hbm:s0], $0x300  }
0x25b: {  	s1 =	sld [smem:$0x7D9];
	_ =	sdelay $0x1  }
0x25c: {  	s0 =	rddreg [dreg:$0xc]  }
0x25d: {  	[spmem:s1], [sflag:s2] =	dma.local [hbm:s0], $0x300  }
0x25e: {  	s1 =	sld [smem:$0x7DA];
	_ =	sdelay $0x1  }
0x25f: {  	s0 =	rddreg [dreg:$0xd]  }
0x260: {  	[spmem:s1], [sflag:s2] =	dma.local [hbm:s0], $0x300  }
0x261: {  	s1 =	sld [smem:$0x7DB];
	_ =	sdelay $0x1  }
0x262: {  	s6 =	simm.s32 $0x0;
	s0 =	rddreg [dreg:$0xe]  }
0x263: {  	[spmem:s1], [sflag:s2] =	dma.local [hbm:s0], $0x300  }
0x264: {  	s20 =	simm.s32 $0x400;
	s7 =	simm.s32 $0x3;
	s0 =	rddreg [dreg:$0xf]  }
0x265: {  	[tilespmem:s6], [sflag:$0x3] =	stream.strided.gather [hbm4b:s0+s20], $0xC00, s12, s20, $0x38;
	[tilespmem:$0x14C00] =	vst v63  }
0x266: {  	_ =	swait.ge [sflag:s7], $0xC00  }
0x267: {  	[sflag:s7] =	ssyncset.done $0x0  }
0x268: {  	[sflag:s7] =	ssyncadd.s32 $0xFFFFF400  }
0x269: {  	_ =	swait.ge [sflag:s14], $0x200  }
0x26a: {  	[sflag:s14] =	ssyncset.done $0x0  }
0x26b: {  	[sflag:s14] =	ssyncadd.s32 $0xFFFFFE00  }
0x26c: {  	_ =	swait.ge [sflag:s14], $0x200  }
0x26d: {  	[sflag:s14] =	ssyncset.done $0x0  }
0x26e: {  	[sflag:s14] =	ssyncadd.s32 $0xFFFFFE00  }
0x26f: {  	_ =	swait.ge [sflag:s14], $0x300  }
0x270: {  	[sflag:s14] =	ssyncset.done $0x0  }
0x271: {  	[sflag:s14] =	ssyncadd.s32 $0xFFFFFD00  }
0x272: {  	_ =	swait.ge [sflag:s14], $0x300  }
0x273: {  	[sflag:s14] =	ssyncset.done $0x0  }
0x274: {  	[sflag:s14] =	ssyncadd.s32 $0xFFFFFD00  }
0x275: {  	_ =	swait.ge [sflag:s14], $0x300  }
0x276: {  	[sflag:s14] =	ssyncset.done $0x0  }
0x277: {  	[sflag:s14] =	ssyncadd.s32 $0xFFFFFD00  }
0x278: {  	_ =	swait.ge [sflag:s14], $0x300  }
0x279: {  	[sflag:s14] =	ssyncset.done $0x0  }
0x27a: {  	[sflag:s14] =	ssyncadd.s32 $0xFFFFFD00  }
0x27b: {  	[bflag:$0x0] =	sbarrier.arrive $0xFFFF  }
0x27c: {  	s3 =	rddreg [dreg:$0x2]  }
0x27d: {  	[tilespmem:s17], [sflag:$0x1] =	stream.indirect.gather [spmem:s3], $0x10, s6, s15, $0xb8;
	[tilespmem:$0x14C00] =	vst v63  }
0x27e: {  	s4 =	rddreg [dreg:$0x3]  }
0x27f: {  	[tilespmem:s18], [sflag:$0x1] =	stream.indirect.gather [spmem:s4], $0x10, s6, s15, $0xb8;
	[tilespmem:$0x14C00] =	vst v63  }
0x280: {  	s5 =	rddreg [dreg:$0x4]  }
0x281: {  	[tilespmem:s19], [sflag:$0x1] =	stream.indirect.gather [spmem:s5], $0x18, s20, s15, $0xb8;
	[tilespmem:$0x14C00] =	vst v63  }
0x282: {  	s6 =	rddreg [dreg:$0x5]  }
0x283: {  	[tilespmem:s21], [sflag:$0x1] =	stream.indirect.gather [spmem:s6], $0x18, s20, s15, $0xb8;
	[tilespmem:$0x14C00] =	vst v63  }
0x284: {  	s8 =	simm.s32 $0x800;
	s7 =	rddreg [dreg:$0x6]  }
0x285: {  	[tilespmem:s22], [sflag:$0x1] =	stream.indirect.gather [spmem:s7], $0x18, s8, s15, $0xb8;
	[tilespmem:$0x14C00] =	vst v63  }
0x286: {  	s10 =	rddreg [dreg:$0x7]  }
0x287: {  	[tilespmem:s23], [sflag:$0x1] =	stream.indirect.gather [spmem:s10], $0x18, s8, s15, $0xb8;
	[tilespmem:$0x14C00] =	vst v63  }
0x288: {  	_ = 	snop  }
0x289: {  	[tilespmem:s24], [sflag:$0x1] =	stream.indirect.gather [spmem:s3], $0x10, s15, s15, $0xb8;
	[tilespmem:$0x14C00] =	vst v63  }
0x28a: {  	_ = 	snop  }
0x28b: {  	[tilespmem:s26], [sflag:$0x1] =	stream.indirect.gather [spmem:s4], $0x10, s15, s15, $0xb8;
	[tilespmem:$0x14C00] =	vst v63  }
0x28c: {  	s16 =	simm.s32 $0x480  }
0x28d: {  	[tilespmem:s28], [sflag:$0x1] =	stream.indirect.gather [spmem:s5], $0x18, s16, s15, $0xb8;
	[tilespmem:$0x14C00] =	vst v63  }
0x28e: {  	s20 =	simm.s32 $0x6800  }
0x28f: {  	[tilespmem:s20], [sflag:$0x1] =	stream.indirect.gather [spmem:s6], $0x18, s16, s15, $0xb8;
	[tilespmem:$0x14C00] =	vst v63  }
0x290: {  	s25 =	simm.s32 $0x880;
	s2 =	simm.s32 $0x7400  }
0x291: {  	[tilespmem:s2], [sflag:$0x1] =	stream.indirect.gather [spmem:s7], $0x18, s25, s15, $0xb8;
	[tilespmem:$0x14C00] =	vst v63  }
0x292: {  	_ = 	snop  }
0x293: {  	[tilespmem:s12], [sflag:$0x1] =	stream.indirect.gather [spmem:s10], $0x18, s25, s15, $0xb8;
	[tilespmem:$0x14C00] =	vst v63  }
0x294: {  	s8 =	simm.s32 $0x100;
	s16 =	simm.s32 $0x8C00  }
0x295: {  	[tilespmem:s16], [sflag:$0x1] =	stream.indirect.gather [spmem:s3], $0x10, s8, s15, $0xb8;
	[tilespmem:$0x14C00] =	vst v63  }
0x296: {  	s25 =	simm.s32 $0x9400  }
0x297: {  	[tilespmem:s25], [sflag:$0x1] =	stream.indirect.gather [spmem:s4], $0x10, s8, s15, $0xb8;
	[tilespmem:$0x14C00] =	vst v63  }
0x298: {  	s16 =	simm.s32 $0x9C00;
	s8 =	simm.s32 $0x500  }
0x299: {  	[tilespmem:s16], [sflag:$0x1] =	stream.indirect.gather [spmem:s5], $0x18, s8, s15, $0xb8;
	[tilespmem:$0x14C00] =	vst v63  }
0x29a: {  	s25 =	simm.s32 $0xA800  }
0x29b: {  	[tilespmem:s25], [sflag:$0x1] =	stream.indirect.gather [spmem:s6], $0x18, s8, s15, $0xb8;
	[tilespmem:$0x14C00] =	vst v63  }
0x29c: {  	s16 =	simm.s32 $0xB400;
	s8 =	simm.s32 $0x900  }
0x29d: {  	[tilespmem:s16], [sflag:$0x1] =	stream.indirect.gather [spmem:s7], $0x18, s8, s15, $0xb8;
	[tilespmem:$0x14C00] =	vst v63  }
0x29e: {  	s25 =	simm.s32 $0xC000  }
0x29f: {  	[tilespmem:s25], [sflag:$0x1] =	stream.indirect.gather [spmem:s10], $0x18, s8, s15, $0xb8;
	[tilespmem:$0x14C00] =	vst v63  }
0x2a0: {  	_ =	swait.ge [sflag:s14], $0x800  }
0x2a1: {  	[sflag:s14] =	ssyncset.done $0x0  }
0x2a2: {  	[sflag:s14] =	ssyncadd.s32 $0xFFFFF800  }
0x2a3: {  	_ =	swait.ge [sflag:s14], $0x800  }
0x2a4: {  	[sflag:s14] =	ssyncset.done $0x0  }
0x2a5: {  	[sflag:s14] =	ssyncadd.s32 $0xFFFFF800  }
0x2a6: {  	_ =	swait.ge [sflag:s14], $0xC00  }
0x2a7: {  	[sflag:s14] =	ssyncset.done $0x0  }
0x2a8: {  	[sflag:s14] =	ssyncadd.s32 $0xFFFFF400  }
0x2a9: {  	_ =	swait.ge [sflag:s14], $0xC00  }
0x2aa: {  	[sflag:s14] =	ssyncset.done $0x0  }
0x2ab: {  	[sflag:s14] =	ssyncadd.s32 $0xFFFFF400  }
0x2ac: {  	_ =	swait.ge [sflag:s14], $0xC00  }
0x2ad: {  	[sflag:s14] =	ssyncset.done $0x0  }
0x2ae: {  	[sflag:s14] =	ssyncadd.s32 $0xFFFFF400  }
0x2af: {  	_ =	swait.ge [sflag:s14], $0xC00  }
0x2b0: {  	s16 =	sld [smem:$0x7DD]  }
0x2b1: {  	[sflag:s14] =	ssyncset.done $0x0  }
0x2b2: {  	[sflag:s14] =	ssyncadd.s32 $0xFFFFF400  }
0x2b3: {  	[hbm4b:s16+s30] =	stream.strided.scatter [tilespmem:s17], [sflag:$0x2], $0x800, s15, s30, $0x38;
	[tilespmem:$0x14C00] =	vst v63  }
0x2b4: {  	s8 =	rddreg [dreg:$0x10]  }
0x2b5: {  	[hbm4b:s8+s30] =	stream.strided.scatter [tilespmem:s18], [sflag:$0x2], $0x800, s15, s30, $0x38;
	[tilespmem:$0x14C00] =	vst v63  }
0x2b6: {  	s25 =	rddreg [dreg:$0x11]  }
0x2b7: {  	[hbm4b:s25+s11] =	stream.strided.scatter [tilespmem:s19], [sflag:$0x2], $0xC00, s15, s11, $0x38;
	[tilespmem:$0x14C00] =	vst v63  }
0x2b8: {  	s8 =	rddreg [dreg:$0x12]  }
0x2b9: {  	[hbm4b:s8+s11] =	stream.strided.scatter [tilespmem:s21], [sflag:$0x2], $0xC00, s15, s11, $0x38;
	[tilespmem:$0x14C00] =	vst v63  }
0x2ba: {  	s16 =	rddreg [dreg:$0x13]  }
0x2bb: {  	[hbm4b:s16+s11] =	stream.strided.scatter [tilespmem:s22], [sflag:$0x2], $0xC00, s15, s11, $0x38;
	[tilespmem:$0x14C00] =	vst v63  }
0x2bc: {  	s25 =	rddreg [dreg:$0x14]  }
0x2bd: {  	[hbm4b:s25+s11] =	stream.strided.scatter [tilespmem:s23], [sflag:$0x2], $0xC00, s15, s11, $0x38;
	[tilespmem:$0x14C00] =	vst v63  }
0x2be: {  	_ =	swait.ge [sflag:s29], $0x800  }
0x2bf: {  	[sflag:s29] =	ssyncset.done $0x0  }
0x2c0: {  	[sflag:s29] =	ssyncadd.s32 $0xFFFFF800  }
0x2c1: {  	_ =	swait.ge [sflag:s29], $0x800  }
0x2c2: {  	[sflag:s29] =	ssyncset.done $0x0  }
0x2c3: {  	[sflag:s29] =	ssyncadd.s32 $0xFFFFF800  }
0x2c4: {  	_ =	swait.ge [sflag:s29], $0xC00  }
0x2c5: {  	[sflag:s29] =	ssyncset.done $0x0  }
0x2c6: {  	[sflag:s29] =	ssyncadd.s32 $0xFFFFF400  }
0x2c7: {  	_ =	swait.ge [sflag:s29], $0xC00  }
0x2c8: {  	[sflag:s29] =	ssyncset.done $0x0  }
0x2c9: {  	[sflag:s29] =	ssyncadd.s32 $0xFFFFF400  }
0x2ca: {  	_ =	swait.ge [sflag:s29], $0xC00  }
0x2cb: {  	[sflag:s29] =	ssyncset.done $0x0  }
0x2cc: {  	[sflag:s29] =	ssyncadd.s32 $0xFFFFF400  }
0x2cd: {  	_ =	swait.ge [sflag:s29], $0xC00  }
0x2ce: {  	[sflag:s29] =	ssyncset.done $0x0  }
0x2cf: {  	s8 =	simm.s32 $0x180;
	[sflag:s29] =	ssyncadd.s32 $0xFFFFF400  }
0x2d0: {  	[tilespmem:s17], [sflag:$0x1] =	stream.indirect.gather [spmem:s3], $0x10, s8, s15, $0xb8;
	[tilespmem:$0x14C00] =	vst v63  }
0x2d1: {  	_ = 	snop  }
0x2d2: {  	[tilespmem:s18], [sflag:$0x1] =	stream.indirect.gather [spmem:s4], $0x10, s8, s15, $0xb8;
	[tilespmem:$0x14C00] =	vst v63  }
0x2d3: {  	s16 =	simm.s32 $0x580  }
0x2d4: {  	[tilespmem:s19], [sflag:$0x1] =	stream.indirect.gather [spmem:s5], $0x18, s16, s15, $0xb8;
	[tilespmem:$0x14C00] =	vst v63  }
0x2d5: {  	_ = 	snop  }
0x2d6: {  	[tilespmem:s21], [sflag:$0x1] =	stream.indirect.gather [spmem:s6], $0x18, s16, s15, $0xb8;
	[tilespmem:$0x14C00] =	vst v63  }
0x2d7: {  	s25 =	simm.s32 $0x980  }
0x2d8: {  	[tilespmem:s22], [sflag:$0x1] =	stream.indirect.gather [spmem:s7], $0x18, s25, s15, $0xb8;
	[tilespmem:$0x14C00] =	vst v63  }
0x2d9: {  	_ = 	snop  }
0x2da: {  	[tilespmem:s23], [sflag:$0x1] =	stream.indirect.gather [spmem:s10], $0x18, s25, s15, $0xb8;
	[tilespmem:$0x14C00] =	vst v63  }
0x2db: {  	_ =	swait.ge [sflag:s14], $0x800  }
0x2dc: {  	[sflag:s14] =	ssyncset.done $0x0  }
0x2dd: {  	[sflag:s14] =	ssyncadd.s32 $0xFFFFF800  }
0x2de: {  	_ =	swait.ge [sflag:s14], $0x800  }
0x2df: {  	[sflag:s14] =	ssyncset.done $0x0  }
0x2e0: {  	[sflag:s14] =	ssyncadd.s32 $0xFFFFF800  }
0x2e1: {  	_ =	swait.ge [sflag:s14], $0xC00  }
0x2e2: {  	[sflag:s14] =	ssyncset.done $0x0  }
0x2e3: {  	[sflag:s14] =	ssyncadd.s32 $0xFFFFF400  }
0x2e4: {  	_ =	swait.ge [sflag:s14], $0xC00  }
0x2e5: {  	[sflag:s14] =	ssyncset.done $0x0  }
0x2e6: {  	[sflag:s14] =	ssyncadd.s32 $0xFFFFF400  }
0x2e7: {  	_ =	swait.ge [sflag:s14], $0xC00  }
0x2e8: {  	[sflag:s14] =	ssyncset.done $0x0  }
0x2e9: {  	[sflag:s14] =	ssyncadd.s32 $0xFFFFF400  }
0x2ea: {  	_ =	swait.ge [sflag:s14], $0xC00  }
0x2eb: {  	[sflag:s14] =	ssyncset.done $0x0  }
0x2ec: {  	s1 =	rddreg [dreg:$0x15];
	[sflag:s14] =	ssyncadd.s32 $0xFFFFF400  }
0x2ed: {  	[hbm4b:s1+s30] =	stream.strided.scatter [tilespmem:s24], [sflag:$0x2], $0x800, s15, s30, $0x38;
	[tilespmem:$0x14C00] =	vst v63  }
0x2ee: {  	s8 =	rddreg [dreg:$0x16]  }
0x2ef: {  	[hbm4b:s8+s30] =	stream.strided.scatter [tilespmem:s26], [sflag:$0x2], $0x800, s15, s30, $0x38;
	[tilespmem:$0x14C00] =	vst v63  }
0x2f0: {  	s16 =	rddreg [dreg:$0x17]  }
0x2f1: {  	[hbm4b:s16+s11] =	stream.strided.scatter [tilespmem:s28], [sflag:$0x2], $0xC00, s15, s11, $0x38;
	[tilespmem:$0x14C00] =	vst v63  }
0x2f2: {  	s25 =	rddreg [dreg:$0x18]  }
0x2f3: {  	[hbm4b:s25+s11] =	stream.strided.scatter [tilespmem:s20], [sflag:$0x2], $0xC00, s15, s11, $0x38;
	[tilespmem:$0x14C00] =	vst v63  }
0x2f4: {  	s2 =	simm.s32 $0x7400;
	s8 =	rddreg [dreg:$0x19]  }
0x2f5: {  	[hbm4b:s8+s11] =	stream.strided.scatter [tilespmem:s2], [sflag:$0x2], $0xC00, s15, s11, $0x38;
	[tilespmem:$0x14C00] =	vst v63  }
0x2f6: {  	s16 =	rddreg [dreg:$0x1a]  }
0x2f7: {  	[hbm4b:s16+s11] =	stream.strided.scatter [tilespmem:s12], [sflag:$0x2], $0xC00, s15, s11, $0x38;
	[tilespmem:$0x14C00] =	vst v63  }
0x2f8: {  	_ =	swait.ge [sflag:s29], $0x800  }
0x2f9: {  	[sflag:s29] =	ssyncset.done $0x0  }
0x2fa: {  	[sflag:s29] =	ssyncadd.s32 $0xFFFFF800  }
0x2fb: {  	_ =	swait.ge [sflag:s29], $0x800  }
0x2fc: {  	[sflag:s29] =	ssyncset.done $0x0  }
0x2fd: {  	[sflag:s29] =	ssyncadd.s32 $0xFFFFF800  }
0x2fe: {  	_ =	swait.ge [sflag:s29], $0xC00  }
0x2ff: {  	[sflag:s29] =	ssyncset.done $0x0  }
0x300: {  	[sflag:s29] =	ssyncadd.s32 $0xFFFFF400  }
0x301: {  	_ =	swait.ge [sflag:s29], $0xC00  }
0x302: {  	[sflag:s29] =	ssyncset.done $0x0  }
0x303: {  	[sflag:s29] =	ssyncadd.s32 $0xFFFFF400  }
0x304: {  	_ =	swait.ge [sflag:s29], $0xC00  }
0x305: {  	[sflag:s29] =	ssyncset.done $0x0  }
0x306: {  	[sflag:s29] =	ssyncadd.s32 $0xFFFFF400  }
0x307: {  	_ =	swait.ge [sflag:s29], $0xC00  }
0x308: {  	[sflag:s29] =	ssyncset.done $0x0  }
0x309: {  	s25 =	simm.s32 $0x200;
	[sflag:s29] =	ssyncadd.s32 $0xFFFFF400  }
0x30a: {  	[tilespmem:s24], [sflag:$0x1] =	stream.indirect.gather [spmem:s3], $0x10, s25, s15, $0xb8;
	[tilespmem:$0x14C00] =	vst v63  }
0x30b: {  	_ = 	snop  }
0x30c: {  	[tilespmem:s26], [sflag:$0x1] =	stream.indirect.gather [spmem:s4], $0x10, s25, s15, $0xb8;
	[tilespmem:$0x14C00] =	vst v63  }
0x30d: {  	s1 =	simm.s32 $0x600  }
0x30e: {  	[tilespmem:s28], [sflag:$0x1] =	stream.indirect.gather [spmem:s5], $0x18, s1, s15, $0xb8;
	[tilespmem:$0x14C00] =	vst v63  }
0x30f: {  	_ = 	snop  }
0x310: {  	[tilespmem:s20], [sflag:$0x1] =	stream.indirect.gather [spmem:s6], $0x18, s1, s15, $0xb8;
	[tilespmem:$0x14C00] =	vst v63  }
0x311: {  	s8 =	simm.s32 $0xA00  }
0x312: {  	[tilespmem:s2], [sflag:$0x1] =	stream.indirect.gather [spmem:s7], $0x18, s8, s15, $0xb8;
	[tilespmem:$0x14C00] =	vst v63  }
0x313: {  	_ = 	snop  }
0x314: {  	[tilespmem:s12], [sflag:$0x1] =	stream.indirect.gather [spmem:s10], $0x18, s8, s15, $0xb8;
	[tilespmem:$0x14C00] =	vst v63  }
0x315: {  	_ =	swait.ge [sflag:s14], $0x800  }
0x316: {  	[sflag:s14] =	ssyncset.done $0x0  }
0x317: {  	[sflag:s14] =	ssyncadd.s32 $0xFFFFF800  }
0x318: {  	_ =	swait.ge [sflag:s14], $0x800  }
0x319: {  	[sflag:s14] =	ssyncset.done $0x0  }
0x31a: {  	[sflag:s14] =	ssyncadd.s32 $0xFFFFF800  }
0x31b: {  	_ =	swait.ge [sflag:s14], $0xC00  }
0x31c: {  	[sflag:s14] =	ssyncset.done $0x0  }
0x31d: {  	[sflag:s14] =	ssyncadd.s32 $0xFFFFF400  }
0x31e: {  	_ =	swait.ge [sflag:s14], $0xC00  }
0x31f: {  	[sflag:s14] =	ssyncset.done $0x0  }
0x320: {  	[sflag:s14] =	ssyncadd.s32 $0xFFFFF400  }
0x321: {  	_ =	swait.ge [sflag:s14], $0xC00  }
0x322: {  	[sflag:s14] =	ssyncset.done $0x0  }
0x323: {  	[sflag:s14] =	ssyncadd.s32 $0xFFFFF400  }
0x324: {  	_ =	swait.ge [sflag:s14], $0xC00  }
0x325: {  	s16 =	rddreg [dreg:$0x1b];
	[sflag:s14] =	ssyncset.done $0x0  }
0x326: {  	s8 =	simm.s32 $0x8C00;
	s25 =	rddreg [dreg:$0x1c];
	[sflag:s14] =	ssyncadd.s32 $0xFFFFF400  }
0x327: {  	[hbm4b:s16+s30] =	stream.strided.scatter [tilespmem:s8], [sflag:$0x2], $0x800, s15, s30, $0x38;
	[tilespmem:$0x14C00] =	vst v63  }
0x328: {  	s2 =	simm.s32 $0x9400;
	s0 =	rddreg [dreg:$0x1d]  }
0x329: {  	[hbm4b:s25+s30] =	stream.strided.scatter [tilespmem:s2], [sflag:$0x2], $0x800, s15, s30, $0x38;
	[tilespmem:$0x14C00] =	vst v63  }
0x32a: {  	s1 =	sld [smem:$0x7DE];
	s25 =	simm.s32 $0x9C00  }
0x32b: {  	[hbm4b:s0+s11] =	stream.strided.scatter [tilespmem:s25], [sflag:$0x2], $0xC00, s15, s11, $0x38;
	[tilespmem:$0x14C00] =	vst v63  }
0x32c: {  	s16 =	rddreg [dreg:$0x1e]  }
0x32d: {  	[hbm4b:s16+s11] =	stream.strided.scatter [tilespmem:s31], [sflag:$0x2], $0xC00, s15, s11, $0x38;
	[tilespmem:$0x14C00] =	vst v63  }
0x32e: {  	s0 =	rddreg [dreg:$0x1f];
	s16 =	simm.s32 $0xB400  }
0x32f: {  	[hbm4b:s0+s11] =	stream.strided.scatter [tilespmem:s16], [sflag:$0x2], $0xC00, s15, s11, $0x38;
	[tilespmem:$0x14C00] =	vst v63  }
0x330: {  	_ = 	snop  }
0x331: {  	[hbm4b:s1+s11] =	stream.strided.scatter [tilespmem:s9], [sflag:$0x2], $0xC00, s15, s11, $0x38;
	[tilespmem:$0x14C00] =	vst v63  }
0x332: {  	_ =	swait.ge [sflag:s29], $0x800  }
0x333: {  	[sflag:s29] =	ssyncset.done $0x0  }
0x334: {  	[sflag:s29] =	ssyncadd.s32 $0xFFFFF800  }
0x335: {  	_ =	swait.ge [sflag:s29], $0x800  }
0x336: {  	[sflag:s29] =	ssyncset.done $0x0  }
0x337: {  	[sflag:s29] =	ssyncadd.s32 $0xFFFFF800  }
0x338: {  	_ =	swait.ge [sflag:s29], $0xC00  }
0x339: {  	[sflag:s29] =	ssyncset.done $0x0  }
0x33a: {  	[sflag:s29] =	ssyncadd.s32 $0xFFFFF400  }
0x33b: {  	_ =	swait.ge [sflag:s29], $0xC00  }
0x33c: {  	[sflag:s29] =	ssyncset.done $0x0  }
0x33d: {  	[sflag:s29] =	ssyncadd.s32 $0xFFFFF400  }
0x33e: {  	_ =	swait.ge [sflag:s29], $0xC00  }
0x33f: {  	[sflag:s29] =	ssyncset.done $0x0  }
0x340: {  	[sflag:s29] =	ssyncadd.s32 $0xFFFFF400  }
0x341: {  	_ =	swait.ge [sflag:s29], $0xC00  }
0x342: {  	[sflag:s29] =	ssyncset.done $0x0  }
0x343: {  	s1 =	simm.s32 $0x280;
	[sflag:s29] =	ssyncadd.s32 $0xFFFFF400  }
0x344: {  	[tilespmem:s8], [sflag:$0x1] =	stream.indirect.gather [spmem:s3], $0x10, s1, s15, $0xb8;
	[tilespmem:$0x14C00] =	vst v63  }
0x345: {  	_ = 	snop  }
0x346: {  	[tilespmem:s2], [sflag:$0x1] =	stream.indirect.gather [spmem:s4], $0x10, s1, s15, $0xb8;
	[tilespmem:$0x14C00] =	vst v63  }
0x347: {  	s1 =	simm.s32 $0x680  }
0x348: {  	[tilespmem:s25], [sflag:$0x1] =	stream.indirect.gather [spmem:s5], $0x18, s1, s15, $0xb8;
	[tilespmem:$0x14C00] =	vst v63  }
0x349: {  	_ = 	snop  }
0x34a: {  	[tilespmem:s31], [sflag:$0x1] =	stream.indirect.gather [spmem:s6], $0x18, s1, s15, $0xb8;
	[tilespmem:$0x14C00] =	vst v63  }
0x34b: {  	s2 =	simm.s32 $0xA80  }
0x34c: {  	[tilespmem:s16], [sflag:$0x1] =	stream.indirect.gather [spmem:s7], $0x18, s2, s15, $0xb8;
	[tilespmem:$0x14C00] =	vst v63  }
0x34d: {  	_ = 	snop  }
0x34e: {  	[tilespmem:s9], [sflag:$0x1] =	stream.indirect.gather [spmem:s10], $0x18, s2, s15, $0xb8;
	[tilespmem:$0x14C00] =	vst v63  }
0x34f: {  	_ =	swait.ge [sflag:s14], $0x800  }
0x350: {  	[sflag:s14] =	ssyncset.done $0x0  }
0x351: {  	[sflag:s14] =	ssyncadd.s32 $0xFFFFF800  }
0x352: {  	_ =	swait.ge [sflag:s14], $0x800  }
0x353: {  	[sflag:s14] =	ssyncset.done $0x0  }
0x354: {  	[sflag:s14] =	ssyncadd.s32 $0xFFFFF800  }
0x355: {  	_ =	swait.ge [sflag:s14], $0xC00  }
0x356: {  	[sflag:s14] =	ssyncset.done $0x0  }
0x357: {  	[sflag:s14] =	ssyncadd.s32 $0xFFFFF400  }
0x358: {  	_ =	swait.ge [sflag:s14], $0xC00  }
0x359: {  	[sflag:s14] =	ssyncset.done $0x0  }
0x35a: {  	[sflag:s14] =	ssyncadd.s32 $0xFFFFF400  }
0x35b: {  	_ =	swait.ge [sflag:s14], $0xC00  }
0x35c: {  	[sflag:s14] =	ssyncset.done $0x0  }
0x35d: {  	[sflag:s14] =	ssyncadd.s32 $0xFFFFF400  }
0x35e: {  	_ =	swait.ge [sflag:s14], $0xC00  }
0x35f: {  	s1 =	sld [smem:$0x7DF]  }
0x360: {  	[sflag:s14] =	ssyncset.done $0x0  }
0x361: {  	s2 =	sld [smem:$0x7E0];
	[sflag:s14] =	ssyncadd.s32 $0xFFFFF400  }
0x362: {  	[hbm4b:s1+s30] =	stream.strided.scatter [tilespmem:s17], [sflag:$0x2], $0x800, s15, s30, $0x38;
	[tilespmem:$0x14C00] =	vst v63  }
0x363: {  	s0 =	sld [smem:$0x7E1]  }
0x364: {  	[hbm4b:s2+s30] =	stream.strided.scatter [tilespmem:s18], [sflag:$0x2], $0x800, s15, s30, $0x38;
	[tilespmem:$0x14C00] =	vst v63  }
0x365: {  	s2 =	sld [smem:$0x7E2]  }
0x366: {  	[hbm4b:s0+s11] =	stream.strided.scatter [tilespmem:s19], [sflag:$0x2], $0xC00, s15, s11, $0x38;
	[tilespmem:$0x14C00] =	vst v63  }
0x367: {  	s0 =	sld [smem:$0x7E3]  }
0x368: {  	[hbm4b:s2+s11] =	stream.strided.scatter [tilespmem:s21], [sflag:$0x2], $0xC00, s15, s11, $0x38;
	[tilespmem:$0x14C00] =	vst v63  }
0x369: {  	s2 =	sld [smem:$0x7E4]  }
0x36a: {  	[hbm4b:s0+s11] =	stream.strided.scatter [tilespmem:s22], [sflag:$0x2], $0xC00, s15, s11, $0x38;
	[tilespmem:$0x14C00] =	vst v63  }
0x36b: {  	_ = 	snop  }
0x36c: {  	[hbm4b:s2+s11] =	stream.strided.scatter [tilespmem:s23], [sflag:$0x2], $0xC00, s15, s11, $0x38;
	[tilespmem:$0x14C00] =	vst v63  }
0x36d: {  	_ =	swait.ge [sflag:s29], $0x800  }
0x36e: {  	[sflag:s29] =	ssyncset.done $0x0  }
0x36f: {  	[sflag:s29] =	ssyncadd.s32 $0xFFFFF800  }
0x370: {  	_ =	swait.ge [sflag:s29], $0x800  }
0x371: {  	[sflag:s29] =	ssyncset.done $0x0  }
0x372: {  	[sflag:s29] =	ssyncadd.s32 $0xFFFFF800  }
0x373: {  	_ =	swait.ge [sflag:s29], $0xC00  }
0x374: {  	[sflag:s29] =	ssyncset.done $0x0  }
0x375: {  	[sflag:s29] =	ssyncadd.s32 $0xFFFFF400  }
0x376: {  	_ =	swait.ge [sflag:s29], $0xC00  }
0x377: {  	[sflag:s29] =	ssyncset.done $0x0  }
0x378: {  	[sflag:s29] =	ssyncadd.s32 $0xFFFFF400  }
0x379: {  	_ =	swait.ge [sflag:s29], $0xC00  }
0x37a: {  	[sflag:s29] =	ssyncset.done $0x0  }
0x37b: {  	[sflag:s29] =	ssyncadd.s32 $0xFFFFF400  }
0x37c: {  	_ =	swait.ge [sflag:s29], $0xC00  }
0x37d: {  	[sflag:s29] =	ssyncset.done $0x0  }
0x37e: {  	s2 =	simm.s32 $0x300;
	[sflag:s29] =	ssyncadd.s32 $0xFFFFF400  }
0x37f: {  	[tilespmem:s17], [sflag:$0x1] =	stream.indirect.gather [spmem:s3], $0x10, s2, s15, $0xb8;
	[tilespmem:$0x14C00] =	vst v63  }
0x380: {  	_ = 	snop  }
0x381: {  	[tilespmem:s18], [sflag:$0x1] =	stream.indirect.gather [spmem:s4], $0x10, s2, s15, $0xb8;
	[tilespmem:$0x14C00] =	vst v63  }
0x382: {  	s1 =	simm.s32 $0x700  }
0x383: {  	[tilespmem:s19], [sflag:$0x1] =	stream.indirect.gather [spmem:s5], $0x18, s1, s15, $0xb8;
	[tilespmem:$0x14C00] =	vst v63  }
0x384: {  	_ = 	snop  }
0x385: {  	[tilespmem:s21], [sflag:$0x1] =	stream.indirect.gather [spmem:s6], $0x18, s1, s15, $0xb8;
	[tilespmem:$0x14C00] =	vst v63  }
0x386: {  	s2 =	simm.s32 $0xB00  }
0x387: {  	[tilespmem:s22], [sflag:$0x1] =	stream.indirect.gather [spmem:s7], $0x18, s2, s15, $0xb8;
	[tilespmem:$0x14C00] =	vst v63  }
0x388: {  	_ = 	snop  }
0x389: {  	[tilespmem:s23], [sflag:$0x1] =	stream.indirect.gather [spmem:s10], $0x18, s2, s15, $0xb8;
	[tilespmem:$0x14C00] =	vst v63  }
0x38a: {  	_ =	swait.ge [sflag:s14], $0x800  }
0x38b: {  	[sflag:s14] =	ssyncset.done $0x0  }
0x38c: {  	[sflag:s14] =	ssyncadd.s32 $0xFFFFF800  }
0x38d: {  	_ =	swait.ge [sflag:s14], $0x800  }
0x38e: {  	[sflag:s14] =	ssyncset.done $0x0  }
0x38f: {  	[sflag:s14] =	ssyncadd.s32 $0xFFFFF800  }
0x390: {  	_ =	swait.ge [sflag:s14], $0xC00  }
0x391: {  	[sflag:s14] =	ssyncset.done $0x0  }
0x392: {  	[sflag:s14] =	ssyncadd.s32 $0xFFFFF400  }
0x393: {  	_ =	swait.ge [sflag:s14], $0xC00  }
0x394: {  	[sflag:s14] =	ssyncset.done $0x0  }
0x395: {  	[sflag:s14] =	ssyncadd.s32 $0xFFFFF400  }
0x396: {  	_ =	swait.ge [sflag:s14], $0xC00  }
0x397: {  	[sflag:s14] =	ssyncset.done $0x0  }
0x398: {  	[sflag:s14] =	ssyncadd.s32 $0xFFFFF400  }
0x399: {  	_ =	swait.ge [sflag:s14], $0xC00  }
0x39a: {  	s1 =	sld [smem:$0x7E5]  }
0x39b: {  	[sflag:s14] =	ssyncset.done $0x0  }
0x39c: {  	s2 =	sld [smem:$0x7E6];
	[sflag:s14] =	ssyncadd.s32 $0xFFFFF400  }
0x39d: {  	[hbm4b:s1+s30] =	stream.strided.scatter [tilespmem:s24], [sflag:$0x2], $0x800, s15, s30, $0x38;
	[tilespmem:$0x14C00] =	vst v63  }
0x39e: {  	s0 =	sld [smem:$0x7E7]  }
0x39f: {  	[hbm4b:s2+s30] =	stream.strided.scatter [tilespmem:s26], [sflag:$0x2], $0x800, s15, s30, $0x38;
	[tilespmem:$0x14C00] =	vst v63  }
0x3a0: {  	s2 =	sld [smem:$0x7E8]  }
0x3a1: {  	[hbm4b:s0+s11] =	stream.strided.scatter [tilespmem:s28], [sflag:$0x2], $0xC00, s15, s11, $0x38;
	[tilespmem:$0x14C00] =	vst v63  }
0x3a2: {  	s0 =	sld [smem:$0x7E9]  }
0x3a3: {  	[hbm4b:s2+s11] =	stream.strided.scatter [tilespmem:s20], [sflag:$0x2], $0xC00, s15, s11, $0x38;
	[tilespmem:$0x14C00] =	vst v63  }
0x3a4: {  	s1 =	sld [smem:$0x7EA];
	s2 =	simm.s32 $0x7400  }
0x3a5: {  	[hbm4b:s0+s11] =	stream.strided.scatter [tilespmem:s2], [sflag:$0x2], $0xC00, s15, s11, $0x38;
	[tilespmem:$0x14C00] =	vst v63  }
0x3a6: {  	_ = 	snop  }
0x3a7: {  	[hbm4b:s1+s11] =	stream.strided.scatter [tilespmem:s12], [sflag:$0x2], $0xC00, s15, s11, $0x38;
	[tilespmem:$0x14C00] =	vst v63  }
0x3a8: {  	_ =	swait.ge [sflag:s29], $0x800  }
0x3a9: {  	[sflag:s29] =	ssyncset.done $0x0  }
0x3aa: {  	[sflag:s29] =	ssyncadd.s32 $0xFFFFF800  }
0x3ab: {  	_ =	swait.ge [sflag:s29], $0x800  }
0x3ac: {  	[sflag:s29] =	ssyncset.done $0x0  }
0x3ad: {  	[sflag:s29] =	ssyncadd.s32 $0xFFFFF800  }
0x3ae: {  	_ =	swait.ge [sflag:s29], $0xC00  }
0x3af: {  	[sflag:s29] =	ssyncset.done $0x0  }
0x3b0: {  	[sflag:s29] =	ssyncadd.s32 $0xFFFFF400  }
0x3b1: {  	_ =	swait.ge [sflag:s29], $0xC00  }
0x3b2: {  	[sflag:s29] =	ssyncset.done $0x0  }
0x3b3: {  	[sflag:s29] =	ssyncadd.s32 $0xFFFFF400  }
0x3b4: {  	_ =	swait.ge [sflag:s29], $0xC00  }
0x3b5: {  	[sflag:s29] =	ssyncset.done $0x0  }
0x3b6: {  	[sflag:s29] =	ssyncadd.s32 $0xFFFFF400  }
0x3b7: {  	_ =	swait.ge [sflag:s29], $0xC00  }
0x3b8: {  	[sflag:s29] =	ssyncset.done $0x0  }
0x3b9: {  	s1 =	simm.s32 $0x380;
	[sflag:s29] =	ssyncadd.s32 $0xFFFFF400  }
0x3ba: {  	[tilespmem:s24], [sflag:$0x1] =	stream.indirect.gather [spmem:s3], $0x10, s1, s15, $0xb8;
	[tilespmem:$0x14C00] =	vst v63  }
0x3bb: {  	_ = 	snop  }
0x3bc: {  	[tilespmem:s26], [sflag:$0x1] =	stream.indirect.gather [spmem:s4], $0x10, s1, s15, $0xb8;
	[tilespmem:$0x14C00] =	vst v63  }
0x3bd: {  	s1 =	simm.s32 $0x780  }
0x3be: {  	[tilespmem:s28], [sflag:$0x1] =	stream.indirect.gather [spmem:s5], $0x18, s1, s15, $0xb8;
	[tilespmem:$0x14C00] =	vst v63  }
0x3bf: {  	_ = 	snop  }
0x3c0: {  	[tilespmem:s20], [sflag:$0x1] =	stream.indirect.gather [spmem:s6], $0x18, s1, s15, $0xb8;
	[tilespmem:$0x14C00] =	vst v63  }
0x3c1: {  	s3 =	simm.s32 $0xB80  }
0x3c2: {  	[tilespmem:s2], [sflag:$0x1] =	stream.indirect.gather [spmem:s7], $0x18, s3, s15, $0xb8;
	[tilespmem:$0x14C00] =	vst v63  }
0x3c3: {  	_ = 	snop  }
0x3c4: {  	[tilespmem:s12], [sflag:$0x1] =	stream.indirect.gather [spmem:s10], $0x18, s3, s15, $0xb8;
	[tilespmem:$0x14C00] =	vst v63  }
0x3c5: {  	_ =	swait.ge [sflag:s14], $0x800  }
0x3c6: {  	[sflag:s14] =	ssyncset.done $0x0  }
0x3c7: {  	[sflag:s14] =	ssyncadd.s32 $0xFFFFF800  }
0x3c8: {  	_ =	swait.ge [sflag:s14], $0x800  }
0x3c9: {  	[sflag:s14] =	ssyncset.done $0x0  }
0x3ca: {  	[sflag:s14] =	ssyncadd.s32 $0xFFFFF800  }
0x3cb: {  	_ =	swait.ge [sflag:s14], $0xC00  }
0x3cc: {  	[sflag:s14] =	ssyncset.done $0x0  }
0x3cd: {  	[sflag:s14] =	ssyncadd.s32 $0xFFFFF400  }
0x3ce: {  	_ =	swait.ge [sflag:s14], $0xC00  }
0x3cf: {  	[sflag:s14] =	ssyncset.done $0x0  }
0x3d0: {  	[sflag:s14] =	ssyncadd.s32 $0xFFFFF400  }
0x3d1: {  	_ =	swait.ge [sflag:s14], $0xC00  }
0x3d2: {  	[sflag:s14] =	ssyncset.done $0x0  }
0x3d3: {  	[sflag:s14] =	ssyncadd.s32 $0xFFFFF400  }
0x3d4: {  	_ =	swait.ge [sflag:s14], $0xC00  }
0x3d5: {  	s4 =	sld [smem:$0x7EB]  }
0x3d6: {  	[sflag:s14] =	ssyncset.done $0x0  }
0x3d7: {  	s6 =	simm.s32 $0x8C00;
	s5 =	sld [smem:$0x7EC];
	[sflag:s14] =	ssyncadd.s32 $0xFFFFF400  }
0x3d8: {  	[hbm4b:s4+s30] =	stream.strided.scatter [tilespmem:s6], [sflag:$0x2], $0x800, s15, s30, $0x38;
	[tilespmem:$0x14C00] =	vst v63  }
0x3d9: {  	s10 =	simm.s32 $0x9400;
	s7 =	sld [smem:$0x7ED]  }
0x3da: {  	[hbm4b:s5+s30] =	stream.strided.scatter [tilespmem:s10], [sflag:$0x2], $0x800, s15, s30, $0x38;
	[tilespmem:$0x14C00] =	vst v63  }
0x3db: {  	s4 =	sld [smem:$0x7EE];
	s5 =	simm.s32 $0x9C00  }
0x3dc: {  	[hbm4b:s7+s11] =	stream.strided.scatter [tilespmem:s5], [sflag:$0x2], $0xC00, s15, s11, $0x38;
	[tilespmem:$0x14C00] =	vst v63  }
0x3dd: {  	s25 =	simm.s32 $0xA800;
	s6 =	sld [smem:$0x7EF]  }
0x3de: {  	[hbm4b:s4+s11] =	stream.strided.scatter [tilespmem:s25], [sflag:$0x2], $0xC00, s15, s11, $0x38;
	[tilespmem:$0x14C00] =	vst v63  }
0x3df: {  	s8 =	simm.s32 $0xB400;
	s7 =	sld [smem:$0x7F0]  }
0x3e0: {  	[hbm4b:s6+s11] =	stream.strided.scatter [tilespmem:s8], [sflag:$0x2], $0xC00, s15, s11, $0x38;
	[tilespmem:$0x14C00] =	vst v63  }
0x3e1: {  	s16 =	simm.s32 $0xC000  }
0x3e2: {  	[hbm4b:s7+s11] =	stream.strided.scatter [tilespmem:s16], [sflag:$0x2], $0xC00, s15, s11, $0x38;
	[tilespmem:$0x14C00] =	vst v63  }
0x3e3: {  	_ =	swait.ge [sflag:s14], $0x800  }
0x3e4: {  	[sflag:s14] =	ssyncset.done $0x0  }
0x3e5: {  	[sflag:s14] =	ssyncadd.s32 $0xFFFFF800  }
0x3e6: {  	_ =	swait.ge [sflag:s14], $0x800  }
0x3e7: {  	[sflag:s14] =	ssyncset.done $0x0  }
0x3e8: {  	[sflag:s14] =	ssyncadd.s32 $0xFFFFF800  }
0x3e9: {  	_ =	swait.ge [sflag:s14], $0xC00  }
0x3ea: {  	[sflag:s14] =	ssyncset.done $0x0  }
0x3eb: {  	[sflag:s14] =	ssyncadd.s32 $0xFFFFF400  }
0x3ec: {  	_ =	swait.ge [sflag:s14], $0xC00  }
0x3ed: {  	[sflag:s14] =	ssyncset.done $0x0  }
0x3ee: {  	[sflag:s14] =	ssyncadd.s32 $0xFFFFF400  }
0x3ef: {  	_ =	swait.ge [sflag:s14], $0xC00  }
0x3f0: {  	[sflag:s14] =	ssyncset.done $0x0  }
0x3f1: {  	[sflag:s14] =	ssyncadd.s32 $0xFFFFF400  }
0x3f2: {  	_ =	swait.ge [sflag:s14], $0xC00  }
0x3f3: {  	s10 =	sld [smem:$0x7F1]  }
0x3f4: {  	[sflag:s14] =	ssyncset.done $0x0  }
0x3f5: {  	s16 =	sld [smem:$0x7F2];
	[sflag:s14] =	ssyncadd.s32 $0xFFFFF400  }
0x3f6: {  	[hbm4b:s10+s30] =	stream.strided.scatter [tilespmem:s17], [sflag:$0x2], $0x800, s15, s30, $0x38;
	[tilespmem:$0x14C00] =	vst v63  }
0x3f7: {  	s25 =	sld [smem:$0x7F3]  }
0x3f8: {  	[hbm4b:s16+s30] =	stream.strided.scatter [tilespmem:s18], [sflag:$0x2], $0x800, s15, s30, $0x38;
	[tilespmem:$0x14C00] =	vst v63  }
0x3f9: {  	s3 =	sld [smem:$0x7F4]  }
0x3fa: {  	[hbm4b:s25+s11] =	stream.strided.scatter [tilespmem:s19], [sflag:$0x2], $0xC00, s15, s11, $0x38;
	[tilespmem:$0x14C00] =	vst v63  }
0x3fb: {  	s4 =	sld [smem:$0x7F5]  }
0x3fc: {  	[hbm4b:s3+s11] =	stream.strided.scatter [tilespmem:s21], [sflag:$0x2], $0xC00, s15, s11, $0x38;
	[tilespmem:$0x14C00] =	vst v63  }
0x3fd: {  	s5 =	sld [smem:$0x7F6]  }
0x3fe: {  	[hbm4b:s4+s11] =	stream.strided.scatter [tilespmem:s22], [sflag:$0x2], $0xC00, s15, s11, $0x38;
	[tilespmem:$0x14C00] =	vst v63  }
0x3ff: {  	_ = 	snop  }
0x400: {  	[hbm4b:s5+s11] =	stream.strided.scatter [tilespmem:s23], [sflag:$0x2], $0xC00, s15, s11, $0x38;
	[tilespmem:$0x14C00] =	vst v63  }
0x401: {  	_ =	swait.ge [sflag:s14], $0x800  }
0x402: {  	[sflag:s14] =	ssyncset.done $0x0  }
0x403: {  	[sflag:s14] =	ssyncadd.s32 $0xFFFFF800  }
0x404: {  	_ =	swait.ge [sflag:s14], $0x800  }
0x405: {  	[sflag:s14] =	ssyncset.done $0x0  }
0x406: {  	[sflag:s14] =	ssyncadd.s32 $0xFFFFF800  }
0x407: {  	_ =	swait.ge [sflag:s14], $0xC00  }
0x408: {  	[sflag:s14] =	ssyncset.done $0x0  }
0x409: {  	[sflag:s14] =	ssyncadd.s32 $0xFFFFF400  }
0x40a: {  	_ =	swait.ge [sflag:s14], $0xC00  }
0x40b: {  	[sflag:s14] =	ssyncset.done $0x0  }
0x40c: {  	[sflag:s14] =	ssyncadd.s32 $0xFFFFF400  }
0x40d: {  	_ =	swait.ge [sflag:s14], $0xC00  }
0x40e: {  	[sflag:s14] =	ssyncset.done $0x0  }
0x40f: {  	[sflag:s14] =	ssyncadd.s32 $0xFFFFF400  }
0x410: {  	_ =	swait.ge [sflag:s14], $0xC00  }
0x411: {  	s6 =	sld [smem:$0x7F7]  }
0x412: {  	[sflag:s14] =	ssyncset.done $0x0  }
0x413: {  	s7 =	sld [smem:$0x7F8];
	[sflag:s14] =	ssyncadd.s32 $0xFFFFF400  }
0x414: {  	[hbm4b:s6+s30] =	stream.strided.scatter [tilespmem:s24], [sflag:$0x2], $0x800, s15, s30, $0x38;
	[tilespmem:$0x14C00] =	vst v63  }
0x415: {  	s8 =	sld [smem:$0x7F9]  }
0x416: {  	[hbm4b:s7+s30] =	stream.strided.scatter [tilespmem:s26], [sflag:$0x2], $0x800, s15, s30, $0x38;
	[tilespmem:$0x14C00] =	vst v63  }
0x417: {  	s10 =	sld [smem:$0x7FA]  }
0x418: {  	[hbm4b:s8+s11] =	stream.strided.scatter [tilespmem:s28], [sflag:$0x2], $0xC00, s15, s11, $0x38;
	[tilespmem:$0x14C00] =	vst v63  }
0x419: {  	s16 =	sld [smem:$0x7FB]  }
0x41a: {  	[hbm4b:s10+s11] =	stream.strided.scatter [tilespmem:s20], [sflag:$0x2], $0xC00, s15, s11, $0x38;
	[tilespmem:$0x14C00] =	vst v63  }
0x41b: {  	s2 =	simm.s32 $0x7400;
	s25 =	sld [smem:$0x7FC]  }
0x41c: {  	[hbm4b:s16+s11] =	stream.strided.scatter [tilespmem:s2], [sflag:$0x2], $0xC00, s15, s11, $0x38;
	[tilespmem:$0x14C00] =	vst v63  }
0x41d: {  	_ = 	snop  }
0x41e: {  	[hbm4b:s25+s11] =	stream.strided.scatter [tilespmem:s12], [sflag:$0x2], $0xC00, s15, s11, $0x38;
	[tilespmem:$0x14C00] =	vst v63  }
0x41f: {  	_ =	swait.ge [sflag:s29], $0x800  }
0x420: {  	[sflag:s29] =	ssyncset.done $0x0  }
0x421: {  	[sflag:s29] =	ssyncadd.s32 $0xFFFFF800  }
0x422: {  	_ =	swait.ge [sflag:s29], $0x800  }
0x423: {  	[sflag:s29] =	ssyncset.done $0x0  }
0x424: {  	[sflag:s29] =	ssyncadd.s32 $0xFFFFF800  }
0x425: {  	_ =	swait.ge [sflag:s29], $0xC00  }
0x426: {  	[sflag:s29] =	ssyncset.done $0x0  }
0x427: {  	[sflag:s29] =	ssyncadd.s32 $0xFFFFF400  }
0x428: {  	_ =	swait.ge [sflag:s29], $0xC00  }
0x429: {  	[sflag:s29] =	ssyncset.done $0x0  }
0x42a: {  	[sflag:s29] =	ssyncadd.s32 $0xFFFFF400  }
0x42b: {  	_ =	swait.ge [sflag:s29], $0xC00  }
0x42c: {  	[sflag:s29] =	ssyncset.done $0x0  }
0x42d: {  	[sflag:s29] =	ssyncadd.s32 $0xFFFFF400  }
0x42e: {  	_ =	swait.ge [sflag:s29], $0xC00  }
0x42f: {  	[sflag:s29] =	ssyncset.done $0x0  }
0x430: {  	[sflag:s29] =	ssyncadd.s32 $0xFFFFF400  }
0x431: {  	_ =	swait.ge [sflag:s29], $0x800  }
0x432: {  	[sflag:s29] =	ssyncset.done $0x0  }
0x433: {  	[sflag:s29] =	ssyncadd.s32 $0xFFFFF800  }
0x434: {  	_ =	swait.ge [sflag:s29], $0x800  }
0x435: {  	[sflag:s29] =	ssyncset.done $0x0  }
0x436: {  	[sflag:s29] =	ssyncadd.s32 $0xFFFFF800  }
0x437: {  	_ =	swait.ge [sflag:s29], $0xC00  }
0x438: {  	[sflag:s29] =	ssyncset.done $0x0  }
0x439: {  	[sflag:s29] =	ssyncadd.s32 $0xFFFFF400  }
0x43a: {  	_ =	swait.ge [sflag:s29], $0xC00  }
0x43b: {  	[sflag:s29] =	ssyncset.done $0x0  }
0x43c: {  	[sflag:s29] =	ssyncadd.s32 $0xFFFFF400  }
0x43d: {  	p0 =	sne.s32 s13, $0x1;
	_ =	swait.ge [sflag:s29], $0xC00  }
.Ltmp1:
0x43e: {  	[sflag:s29] =	ssyncset.done $0x0;
	(pc) =	sbr.rel @p0 .LBB2_2-.Ltmp1, $4  }
0x43f: {  	[sflag:s29] =	ssyncadd.s32 $0xFFFFF400  }
0x440: {  	_ =	swait.ge [sflag:s29], $0xC00  }
0x441: {  	[sflag:s29] =	ssyncset.done $0x0  }
0x442: {  	s13 =	sadd.s32 $0xFFFFFFFF, s13;
	[sflag:s29] =	ssyncadd.s32 $0xFFFFF400  }
.LBB2_3:
0x443: {  	_ =	swait.ge [sflag:s29], $0x800  }
0x444: {  	[sflag:s29] =	ssyncset.done $0x0  }
0x445: {  	[sflag:s29] =	ssyncadd.s32 $0xFFFFF800  }
0x446: {  	_ =	swait.ge [sflag:s29], $0x800  }
0x447: {  	[sflag:s29] =	ssyncset.done $0x0  }
0x448: {  	[sflag:s29] =	ssyncadd.s32 $0xFFFFF800  }
0x449: {  	_ =	swait.ge [sflag:s29], $0xC00  }
0x44a: {  	[sflag:s29] =	ssyncset.done $0x0  }
0x44b: {  	[sflag:s29] =	ssyncadd.s32 $0xFFFFF400  }
0x44c: {  	_ =	swait.ge [sflag:s29], $0xC00  }
0x44d: {  	[sflag:s29] =	ssyncset.done $0x0  }
0x44e: {  	[sflag:s29] =	ssyncadd.s32 $0xFFFFF400  }
0x44f: {  	_ =	swait.ge [sflag:s29], $0xC00  }
0x450: {  	[sflag:s29] =	ssyncset.done $0x0  }
0x451: {  	[sflag:s29] =	ssyncadd.s32 $0xFFFFF400  }
0x452: {  	_ =	swait.ge [sflag:s29], $0xC00  }
0x453: {  	[sflag:s29] =	ssyncset.done $0x0  }
0x454: {  	[sflag:s29] =	ssyncadd.s32 $0xFFFFF400  }
0x455: {  	_ =	sfence.sel $0x180000  }
0x456: {  	[bflag:$0x0] =	sbarrier.arrive $0xFFFF  }
0x457: {  	_ =	strace $0x90000047  }
0x458: {  	s0 =	stileid.u32;
	[bflag:$0x2] =	sbarrier.arrive $0xFFFF  }
0x459: {  	p0 =	sne.s32 s0, $0x0;
	s0 =	rddreg [dreg:$0x8]  }
0x45a: {  	s0 =	sadd.s32 @!p0 $0x100000, s0  }
0x45b: {  	[sflag:s0] =	ssyncadd.tile.s32 @!p0 $0x1;
	_ =	shalt  }
.Lfunc_end2:
_tile_overlayer_lowered:
.L_overlay_start_2:
0x45c: {  	(tag) =	ssettag $0x2  }
0x45d: {  	s0 =	rddreg [dreg:$0x0];
	s2 =	stileid.u32  }
0x45e: {  	s1 =	rddreg [dreg:$0x1];
	p0 =	sne.s32 s2, $0x0  }
0x45f: {  	s3 =	rddreg [dreg:$0x2];
	[bflag:$0x3] =	sbarrier.arrive $0xFFFF;
	s2 =	simm.s32 @!p0 $0x1C03  }
0x460: {  	[timem:s3], [sflag:s2] =	dma.local @!p0 [hbm:s0], s1  }
0x461: {  	s0 =	simm.s32 @!p0 $0x3  }
0x462: {  	_ =	swait.ge @!p0 [sflag:s0], s1  }
0x463: {  	s1 =	ssub.s32 @!p0 $0x0, s1;
	[sflag:s0] =	ssyncset.done @!p0 $0x0  }
0x464: {  	[sflag:s0] =	ssyncadd.s32 @!p0 s1  }
0x465: {  	[bflag:$0x3] =	sbarrier.arrive $0xFFFF  }
0x466: {  	_ =	shalt  }

</sc_bundles>
